<compile_context>
chip_gen: v7x
topology: tpu7x:2x2x1
jax: 0.10.2.dev20260603
libtpu: 0.0.44.dev20260713+nightly
codegen_flags: <defaults>
</compile_context>

<pallas_src>
import functools

import numpy as np
import jax
import jax.numpy as jnp
from jax import lax
from jax.experimental import pallas as pl
from jax.experimental.pallas import tpu as pltpu
from jax.experimental.pallas import tpu_sc as plsc

_N = 10000
_F = 128
_NC, _NS = 2, 16
_NW = _NC * _NS
_E_TOT = 320000 + _N
_E_PAD = 331776
_RPT = 632
_NPAD = _NS * _RPT

_f32 = jnp.float32
_i32 = jnp.int32


def _make_edge_kernel(H, C, K, nchunk, split):
    HC = H * C
    WS = HC + 16
    mesh = plsc.VectorSubcoreMesh(core_axis_name="c", subcore_axis_name="s")

    def body(tsrc, tdst, eidx_h, out_h,
             cidx0, cidx1, rows0, rows1, arows0, arows1, acc,
             sem_i0, sem_i1, sem_s0, sem_s1, sem_a0, sem_a1):
        cid = lax.axis_index("c")
        sid = lax.axis_index("s")
        g = sid if split else cid * _NS + sid
        tsrc_c = tsrc.at[cid] if split else tsrc
        tdst_c = tdst.at[cid] if split else tdst
        iota = lax.iota(_i32, 16)

        zv = iota.astype(_f32) * 0.0

        def z_body(r, c):
            for col in range(WS // 16):
                rows0[r, pl.ds(col * 16, 16)] = zv
            return c
        lax.fori_loop(0, K, z_body, 0)
        nfull, nrem = _RPT // K, _RPT % K
        for b in range(nfull):
            pltpu.sync_copy(rows0, acc.at[pl.ds(sid * _RPT + b * K, K)])
        if nrem:
            pltpu.sync_copy(rows0.at[pl.ds(0, nrem)],
                            acc.at[pl.ds(sid * _RPT + nfull * K, nrem)])
        plsc.subcore_barrier()

        bufs = ((cidx0, rows0, arows0, sem_i0, sem_s0, sem_a0),
                (cidx1, rows1, arows1, sem_i1, sem_s1, sem_a1))

        def start_idx(j, b):
            cidx, _, _, si, _, _ = bufs[b]
            pltpu.async_copy(eidx_h.at[g, j], cidx, si)

        def wait_idx(j, b):
            cidx, _, _, si, _, _ = bufs[b]
            pltpu.make_async_copy(eidx_h.at[g, j], cidx, si).wait()

        def start_gather(b):
            cidx, rows, arows, _, ss, sa = bufs[b]
            pltpu.async_copy(tsrc_c.at[cidx.at[0]], rows, ss)
            pltpu.async_copy(tdst_c.at[cidx.at[1]], arows, sa)

        def wait_gather(b):
            cidx, rows, arows, _, ss, sa = bufs[b]
            pltpu.make_async_copy(tsrc_c.at[cidx.at[0]], rows, ss).wait()
            pltpu.make_async_copy(tdst_c.at[cidx.at[1]], arows, sa).wait()

        def compute_scatter(b):
            cidx, rows, arows, _, _, _ = bufs[b]

            @plsc.parallel_loop(0, K, 1, unroll=4)
            def e_body(e):
                av = rows[e, pl.ds(HC, 16)]
                bv = arows[e, pl.ds(0, 16)]
                a = av + bv
                a = jnp.maximum(a, 0.2 * a)
                ex = jnp.exp(a)
                ex = jnp.where(iota < H, ex, 0.0)
                rows[e, pl.ds(HC, 16)] = ex
                for h in range(H):
                    scv = ex.at[iota * 0 + h].get(mode="promise_in_bounds")
                    off = h * C
                    rows[e, pl.ds(off, 16)] = rows[e, pl.ds(off, 16)] * scv

            pltpu.sync_copy(rows, acc.at[cidx.at[1]], add=True)

        pltpu.sync_copy(eidx_h.at[g, 0], cidx0)
        start_gather(0)
        start_idx(1, 1)

        def step(j, b):
            jn = jnp.minimum(j + 1, nchunk - 1)
            wait_idx(jn, 1 - b)
            start_gather(1 - b)
            wait_gather(b)
            compute_scatter(b)
            start_idx(jnp.minimum(j + 2, nchunk - 1), b)

        def loop_body(jj, c):
            step(jj * 2, 0)
            step(jj * 2 + 1, 1)
            return c

        lax.fori_loop(0, nchunk // 2, loop_body, 0)
        wait_gather(0)
        wait_idx(nchunk - 1, 1)

        plsc.subcore_barrier()
        pltpu.sync_copy(acc.at[pl.ds(sid * _RPT, _RPT)],
                        out_h.at[cid, pl.ds(sid * _RPT, _RPT)])

    return pl.kernel(
        body,
        out_type=jax.ShapeDtypeStruct((_NC, _NPAD, WS), _f32),
        mesh=mesh,
        scratch_types=[
            pltpu.VMEM((2, K), _i32),
            pltpu.VMEM((2, K), _i32),
            pltpu.VMEM((K, WS), _f32),
            pltpu.VMEM((K, WS), _f32),
            pltpu.VMEM((K, 16), _f32),
            pltpu.VMEM((K, 16), _f32),
            pltpu.VMEM_SHARED((_NPAD, WS), _f32),
            pltpu.SemaphoreType.DMA,
            pltpu.SemaphoreType.DMA,
            pltpu.SemaphoreType.DMA,
            pltpu.SemaphoreType.DMA,
            pltpu.SemaphoreType.DMA,
            pltpu.SemaphoreType.DMA,
        ],
        compiler_params=pltpu.CompilerParams(use_tc_tiling_on_sc=False),
    )


_K1, _NCH1 = 96, 108
_K2, _NCH2 = 96, 108
_edge1 = _make_edge_kernel(8, 16, _K1, _NCH1, split=False)
_edge2 = _make_edge_kernel(1, 16, _K2, _NCH2, split=False)


_BM = 632
_BMF = 1000


def _mm_body(x_ref, w_ref, o1_ref, o2_ref):
    t = jnp.dot(x_ref[...], w_ref[...], preferred_element_type=_f32)
    n1 = o1_ref.shape[1]
    o1_ref[...] = t[:, :n1]
    o2_ref[...] = t[:, n1:]


def _tc_matmul2(x, w, n1):
    m, k = x.shape
    n = w.shape[1]
    return pl.pallas_call(
        _mm_body,
        grid=(m // _BM,),
        in_specs=[pl.BlockSpec((_BM, k), lambda i: (i, 0)),
                  pl.BlockSpec((k, n), lambda i: (0, 0))],
        out_specs=[pl.BlockSpec((_BM, n1), lambda i: (i, 0)),
                   pl.BlockSpec((_BM, n - n1), lambda i: (i, 0))],
        out_shape=[jax.ShapeDtypeStruct((m, n1), _f32),
                   jax.ShapeDtypeStruct((m, n - n1), _f32)],
    )(x, w)


def _mid_body(acc_ref, b_ref, w_ref, r_ref, o1_ref, o2_ref):
    s = acc_ref[0] + acc_ref[1]
    num = s[:, :128]
    den = jnp.dot(s[:, 128:136], r_ref[...], preferred_element_type=_f32)
    gv = num / den + b_ref[...]
    gv = jnp.where(gv > 0, gv, jnp.exp(gv) - 1.0)
    t = jnp.dot(gv, w_ref[...], preferred_element_type=_f32)
    o1_ref[...] = t[:, :32]
    o2_ref[...] = t[:, 32:]


def _tc_mid(acc1, b1, w2full, r8):
    return pl.pallas_call(
        _mid_body,
        grid=(_NPAD // _BM,),
        in_specs=[pl.BlockSpec((_NC, _BM, 144), lambda i: (0, i, 0)),
                  pl.BlockSpec((1, 128), lambda i: (0, 0)),
                  pl.BlockSpec((128, 48), lambda i: (0, 0)),
                  pl.BlockSpec((8, 128), lambda i: (0, 0))],
        out_specs=[pl.BlockSpec((_BM, 32), lambda i: (i, 0)),
                   pl.BlockSpec((_BM, 16), lambda i: (i, 0))],
        out_shape=[jax.ShapeDtypeStruct((_NPAD, 32), _f32),
                   jax.ShapeDtypeStruct((_NPAD, 16), _f32)],
    )(acc1, b1, w2full, r8)


def _fin_body(acc_ref, b_ref, o_ref):
    s = acc_ref[0] + acc_ref[1]
    num = s[:, :16]
    den = jnp.broadcast_to(s[:, 16:17], (_BMF, 16))
    o = num / den + b_ref[...]
    o_ref[...] = jnp.where(o > 0, o, jnp.exp(o) - 1.0)


def _tc_fin(acc2, b2):
    return pl.pallas_call(
        _fin_body,
        grid=(_N // _BMF,),
        in_specs=[pl.BlockSpec((_NC, _BMF, 32), lambda i: (0, i, 0)),
                  pl.BlockSpec((1, 16), lambda i: (0, 0))],
        out_specs=pl.BlockSpec((_BMF, 16), lambda i: (i, 0)),
        out_shape=jax.ShapeDtypeStruct((_N, 16), _f32),
    )(acc2, b2)


def _build_wext(W, a_s, a_d, H, C, width):
    HC = H * C
    rows_idx = jnp.arange(HC)
    A_s = jnp.zeros((HC, H), _f32).at[rows_idx, rows_idx // C].set(a_s.reshape(-1))
    A_d = jnp.zeros((HC, H), _f32).at[rows_idx, rows_idx // C].set(a_d.reshape(-1))
    wext = jnp.concatenate([W, W @ A_s, W @ A_d], axis=1)
    return jnp.pad(wext, ((0, 0), (0, width - wext.shape[1])))


def kernel(x, edge_index, W1, a_src1, a_dst1, b1, W2, a_src2, a_dst2, b2):
    w1ext = _build_wext(W1, a_src1, a_dst1, 8, 16, 144)
    ridx = jnp.arange(128)
    A1d = jnp.zeros((128, 8), _f32).at[ridx, ridx // 16].set(a_dst1.reshape(-1))
    w1full = jnp.concatenate(
        [w1ext, W1 @ A1d, jnp.zeros((128, 8), _f32)], axis=1)
    w2ext = _build_wext(W2, a_src2, a_dst2, 1, 16, 32)
    w2full = jnp.concatenate(
        [w2ext, W2 @ a_dst2.T, jnp.zeros((128, 15), _f32)], axis=1)
    r8 = jnp.kron(jnp.eye(8, dtype=_f32), jnp.ones((1, 16), _f32))

    loops = jnp.arange(_N, dtype=_i32)
    src = jnp.concatenate([edge_index[0].astype(_i32), loops])
    dst = jnp.concatenate([edge_index[1].astype(_i32), loops])
    pad_n = _E_PAD - _E_TOT
    src = jnp.pad(src, (0, pad_n), constant_values=_N)
    dst = jnp.pad(dst, (0, pad_n), constant_values=_N)
    eidx = jnp.stack([src.reshape(_NW, _NCH1, _K1),
                      dst.reshape(_NW, _NCH1, _K1)], axis=2)

    xp = jnp.pad(x, ((0, _NPAD - _N), (0, 0)))

    t1p, d1 = _tc_matmul2(xp, w1full, 144)
    acc1 = _edge1(t1p, d1, eidx)

    t2p, d2 = _tc_mid(acc1, b1.reshape(1, 128), w2full, r8)
    acc2 = _edge2(t2p, d2, eidx)

    return _tc_fin(acc2, b2.reshape(1, 16))

# --- scband reference (transcript-rebuilt; emitter-appended) ---
"""Pipeline reference for scband-gat-net-12300786335806 (READ-ONLY COPY).

The authoritative reference and input builder live on the scoring server;
editing this copy changes nothing except your own understanding.
"""

import jax, jax.numpy as jnp
import numpy as np

N = 10000
F_IN = 128
HID = 16
HEADS = 8
OUT = 16
E = 320000


def setup_inputs(seed: int = 0) -> dict:
    key = jax.random.key(seed)
    ks = jax.random.split(key, 12)
    x = jax.random.normal(ks[0], (N, F_IN), dtype=jnp.float32)
    edge_index = jax.random.randint(ks[1], (2, E), 0, N, dtype=jnp.int32)
    s = 0.1
    W1 = jax.random.normal(ks[2], (F_IN, HEADS * HID), dtype=jnp.float32) * s
    a_src1 = jax.random.normal(ks[3], (HEADS, HID), dtype=jnp.float32) * s
    a_dst1 = jax.random.normal(ks[4], (HEADS, HID), dtype=jnp.float32) * s
    b1 = jnp.zeros((HEADS * HID,), dtype=jnp.float32)
    W2 = jax.random.normal(ks[5], (HEADS * HID, OUT), dtype=jnp.float32) * s
    a_src2 = jax.random.normal(ks[6], (1, OUT), dtype=jnp.float32) * s
    a_dst2 = jax.random.normal(ks[7], (1, OUT), dtype=jnp.float32) * s
    b2 = jnp.zeros((OUT,), dtype=jnp.float32)
    return {"x": x, "edge_index": edge_index, "W1": W1, "a_src1": a_src1,
            "a_dst1": a_dst1, "b1": b1, "W2": W2, "a_src2": a_src2,
            "a_dst2": a_dst2, "b2": b2}


def _gat_layer(x, edge_index, W, a_src, a_dst, b, heads, out_ch):
    n = x.shape[0]
    # PyG GATConv adds self-loops by default
    loops = jnp.arange(n, dtype=edge_index.dtype)
    src = jnp.concatenate([edge_index[0], loops])
    dst = jnp.concatenate([edge_index[1], loops])
    h = (x @ W).reshape(n, heads, out_ch)
    alpha_src = jnp.sum(h * a_src[None, :, :], axis=-1)  # [N, H]
    alpha_dst = jnp.sum(h * a_dst[None, :, :], axis=-1)  # [N, H]
    alpha = alpha_src[src] + alpha_dst[dst]              # [E, H]
    alpha = jax.nn.leaky_relu(alpha, negative_slope=0.2)
    # softmax over incoming edges per destination node
    amax = jax.ops.segment_max(alpha, dst, num_segments=n)
    amax = jnp.where(jnp.isfinite(amax), amax, 0.0)
    ex = jnp.exp(alpha - amax[dst])
    denom = jax.ops.segment_sum(ex, dst, num_segments=n)
    attn = ex / (denom[dst] + 1e-16)                     # [E, H]
    msg = h[src] * attn[:, :, None]                      # [E, H, C]
    out = jax.ops.segment_sum(msg, dst, num_segments=n)  # [N, H, C]
    out = out.reshape(n, heads * out_ch)
    return out + b


def reference(x, edge_index, W1, a_src1, a_dst1, b1, W2, a_src2, a_dst2, b2):
    # dropout layers are identity in eval mode
    h = _gat_layer(x, edge_index, W1, a_src1, a_dst1, b1, HEADS, HID)
    h = jax.nn.elu(h)
    h = _gat_layer(h, edge_index, W2, a_src2, a_dst2, b2, 1, OUT)
    h = jax.nn.elu(h)
    return h

if __name__ == "__main__":
    import jax
    _d = setup_inputs()
    print(jax.jit(kernel)(*tuple(_d.values())))

</pallas_src>

<mosaic_0001>
#map = affine_map<(d0, d1) -> (0, 0)>
#map1 = affine_map<(d0, d1) -> (0, 0, 0, 0)>
#map2 = affine_map<(d0, d1) -> (0, 0, 0)>
module attributes {stable_mosaic.version = 14 : i64} {
  func.func @body(%arg0: i32, %arg1: i32, %arg2: memref<10112x144xf32, #tpu.memory_space<hbm>>, %arg3: memref<10112x16xf32, #tpu.memory_space<hbm>>, %arg4: memref<32x108x2x96xi32, #tpu.memory_space<hbm>>, %arg5: memref<2x10112x144xf32, #tpu.memory_space<hbm>>, %arg6: memref<2x96xi32, #tpu.memory_space<vmem>>, %arg7: memref<2x96xi32, #tpu.memory_space<vmem>>, %arg8: memref<96x144xf32, #tpu.memory_space<vmem>>, %arg9: memref<96x144xf32, #tpu.memory_space<vmem>>, %arg10: memref<96x16xf32, #tpu.memory_space<vmem>>, %arg11: memref<96x16xf32, #tpu.memory_space<vmem>>, %arg12: memref<10112x144xf32, #tpu.memory_space<vmem_shared>>, %arg13: memref<!tpu.dma_semaphore, #tpu.memory_space<semaphore_mem>>, %arg14: memref<!tpu.dma_semaphore, #tpu.memory_space<semaphore_mem>>, %arg15: memref<!tpu.dma_semaphore, #tpu.memory_space<semaphore_mem>>, %arg16: memref<!tpu.dma_semaphore, #tpu.memory_space<semaphore_mem>>, %arg17: memref<!tpu.dma_semaphore, #tpu.memory_space<semaphore_mem>>, %arg18: memref<!tpu.dma_semaphore, #tpu.memory_space<semaphore_mem>>) attributes {dimension_semantics = [#tpu.dimension_semantics<core_parallel>, #tpu.dimension_semantics<subcore_parallel>], iteration_bounds = array<i64: 2, 16>, scalar_prefetch = 0 : i64, scratch_operands = 13 : i64, tpu.core_type = #tpu.core_type<sc_vector_subcore>, window_params = [{transform_indices = #map}, {transform_indices = #map}, {transform_indices = #map1}, {transform_indices = #map2}]} {
    %mul3A = arith.constant 16 : i32
    %mul3A_0 = arith.muli %arg0, %mul3A : i32
    %add3A = arith.addi %mul3A_0, %arg1 : i32
    %iota3A = tpu.iota {dimensions = array<i32: 0>} : vector<16xi32>
    %convert_element_type3A = arith.sitofp %iota3A : vector<16xi32> to vector<16xf32>
    %mul3A_1 = arith.constant 0.000000e+00 : f32
    %mul3A_2 = vector.broadcast %mul3A_1 : f32 to vector<16xf32>
    %mul3A_3 = arith.mulf %convert_element_type3A, %mul3A_2 : vector<16xf32>
    %scan3A = arith.constant 0 : i32
    %scan3A_4 = arith.constant 0 : i32
    %scan3A_5 = arith.constant 96 : i32
    %scan3A_6 = arith.addi %scan3A_4, %scan3A_5 : i32
    %scan3A_7 = arith.constant 1 : i32
    scf.for %scan3A_92 = %scan3A_4 to %scan3A_6 step %scan3A_7  : i32 {
      %swap3A = arith.index_cast %scan3A_92 : i32 to index
      %swap3A_93 = arith.constant 0 : index
      %swap3A_94 = tpu.vector_load %arg8[%swap3A, %swap3A_93] {strides = array<i32>} : memref<96x144xf32, #tpu.memory_space<vmem>>, vector<1x16xf32>,
      %swap3A_95 = vector.shape_cast %swap3A_94 : vector<1x16xf32> to vector<16xf32>
      %swap3A_96 = vector.shape_cast %mul3A_3 : vector<16xf32> to vector<1x16xf32>
      tpu.vector_store %arg8[%swap3A, %swap3A_93], %swap3A_96 {strides = array<i32>} : memref<96x144xf32, #tpu.memory_space<vmem>>, vector<1x16xf32>,
      %swap3A_97 = arith.index_cast %scan3A_92 : i32 to index
      %swap3A_98 = arith.constant 16 : index
      %swap3A_99 = tpu.vector_load %arg8[%swap3A_97, %swap3A_98] {strides = array<i32>} : memref<96x144xf32, #tpu.memory_space<vmem>>, vector<1x16xf32>,
      %swap3A_100 = vector.shape_cast %swap3A_99 : vector<1x16xf32> to vector<16xf32>
      %swap3A_101 = vector.shape_cast %mul3A_3 : vector<16xf32> to vector<1x16xf32>
      tpu.vector_store %arg8[%swap3A_97, %swap3A_98], %swap3A_101 {strides = array<i32>} : memref<96x144xf32, #tpu.memory_space<vmem>>, vector<1x16xf32>,
      %swap3A_102 = arith.index_cast %scan3A_92 : i32 to index
      %swap3A_103 = arith.constant 32 : index
      %swap3A_104 = tpu.vector_load %arg8[%swap3A_102, %swap3A_103] {strides = array<i32>} : memref<96x144xf32, #tpu.memory_space<vmem>>, vector<1x16xf32>,
      %swap3A_105 = vector.shape_cast %swap3A_104 : vector<1x16xf32> to vector<16xf32>
      %swap3A_106 = vector.shape_cast %mul3A_3 : vector<16xf32> to vector<1x16xf32>
      tpu.vector_store %arg8[%swap3A_102, %swap3A_103], %swap3A_106 {strides = array<i32>} : memref<96x144xf32, #tpu.memory_space<vmem>>, vector<1x16xf32>,
      %swap3A_107 = arith.index_cast %scan3A_92 : i32 to index
      %swap3A_108 = arith.constant 48 : index
      %swap3A_109 = tpu.vector_load %arg8[%swap3A_107, %swap3A_108] {strides = array<i32>} : memref<96x144xf32, #tpu.memory_space<vmem>>, vector<1x16xf32>,
      %swap3A_110 = vector.shape_cast %swap3A_109 : vector<1x16xf32> to vector<16xf32>
      %swap3A_111 = vector.shape_cast %mul3A_3 : vector<16xf32> to vector<1x16xf32>
      tpu.vector_store %arg8[%swap3A_107, %swap3A_108], %swap3A_111 {strides = array<i32>} : memref<96x144xf32, #tpu.memory_space<vmem>>, vector<1x16xf32>,
      %swap3A_112 = arith.index_cast %scan3A_92 : i32 to index
      %swap3A_113 = arith.constant 64 : index
      %swap3A_114 = tpu.vector_load %arg8[%swap3A_112, %swap3A_113] {strides = array<i32>} : memref<96x144xf32, #tpu.memory_space<vmem>>, vector<1x16xf32>,
      %swap3A_115 = vector.shape_cast %swap3A_114 : vector<1x16xf32> to vector<16xf32>
      %swap3A_116 = vector.shape_cast %mul3A_3 : vector<16xf32> to vector<1x16xf32>
      tpu.vector_store %arg8[%swap3A_112, %swap3A_113], %swap3A_116 {strides = array<i32>} : memref<96x144xf32, #tpu.memory_space<vmem>>, vector<1x16xf32>,
      %swap3A_117 = arith.index_cast %scan3A_92 : i32 to index
      %swap3A_118 = arith.constant 80 : index
      %swap3A_119 = tpu.vector_load %arg8[%swap3A_117, %swap3A_118] {strides = array<i32>} : memref<96x144xf32, #tpu.memory_space<vmem>>, vector<1x16xf32>,
      %swap3A_120 = vector.shape_cast %swap3A_119 : vector<1x16xf32> to vector<16xf32>
      %swap3A_121 = vector.shape_cast %mul3A_3 : vector<16xf32> to vector<1x16xf32>
      tpu.vector_store %arg8[%swap3A_117, %swap3A_118], %swap3A_121 {strides = array<i32>} : memref<96x144xf32, #tpu.memory_space<vmem>>, vector<1x16xf32>,
      %swap3A_122 = arith.index_cast %scan3A_92 : i32 to index
      %swap3A_123 = arith.constant 96 : index
      %swap3A_124 = tpu.vector_load %arg8[%swap3A_122, %swap3A_123] {strides = array<i32>} : memref<96x144xf32, #tpu.memory_space<vmem>>, vector<1x16xf32>,
      %swap3A_125 = vector.shape_cast %swap3A_124 : vector<1x16xf32> to vector<16xf32>
      %swap3A_126 = vector.shape_cast %mul3A_3 : vector<16xf32> to vector<1x16xf32>
      tpu.vector_store %arg8[%swap3A_122, %swap3A_123], %swap3A_126 {strides = array<i32>} : memref<96x144xf32, #tpu.memory_space<vmem>>, vector<1x16xf32>,
      %swap3A_127 = arith.index_cast %scan3A_92 : i32 to index
      %swap3A_128 = arith.constant 112 : index
      %swap3A_129 = tpu.vector_load %arg8[%swap3A_127, %swap3A_128] {strides = array<i32>} : memref<96x144xf32, #tpu.memory_space<vmem>>, vector<1x16xf32>,
      %swap3A_130 = vector.shape_cast %swap3A_129 : vector<1x16xf32> to vector<16xf32>
      %swap3A_131 = vector.shape_cast %mul3A_3 : vector<16xf32> to vector<1x16xf32>
      tpu.vector_store %arg8[%swap3A_127, %swap3A_128], %swap3A_131 {strides = array<i32>} : memref<96x144xf32, #tpu.memory_space<vmem>>, vector<1x16xf32>,
      %swap3A_132 = arith.index_cast %scan3A_92 : i32 to index
      %swap3A_133 = arith.constant 128 : index
      %swap3A_134 = tpu.vector_load %arg8[%swap3A_132, %swap3A_133] {strides = array<i32>} : memref<96x144xf32, #tpu.memory_space<vmem>>, vector<1x16xf32>,
      %swap3A_135 = vector.shape_cast %swap3A_134 : vector<1x16xf32> to vector<16xf32>
      %swap3A_136 = vector.shape_cast %mul3A_3 : vector<16xf32> to vector<1x16xf32>
      tpu.vector_store %arg8[%swap3A_132, %swap3A_133], %swap3A_136 {strides = array<i32>} : memref<96x144xf32, #tpu.memory_space<vmem>>, vector<1x16xf32>,
    }
    %scan3A_8 = arith.constant 96 : i32
    %mul3A_9 = arith.constant 632 : i32
    %mul3A_10 = arith.muli %arg1, %mul3A_9 : i32
    %add3A_11 = arith.constant 0 : i32
    %add3A_12 = arith.addi %mul3A_10, %add3A_11 : i32
    "tpu.region"() ({
      %run_scoped3A_92 = tpu.sem_alloc : memref<!tpu.dma_semaphore, #tpu.memory_space<semaphore_mem>>
      %dma_start3A_93 = arith.constant 0 : i32
      %dma_start3A_94 = tpu.memref_slice %arg12[%add3A_12, %dma_start3A_93] : memref<10112x144xf32, #tpu.memory_space<vmem_shared>> -> memref<96x144xf32, #tpu.memory_space<vmem_shared>>
      %dma_start3A_95 = arith.constant 0 : i32
      %dma_start3A_96 = tpu.memref_slice %arg12[%add3A_12, %dma_start3A_95] : memref<10112x144xf32, #tpu.memory_space<vmem_shared>> -> memref<96x144xf32, #tpu.memory_space<vmem_shared>>
      tpu.enqueue_dma source(%arg8 : memref<96x144xf32, #tpu.memory_space<vmem>>) target(%dma_start3A_96 : memref<96x144xf32, #tpu.memory_space<vmem_shared>>) target_semaphore(%run_scoped3A_92 : memref<!tpu.dma_semaphore, #tpu.memory_space<semaphore_mem>>)
      %dma_wait3A_97 = arith.constant 0 : i32
      %dma_wait3A_98 = tpu.memref_slice %arg12[%add3A_12, %dma_wait3A_97] : memref<10112x144xf32, #tpu.memory_space<vmem_shared>> -> memref<96x144xf32, #tpu.memory_space<vmem_shared>>
      %dma_wait3A_99 = arith.constant 0 : i32
      %dma_wait3A_100 = tpu.memref_slice %arg12[%add3A_12, %dma_wait3A_99] : memref<10112x144xf32, #tpu.memory_space<vmem_shared>> -> memref<96x144xf32, #tpu.memory_space<vmem_shared>>
      tpu.wait_dma2 semaphore(%run_scoped3A_92 : memref<!tpu.dma_semaphore, #tpu.memory_space<semaphore_mem>>) src(%arg8 : memref<96x144xf32, #tpu.memory_space<vmem>>) dst(%dma_wait3A_100 : memref<96x144xf32, #tpu.memory_space<vmem_shared>>)
      tpu.yield
    }) : () -> ()
    %mul3A_13 = arith.constant 632 : i32
    %mul3A_14 = arith.muli %arg1, %mul3A_13 : i32
    %add3A_15 = arith.constant 96 : i32
    %add3A_16 = arith.addi %mul3A_14, %add3A_15 : i32
    "tpu.region"() ({
      %run_scoped3A_92 = tpu.sem_alloc : memref<!tpu.dma_semaphore, #tpu.memory_space<semaphore_mem>>
      %dma_start3A_93 = arith.constant 0 : i32
      %dma_start3A_94 = tpu.memref_slice %arg12[%add3A_16, %dma_start3A_93] : memref<10112x144xf32, #tpu.memory_space<vmem_shared>> -> memref<96x144xf32, #tpu.memory_space<vmem_shared>>
      %dma_start3A_95 = arith.constant 0 : i32
      %dma_start3A_96 = tpu.memref_slice %arg12[%add3A_16, %dma_start3A_95] : memref<10112x144xf32, #tpu.memory_space<vmem_shared>> -> memref<96x144xf32, #tpu.memory_space<vmem_shared>>
      tpu.enqueue_dma source(%arg8 : memref<96x144xf32, #tpu.memory_space<vmem>>) target(%dma_start3A_96 : memref<96x144xf32, #tpu.memory_space<vmem_shared>>) target_semaphore(%run_scoped3A_92 : memref<!tpu.dma_semaphore, #tpu.memory_space<semaphore_mem>>)
      %dma_wait3A_97 = arith.constant 0 : i32
      %dma_wait3A_98 = tpu.memref_slice %arg12[%add3A_16, %dma_wait3A_97] : memref<10112x144xf32, #tpu.memory_space<vmem_shared>> -> memref<96x144xf32, #tpu.memory_space<vmem_shared>>
      %dma_wait3A_99 = arith.constant 0 : i32
      %dma_wait3A_100 = tpu.memref_slice %arg12[%add3A_16, %dma_wait3A_99] : memref<10112x144xf32, #tpu.memory_space<vmem_shared>> -> memref<96x144xf32, #tpu.memory_space<vmem_shared>>
      tpu.wait_dma2 semaphore(%run_scoped3A_92 : memref<!tpu.dma_semaphore, #tpu.memory_space<semaphore_mem>>) src(%arg8 : memref<96x144xf32, #tpu.memory_space<vmem>>) dst(%dma_wait3A_100 : memref<96x144xf32, #tpu.memory_space<vmem_shared>>)
      tpu.yield
    }) : () -> ()
    %mul3A_17 = arith.constant 632 : i32
    %mul3A_18 = arith.muli %arg1, %mul3A_17 : i32
    %add3A_19 = arith.constant 192 : i32
    %add3A_20 = arith.addi %mul3A_18, %add3A_19 : i32
    "tpu.region"() ({
      %run_scoped3A_92 = tpu.sem_alloc : memref<!tpu.dma_semaphore, #tpu.memory_space<semaphore_mem>>
      %dma_start3A_93 = arith.constant 0 : i32
      %dma_start3A_94 = tpu.memref_slice %arg12[%add3A_20, %dma_start3A_93] : memref<10112x144xf32, #tpu.memory_space<vmem_shared>> -> memref<96x144xf32, #tpu.memory_space<vmem_shared>>
      %dma_start3A_95 = arith.constant 0 : i32
      %dma_start3A_96 = tpu.memref_slice %arg12[%add3A_20, %dma_start3A_95] : memref<10112x144xf32, #tpu.memory_space<vmem_shared>> -> memref<96x144xf32, #tpu.memory_space<vmem_shared>>
      tpu.enqueue_dma source(%arg8 : memref<96x144xf32, #tpu.memory_space<vmem>>) target(%dma_start3A_96 : memref<96x144xf32, #tpu.memory_space<vmem_shared>>) target_semaphore(%run_scoped3A_92 : memref<!tpu.dma_semaphore, #tpu.memory_space<semaphore_mem>>)
      %dma_wait3A_97 = arith.constant 0 : i32
      %dma_wait3A_98 = tpu.memref_slice %arg12[%add3A_20, %dma_wait3A_97] : memref<10112x144xf32, #tpu.memory_space<vmem_shared>> -> memref<96x144xf32, #tpu.memory_space<vmem_shared>>
      %dma_wait3A_99 = arith.constant 0 : i32
      %dma_wait3A_100 = tpu.memref_slice %arg12[%add3A_20, %dma_wait3A_99] : memref<10112x144xf32, #tpu.memory_space<vmem_shared>> -> memref<96x144xf32, #tpu.memory_space<vmem_shared>>
      tpu.wait_dma2 semaphore(%run_scoped3A_92 : memref<!tpu.dma_semaphore, #tpu.memory_space<semaphore_mem>>) src(%arg8 : memref<96x144xf32, #tpu.memory_space<vmem>>) dst(%dma_wait3A_100 : memref<96x144xf32, #tpu.memory_space<vmem_shared>>)
      tpu.yield
    }) : () -> ()
    %mul3A_21 = arith.constant 632 : i32
    %mul3A_22 = arith.muli %arg1, %mul3A_21 : i32
    %add3A_23 = arith.constant 288 : i32
    %add3A_24 = arith.addi %mul3A_22, %add3A_23 : i32
    "tpu.region"() ({
      %run_scoped3A_92 = tpu.sem_alloc : memref<!tpu.dma_semaphore, #tpu.memory_space<semaphore_mem>>
      %dma_start3A_93 = arith.constant 0 : i32
      %dma_start3A_94 = tpu.memref_slice %arg12[%add3A_24, %dma_start3A_93] : memref<10112x144xf32, #tpu.memory_space<vmem_shared>> -> memref<96x144xf32, #tpu.memory_space<vmem_shared>>
      %dma_start3A_95 = arith.constant 0 : i32
      %dma_start3A_96 = tpu.memref_slice %arg12[%add3A_24, %dma_start3A_95] : memref<10112x144xf32, #tpu.memory_space<vmem_shared>> -> memref<96x144xf32, #tpu.memory_space<vmem_shared>>
      tpu.enqueue_dma source(%arg8 : memref<96x144xf32, #tpu.memory_space<vmem>>) target(%dma_start3A_96 : memref<96x144xf32, #tpu.memory_space<vmem_shared>>) target_semaphore(%run_scoped3A_92 : memref<!tpu.dma_semaphore, #tpu.memory_space<semaphore_mem>>)
      %dma_wait3A_97 = arith.constant 0 : i32
      %dma_wait3A_98 = tpu.memref_slice %arg12[%add3A_24, %dma_wait3A_97] : memref<10112x144xf32, #tpu.memory_space<vmem_shared>> -> memref<96x144xf32, #tpu.memory_space<vmem_shared>>
      %dma_wait3A_99 = arith.constant 0 : i32
      %dma_wait3A_100 = tpu.memref_slice %arg12[%add3A_24, %dma_wait3A_99] : memref<10112x144xf32, #tpu.memory_space<vmem_shared>> -> memref<96x144xf32, #tpu.memory_space<vmem_shared>>
      tpu.wait_dma2 semaphore(%run_scoped3A_92 : memref<!tpu.dma_semaphore, #tpu.memory_space<semaphore_mem>>) src(%arg8 : memref<96x144xf32, #tpu.memory_space<vmem>>) dst(%dma_wait3A_100 : memref<96x144xf32, #tpu.memory_space<vmem_shared>>)
      tpu.yield
    }) : () -> ()
    %mul3A_25 = arith.constant 632 : i32
    %mul3A_26 = arith.muli %arg1, %mul3A_25 : i32
    %add3A_27 = arith.constant 384 : i32
    %add3A_28 = arith.addi %mul3A_26, %add3A_27 : i32
    "tpu.region"() ({
      %run_scoped3A_92 = tpu.sem_alloc : memref<!tpu.dma_semaphore, #tpu.memory_space<semaphore_mem>>
      %dma_start3A_93 = arith.constant 0 : i32
      %dma_start3A_94 = tpu.memref_slice %arg12[%add3A_28, %dma_start3A_93] : memref<10112x144xf32, #tpu.memory_space<vmem_shared>> -> memref<96x144xf32, #tpu.memory_space<vmem_shared>>
      %dma_start3A_95 = arith.constant 0 : i32
      %dma_start3A_96 = tpu.memref_slice %arg12[%add3A_28, %dma_start3A_95] : memref<10112x144xf32, #tpu.memory_space<vmem_shared>> -> memref<96x144xf32, #tpu.memory_space<vmem_shared>>
      tpu.enqueue_dma source(%arg8 : memref<96x144xf32, #tpu.memory_space<vmem>>) target(%dma_start3A_96 : memref<96x144xf32, #tpu.memory_space<vmem_shared>>) target_semaphore(%run_scoped3A_92 : memref<!tpu.dma_semaphore, #tpu.memory_space<semaphore_mem>>)
      %dma_wait3A_97 = arith.constant 0 : i32
      %dma_wait3A_98 = tpu.memref_slice %arg12[%add3A_28, %dma_wait3A_97] : memref<10112x144xf32, #tpu.memory_space<vmem_shared>> -> memref<96x144xf32, #tpu.memory_space<vmem_shared>>
      %dma_wait3A_99 = arith.constant 0 : i32
      %dma_wait3A_100 = tpu.memref_slice %arg12[%add3A_28, %dma_wait3A_99] : memref<10112x144xf32, #tpu.memory_space<vmem_shared>> -> memref<96x144xf32, #tpu.memory_space<vmem_shared>>
      tpu.wait_dma2 semaphore(%run_scoped3A_92 : memref<!tpu.dma_semaphore, #tpu.memory_space<semaphore_mem>>) src(%arg8 : memref<96x144xf32, #tpu.memory_space<vmem>>) dst(%dma_wait3A_100 : memref<96x144xf32, #tpu.memory_space<vmem_shared>>)
      tpu.yield
    }) : () -> ()
    %mul3A_29 = arith.constant 632 : i32
    %mul3A_30 = arith.muli %arg1, %mul3A_29 : i32
    %add3A_31 = arith.constant 480 : i32
    %add3A_32 = arith.addi %mul3A_30, %add3A_31 : i32
    "tpu.region"() ({
      %run_scoped3A_92 = tpu.sem_alloc : memref<!tpu.dma_semaphore, #tpu.memory_space<semaphore_mem>>
      %dma_start3A_93 = arith.constant 0 : i32
      %dma_start3A_94 = tpu.memref_slice %arg12[%add3A_32, %dma_start3A_93] : memref<10112x144xf32, #tpu.memory_space<vmem_shared>> -> memref<96x144xf32, #tpu.memory_space<vmem_shared>>
      %dma_start3A_95 = arith.constant 0 : i32
      %dma_start3A_96 = tpu.memref_slice %arg12[%add3A_32, %dma_start3A_95] : memref<10112x144xf32, #tpu.memory_space<vmem_shared>> -> memref<96x144xf32, #tpu.memory_space<vmem_shared>>
      tpu.enqueue_dma source(%arg8 : memref<96x144xf32, #tpu.memory_space<vmem>>) target(%dma_start3A_96 : memref<96x144xf32, #tpu.memory_space<vmem_shared>>) target_semaphore(%run_scoped3A_92 : memref<!tpu.dma_semaphore, #tpu.memory_space<semaphore_mem>>)
      %dma_wait3A_97 = arith.constant 0 : i32
      %dma_wait3A_98 = tpu.memref_slice %arg12[%add3A_32, %dma_wait3A_97] : memref<10112x144xf32, #tpu.memory_space<vmem_shared>> -> memref<96x144xf32, #tpu.memory_space<vmem_shared>>
      %dma_wait3A_99 = arith.constant 0 : i32
      %dma_wait3A_100 = tpu.memref_slice %arg12[%add3A_32, %dma_wait3A_99] : memref<10112x144xf32, #tpu.memory_space<vmem_shared>> -> memref<96x144xf32, #tpu.memory_space<vmem_shared>>
      tpu.wait_dma2 semaphore(%run_scoped3A_92 : memref<!tpu.dma_semaphore, #tpu.memory_space<semaphore_mem>>) src(%arg8 : memref<96x144xf32, #tpu.memory_space<vmem>>) dst(%dma_wait3A_100 : memref<96x144xf32, #tpu.memory_space<vmem_shared>>)
      tpu.yield
    }) : () -> ()
    %mul3A_33 = arith.constant 632 : i32
    %mul3A_34 = arith.muli %arg1, %mul3A_33 : i32
    %add3A_35 = arith.constant 576 : i32
    %add3A_36 = arith.addi %mul3A_34, %add3A_35 : i32
    "tpu.region"() ({
      %run_scoped3A_92 = tpu.sem_alloc : memref<!tpu.dma_semaphore, #tpu.memory_space<semaphore_mem>>
      %dma_start3A_93 = arith.constant 0 : i32
      %dma_start3A_94 = arith.constant 0 : i32
      %dma_start3A_95 = tpu.memref_slice %arg8[%dma_start3A_93, %dma_start3A_94] : memref<96x144xf32, #tpu.memory_space<vmem>> -> memref<56x144xf32, #tpu.memory_space<vmem>>
      %dma_start3A_96 = arith.constant 0 : i32
      %dma_start3A_97 = tpu.memref_slice %arg12[%add3A_36, %dma_start3A_96] : memref<10112x144xf32, #tpu.memory_space<vmem_shared>> -> memref<56x144xf32, #tpu.memory_space<vmem_shared>>
      %dma_start3A_98 = arith.constant 0 : i32
      %dma_start3A_99 = tpu.memref_slice %arg12[%add3A_36, %dma_start3A_98] : memref<10112x144xf32, #tpu.memory_space<vmem_shared>> -> memref<56x144xf32, #tpu.memory_space<vmem_shared>>
      %dma_start3A_100 = arith.constant 0 : i32
      %dma_start3A_101 = arith.constant 0 : i32
      %dma_start3A_102 = tpu.memref_slice %arg8[%dma_start3A_100, %dma_start3A_101] : memref<96x144xf32, #tpu.memory_space<vmem>> -> memref<56x144xf32, #tpu.memory_space<vmem>>
      tpu.enqueue_dma source(%dma_start3A_102 : memref<56x144xf32, #tpu.memory_space<vmem>>) target(%dma_start3A_99 : memref<56x144xf32, #tpu.memory_space<vmem_shared>>) target_semaphore(%run_scoped3A_92 : memref<!tpu.dma_semaphore, #tpu.memory_space<semaphore_mem>>)
      %dma_wait3A_103 = arith.constant 0 : i32
      %dma_wait3A_104 = arith.constant 0 : i32
      %dma_wait3A_105 = tpu.memref_slice %arg8[%dma_wait3A_103, %dma_wait3A_104] : memref<96x144xf32, #tpu.memory_space<vmem>> -> memref<56x144xf32, #tpu.memory_space<vmem>>
      %dma_wait3A_106 = arith.constant 0 : i32
      %dma_wait3A_107 = tpu.memref_slice %arg12[%add3A_36, %dma_wait3A_106] : memref<10112x144xf32, #tpu.memory_space<vmem_shared>> -> memref<56x144xf32, #tpu.memory_space<vmem_shared>>
      %dma_wait3A_108 = arith.constant 0 : i32
      %dma_wait3A_109 = tpu.memref_slice %arg12[%add3A_36, %dma_wait3A_108] : memref<10112x144xf32, #tpu.memory_space<vmem_shared>> -> memref<56x144xf32, #tpu.memory_space<vmem_shared>>
      %dma_wait3A_110 = arith.constant 0 : i32
      %dma_wait3A_111 = arith.constant 0 : i32
      %dma_wait3A_112 = tpu.memref_slice %arg8[%dma_wait3A_110, %dma_wait3A_111] : memref<96x144xf32, #tpu.memory_space<vmem>> -> memref<56x144xf32, #tpu.memory_space<vmem>>
      tpu.wait_dma2 semaphore(%run_scoped3A_92 : memref<!tpu.dma_semaphore, #tpu.memory_space<semaphore_mem>>) src(%dma_wait3A_112 : memref<56x144xf32, #tpu.memory_space<vmem>>) dst(%dma_wait3A_109 : memref<56x144xf32, #tpu.memory_space<vmem_shared>>)
      tpu.yield
    }) : () -> ()
    %barrier3A = arith.constant 0 : index
    tpu.barrier barrier_id(%barrier3A)
    %run_scoped3A = arith.constant 0 : i32
    "tpu.region"() ({
      %run_scoped3A_92 = tpu.sem_alloc : memref<!tpu.dma_semaphore, #tpu.memory_space<semaphore_mem>>
      %dma_start3A_93 = arith.constant 0 : i32
      %dma_start3A_94 = arith.constant 0 : i32
      %dma_start3A_95 = tpu.memref_slice %arg4[%add3A, %run_scoped3A, %dma_start3A_93, %dma_start3A_94] : memref<32x108x2x96xi32, #tpu.memory_space<hbm>> -> memref<1x1x2x96xi32, #tpu.memory_space<hbm>>
      %dma_start3A_96 = tpu.memref_squeeze %dma_start3A_95 : memref<1x1x2x96xi32, #tpu.memory_space<hbm>> -> memref<2x96xi32, #tpu.memory_space<hbm>>
      %dma_start3A_97 = arith.constant 0 : i32
      %dma_start3A_98 = arith.constant 0 : i32
      %dma_start3A_99 = tpu.memref_slice %arg4[%add3A, %run_scoped3A, %dma_start3A_97, %dma_start3A_98] : memref<32x108x2x96xi32, #tpu.memory_space<hbm>> -> memref<1x1x2x96xi32, #tpu.memory_space<hbm>>
      %dma_start3A_100 = tpu.memref_squeeze %dma_start3A_99 : memref<1x1x2x96xi32, #tpu.memory_space<hbm>> -> memref<2x96xi32, #tpu.memory_space<hbm>>
      tpu.enqueue_dma source(%dma_start3A_100 : memref<2x96xi32, #tpu.memory_space<hbm>>) target(%arg6 : memref<2x96xi32, #tpu.memory_space<vmem>>) target_semaphore(%run_scoped3A_92 : memref<!tpu.dma_semaphore, #tpu.memory_space<semaphore_mem>>)
      %dma_wait3A_101 = arith.constant 0 : i32
      %dma_wait3A_102 = arith.constant 0 : i32
      %dma_wait3A_103 = tpu.memref_slice %arg4[%add3A, %run_scoped3A, %dma_wait3A_101, %dma_wait3A_102] : memref<32x108x2x96xi32, #tpu.memory_space<hbm>> -> memref<1x1x2x96xi32, #tpu.memory_space<hbm>>
      %dma_wait3A_104 = tpu.memref_squeeze %dma_wait3A_103 : memref<1x1x2x96xi32, #tpu.memory_space<hbm>> -> memref<2x96xi32, #tpu.memory_space<hbm>>
      %dma_wait3A_105 = arith.constant 0 : i32
      %dma_wait3A_106 = arith.constant 0 : i32
      %dma_wait3A_107 = tpu.memref_slice %arg4[%add3A, %run_scoped3A, %dma_wait3A_105, %dma_wait3A_106] : memref<32x108x2x96xi32, #tpu.memory_space<hbm>> -> memref<1x1x2x96xi32, #tpu.memory_space<hbm>>
      %dma_wait3A_108 = tpu.memref_squeeze %dma_wait3A_107 : memref<1x1x2x96xi32, #tpu.memory_space<hbm>> -> memref<2x96xi32, #tpu.memory_space<hbm>>
      tpu.wait_dma2 semaphore(%run_scoped3A_92 : memref<!tpu.dma_semaphore, #tpu.memory_space<semaphore_mem>>) src(%dma_wait3A_108 : memref<2x96xi32, #tpu.memory_space<hbm>>) dst(%arg6 : memref<2x96xi32, #tpu.memory_space<vmem>>)
      tpu.yield
    }) : () -> ()
    %dma_start3A = arith.constant 0 : i32
    %dma_start3A_37 = arith.constant 0 : i32
    %dma_start3A_38 = tpu.memref_slice %arg6[%dma_start3A, %dma_start3A_37] : memref<2x96xi32, #tpu.memory_space<vmem>> -> memref<1x96xi32, #tpu.memory_space<vmem>>
    %dma_start3A_39 = tpu.memref_squeeze %dma_start3A_38 : memref<1x96xi32, #tpu.memory_space<vmem>> -> memref<96xi32, #tpu.memory_space<vmem>>
    %dma_start3A_40 = arith.constant 0 : i32
    %dma_start3A_41 = arith.constant 0 : i32
    %dma_start3A_42 = tpu.memref_slice %arg2[%dma_start3A_40, %dma_start3A_41] : memref<10112x144xf32, #tpu.memory_space<hbm>> -> memref<10112x144xf32, #tpu.memory_space<hbm>>
    tpu.enqueue_indirect_dma source(%dma_start3A_42 : memref<10112x144xf32, #tpu.memory_space<hbm>>) target(%arg8 : memref<96x144xf32, #tpu.memory_space<vmem>>) offsets(%dma_start3A_39 : memref<96xi32, #tpu.memory_space<vmem>>) semaphore(%arg15 : memref<!tpu.dma_semaphore, #tpu.memory_space<semaphore_mem>>)
    %dma_start3A_43 = arith.constant 1 : i32
    %dma_start3A_44 = arith.constant 0 : i32
    %dma_start3A_45 = tpu.memref_slice %arg6[%dma_start3A_43, %dma_start3A_44] : memref<2x96xi32, #tpu.memory_space<vmem>> -> memref<1x96xi32, #tpu.memory_space<vmem>>
    %dma_start3A_46 = tpu.memref_squeeze %dma_start3A_45 : memref<1x96xi32, #tpu.memory_space<vmem>> -> memref<96xi32, #tpu.memory_space<vmem>>
    %dma_start3A_47 = arith.constant 0 : i32
    %dma_start3A_48 = arith.constant 0 : i32
    %dma_start3A_49 = tpu.memref_slice %arg3[%dma_start3A_47, %dma_start3A_48] : memref<10112x16xf32, #tpu.memory_space<hbm>> -> memref<10112x16xf32, #tpu.memory_space<hbm>>
    tpu.enqueue_indirect_dma source(%dma_start3A_49 : memref<10112x16xf32, #tpu.memory_space<hbm>>) target(%arg10 : memref<96x16xf32, #tpu.memory_space<vmem>>) offsets(%dma_start3A_46 : memref<96xi32, #tpu.memory_space<vmem>>) semaphore(%arg17 : memref<!tpu.dma_semaphore, #tpu.memory_space<semaphore_mem>>)
    %dma_start3A_50 = arith.constant 1 : i32
    %dma_start3A_51 = arith.constant 0 : i32
    %dma_start3A_52 = arith.constant 0 : i32
    %dma_start3A_53 = tpu.memref_slice %arg4[%add3A, %dma_start3A_50, %dma_start3A_51, %dma_start3A_52] : memref<32x108x2x96xi32, #tpu.memory_space<hbm>> -> memref<1x1x2x96xi32, #tpu.memory_space<hbm>>
    %dma_start3A_54 = tpu.memref_squeeze %dma_start3A_53 : memref<1x1x2x96xi32, #tpu.memory_space<hbm>> -> memref<2x96xi32, #tpu.memory_space<hbm>>
    %dma_start3A_55 = arith.constant 0 : i32
    %dma_start3A_56 = arith.constant 0 : i32
    %dma_start3A_57 = tpu.memref_slice %arg4[%add3A, %dma_start3A_50, %dma_start3A_55, %dma_start3A_56] : memref<32x108x2x96xi32, #tpu.memory_space<hbm>> -> memref<1x1x2x96xi32, #tpu.memory_space<hbm>>
    %dma_start3A_58 = tpu.memref_squeeze %dma_start3A_57 : memref<1x1x2x96xi32, #tpu.memory_space<hbm>> -> memref<2x96xi32, #tpu.memory_space<hbm>>
    tpu.enqueue_dma source(%dma_start3A_58 : memref<2x96xi32, #tpu.memory_space<hbm>>) target(%arg7 : memref<2x96xi32, #tpu.memory_space<vmem>>) target_semaphore(%arg14 : memref<!tpu.dma_semaphore, #tpu.memory_space<semaphore_mem>>)
    %scan3A_59 = arith.constant 0 : i32
    %scan3A_60 = arith.constant 0 : i32
    %scan3A_61 = arith.constant 54 : i32
    %scan3A_62 = arith.addi %scan3A_60, %scan3A_61 : i32
    %scan3A_63 = arith.constant 1 : i32
    scf.for %scan3A_92 = %scan3A_60 to %scan3A_62 step %scan3A_63  : i32 {
      %mul3A_93 = arith.constant 2 : i32
      %mul3A_94 = arith.muli %scan3A_92, %mul3A_93 : i32
      %add3A_95 = arith.constant 1 : i32
      %add3A_96 = arith.addi %mul3A_94, %add3A_95 : i32
      %min3A = arith.constant 107 : i32
      %min3A_97 = arith.minsi %add3A_96, %min3A : i32
      %dma_wait3A_98 = arith.constant 0 : i32
      %dma_wait3A_99 = arith.constant 0 : i32
      %dma_wait3A_100 = tpu.memref_slice %arg4[%add3A, %min3A_97, %dma_wait3A_98, %dma_wait3A_99] : memref<32x108x2x96xi32, #tpu.memory_space<hbm>> -> memref<1x1x2x96xi32, #tpu.memory_space<hbm>>
      %dma_wait3A_101 = tpu.memref_squeeze %dma_wait3A_100 : memref<1x1x2x96xi32, #tpu.memory_space<hbm>> -> memref<2x96xi32, #tpu.memory_space<hbm>>
      %dma_wait3A_102 = arith.constant 0 : i32
      %dma_wait3A_103 = arith.constant 0 : i32
      %dma_wait3A_104 = tpu.memref_slice %arg4[%add3A, %min3A_97, %dma_wait3A_102, %dma_wait3A_103] : memref<32x108x2x96xi32, #tpu.memory_space<hbm>> -> memref<1x1x2x96xi32, #tpu.memory_space<hbm>>
      %dma_wait3A_105 = tpu.memref_squeeze %dma_wait3A_104 : memref<1x1x2x96xi32, #tpu.memory_space<hbm>> -> memref<2x96xi32, #tpu.memory_space<hbm>>
      tpu.wait_dma2 semaphore(%arg14 : memref<!tpu.dma_semaphore, #tpu.memory_space<semaphore_mem>>) src(%dma_wait3A_105 : memref<2x96xi32, #tpu.memory_space<hbm>>) dst(%arg7 : memref<2x96xi32, #tpu.memory_space<vmem>>)
      %dma_start3A_106 = arith.constant 0 : i32
      %dma_start3A_107 = arith.constant 0 : i32
      %dma_start3A_108 = tpu.memref_slice %arg7[%dma_start3A_106, %dma_start3A_107] : memref<2x96xi32, #tpu.memory_space<vmem>> -> memref<1x96xi32, #tpu.memory_space<vmem>>
      %dma_start3A_109 = tpu.memref_squeeze %dma_start3A_108 : memref<1x96xi32, #tpu.memory_space<vmem>> -> memref<96xi32, #tpu.memory_space<vmem>>
      %dma_start3A_110 = arith.constant 0 : i32
      %dma_start3A_111 = arith.constant 0 : i32
      %dma_start3A_112 = tpu.memref_slice %arg2[%dma_start3A_110, %dma_start3A_111] : memref<10112x144xf32, #tpu.memory_space<hbm>> -> memref<10112x144xf32, #tpu.memory_space<hbm>>
      tpu.enqueue_indirect_dma source(%dma_start3A_112 : memref<10112x144xf32, #tpu.memory_space<hbm>>) target(%arg9 : memref<96x144xf32, #tpu.memory_space<vmem>>) offsets(%dma_start3A_109 : memref<96xi32, #tpu.memory_space<vmem>>) semaphore(%arg16 : memref<!tpu.dma_semaphore, #tpu.memory_space<semaphore_mem>>)
      %dma_start3A_113 = arith.constant 1 : i32
      %dma_start3A_114 = arith.constant 0 : i32
      %dma_start3A_115 = tpu.memref_slice %arg7[%dma_start3A_113, %dma_start3A_114] : memref<2x96xi32, #tpu.memory_space<vmem>> -> memref<1x96xi32, #tpu.memory_space<vmem>>
      %dma_start3A_116 = tpu.memref_squeeze %dma_start3A_115 : memref<1x96xi32, #tpu.memory_space<vmem>> -> memref<96xi32, #tpu.memory_space<vmem>>
      %dma_start3A_117 = arith.constant 0 : i32
      %dma_start3A_118 = arith.constant 0 : i32
      %dma_start3A_119 = tpu.memref_slice %arg3[%dma_start3A_117, %dma_start3A_118] : memref<10112x16xf32, #tpu.memory_space<hbm>> -> memref<10112x16xf32, #tpu.memory_space<hbm>>
      tpu.enqueue_indirect_dma source(%dma_start3A_119 : memref<10112x16xf32, #tpu.memory_space<hbm>>) target(%arg11 : memref<96x16xf32, #tpu.memory_space<vmem>>) offsets(%dma_start3A_116 : memref<96xi32, #tpu.memory_space<vmem>>) semaphore(%arg18 : memref<!tpu.dma_semaphore, #tpu.memory_space<semaphore_mem>>)
      %dma_wait3A_120 = arith.constant 0 : i32
      %dma_wait3A_121 = arith.constant 0 : i32
      %dma_wait3A_122 = tpu.memref_slice %arg6[%dma_wait3A_120, %dma_wait3A_121] : memref<2x96xi32, #tpu.memory_space<vmem>> -> memref<1x96xi32, #tpu.memory_space<vmem>>
      %dma_wait3A_123 = tpu.memref_squeeze %dma_wait3A_122 : memref<1x96xi32, #tpu.memory_space<vmem>> -> memref<96xi32, #tpu.memory_space<vmem>>
      %dma_wait3A_124 = arith.constant 0 : i32
      %dma_wait3A_125 = arith.constant 0 : i32
      %dma_wait3A_126 = tpu.memref_slice %arg2[%dma_wait3A_124, %dma_wait3A_125] : memref<10112x144xf32, #tpu.memory_space<hbm>> -> memref<10112x144xf32, #tpu.memory_space<hbm>>
      tpu.wait_indirect_dma semaphore(%arg15 : memref<!tpu.dma_semaphore, #tpu.memory_space<semaphore_mem>>) src(%dma_wait3A_126 : memref<10112x144xf32, #tpu.memory_space<hbm>>) dst(%arg8 : memref<96x144xf32, #tpu.memory_space<vmem>>)
      %dma_wait3A_127 = arith.constant 1 : i32
      %dma_wait3A_128 = arith.constant 0 : i32
      %dma_wait3A_129 = tpu.memref_slice %arg6[%dma_wait3A_127, %dma_wait3A_128] : memref<2x96xi32, #tpu.memory_space<vmem>> -> memref<1x96xi32, #tpu.memory_space<vmem>>
      %dma_wait3A_130 = tpu.memref_squeeze %dma_wait3A_129 : memref<1x96xi32, #tpu.memory_space<vmem>> -> memref<96xi32, #tpu.memory_space<vmem>>
      %dma_wait3A_131 = arith.constant 0 : i32
      %dma_wait3A_132 = arith.constant 0 : i32
      %dma_wait3A_133 = tpu.memref_slice %arg3[%dma_wait3A_131, %dma_wait3A_132] : memref<10112x16xf32, #tpu.memory_space<hbm>> -> memref<10112x16xf32, #tpu.memory_space<hbm>>
      tpu.wait_indirect_dma semaphore(%arg17 : memref<!tpu.dma_semaphore, #tpu.memory_space<semaphore_mem>>) src(%dma_wait3A_133 : memref<10112x16xf32, #tpu.memory_space<hbm>>) dst(%arg10 : memref<96x16xf32, #tpu.memory_space<vmem>>)
      %parallel_loop3A = arith.constant 0 : i32
      %parallel_loop3A_134 = arith.constant 96 : i32
      %parallel_loop3A_135 = arith.constant 1 : i32
      scf.for %parallel_loop3A_209 = %parallel_loop3A to %parallel_loop3A_134 step %parallel_loop3A_135  : i32 {
        %parallel_loop3A_210 = arith.index_cast %parallel_loop3A_209 : i32 to index
        %parallel_loop3A_211 = arith.constant 128 : index
        %parallel_loop3A_212 = tpu.vector_load %arg8[%parallel_loop3A_210, %parallel_loop3A_211] {strides = array<i32>} : memref<96x144xf32, #tpu.memory_space<vmem>>, vector<1x16xf32>,
        %parallel_loop3A_213 = vector.shape_cast %parallel_loop3A_212 : vector<1x16xf32> to vector<16xf32>
        %parallel_loop3A_214 = arith.index_cast %parallel_loop3A_209 : i32 to index
        %parallel_loop3A_215 = arith.constant 0 : index
        %parallel_loop3A_216 = tpu.vector_load %arg10[%parallel_loop3A_214, %parallel_loop3A_215] {strides = array<i32>} : memref<96x16xf32, #tpu.memory_space<vmem>>, vector<1x16xf32>,
        %parallel_loop3A_217 = vector.shape_cast %parallel_loop3A_216 : vector<1x16xf32> to vector<16xf32>
        %parallel_loop3A_218 = arith.addf %parallel_loop3A_213, %parallel_loop3A_217 : vector<16xf32>
        %parallel_loop3A_219 = arith.constant 2.000000e-01 : f32
        %parallel_loop3A_220 = vector.broadcast %parallel_loop3A_219 : f32 to vector<16xf32>
        %parallel_loop3A_221 = arith.mulf %parallel_loop3A_220, %parallel_loop3A_218 : vector<16xf32>
        %parallel_loop3A_222 = arith.maximumf %parallel_loop3A_218, %parallel_loop3A_221 : vector<16xf32>
        %parallel_loop3A_223 = math.exp %parallel_loop3A_222 : vector<16xf32>
        %parallel_loop3A_224 = arith.constant 8 : i32
        %parallel_loop3A_225 = vector.broadcast %parallel_loop3A_224 : i32 to vector<16xi32>
        %parallel_loop3A_226 = arith.cmpi slt, %iota3A, %parallel_loop3A_225 : vector<16xi32>
        %parallel_loop3A_227 = arith.constant 0.000000e+00 : f32
        %parallel_loop3A_228 = vector.broadcast %parallel_loop3A_227 : f32 to vector<16xf32>
        %parallel_loop3A_229 = arith.select %parallel_loop3A_226, %parallel_loop3A_223, %parallel_loop3A_228 : vector<16xi1>, vector<16xf32>
        %parallel_loop3A_230 = arith.index_cast %parallel_loop3A_209 : i32 to index
        %parallel_loop3A_231 = arith.constant 128 : index
        %parallel_loop3A_232 = tpu.vector_load %arg8[%parallel_loop3A_230, %parallel_loop3A_231] {strides = array<i32>} : memref<96x144xf32, #tpu.memory_space<vmem>>, vector<1x16xf32>,
        %parallel_loop3A_233 = vector.shape_cast %parallel_loop3A_232 : vector<1x16xf32> to vector<16xf32>
        %parallel_loop3A_234 = vector.shape_cast %parallel_loop3A_229 : vector<16xf32> to vector<1x16xf32>
        tpu.vector_store %arg8[%parallel_loop3A_230, %parallel_loop3A_231], %parallel_loop3A_234 {strides = array<i32>} : memref<96x144xf32, #tpu.memory_space<vmem>>, vector<1x16xf32>,
        %parallel_loop3A_235 = arith.constant 0 : i32
        %parallel_loop3A_236 = vector.broadcast %parallel_loop3A_235 : i32 to vector<16xi32>
        %parallel_loop3A_237 = arith.muli %iota3A, %parallel_loop3A_236 : vector<16xi32>
        %parallel_loop3A_238 = arith.constant 0 : i32
        %parallel_loop3A_239 = vector.broadcast %parallel_loop3A_238 : i32 to vector<16xi32>
        %parallel_loop3A_240 = arith.addi %parallel_loop3A_237, %parallel_loop3A_239 : vector<16xi32>
        %parallel_loop3A_241 = arith.constant 0 : i32
        %parallel_loop3A_242 = vector.broadcast %parallel_loop3A_241 : i32 to vector<16xi32>
        %parallel_loop3A_243 = arith.cmpi slt, %parallel_loop3A_240, %parallel_loop3A_242 : vector<16xi32>
        %parallel_loop3A_244 = arith.constant 16 : i32
        %parallel_loop3A_245 = vector.broadcast %parallel_loop3A_244 : i32 to vector<16xi32>
        %parallel_loop3A_246 = arith.addi %parallel_loop3A_240, %parallel_loop3A_245 : vector<16xi32>
        %parallel_loop3A_247 = arith.select %parallel_loop3A_243, %parallel_loop3A_246, %parallel_loop3A_240 : vector<16xi1>, vector<16xi32>
        %parallel_loop3A_248 = vector.shape_cast %parallel_loop3A_247 : vector<16xi32> to vector<16x1xi32>
        %parallel_loop3A_249 = vector.shape_cast %parallel_loop3A_248 : vector<16x1xi32> to vector<16xi32>
        %parallel_loop3A_250 = tpu.dynamic_gather %parallel_loop3A_229[%parallel_loop3A_249] in [0] : vector<16xf32>, vector<16xi32> -> vector<16xf32>
        %parallel_loop3A_251 = arith.index_cast %parallel_loop3A_209 : i32 to index
        %parallel_loop3A_252 = arith.constant 0 : index
        %parallel_loop3A_253 = tpu.vector_load %arg8[%parallel_loop3A_251, %parallel_loop3A_252] {strides = array<i32>} : memref<96x144xf32, #tpu.memory_space<vmem>>, vector<1x16xf32>,
        %parallel_loop3A_254 = vector.shape_cast %parallel_loop3A_253 : vector<1x16xf32> to vector<16xf32>
        %parallel_loop3A_255 = arith.mulf %parallel_loop3A_254, %parallel_loop3A_250 : vector<16xf32>
        %parallel_loop3A_256 = arith.index_cast %parallel_loop3A_209 : i32 to index
        %parallel_loop3A_257 = arith.constant 0 : index
        %parallel_loop3A_258 = tpu.vector_load %arg8[%parallel_loop3A_256, %parallel_loop3A_257] {strides = array<i32>} : memref<96x144xf32, #tpu.memory_space<vmem>>, vector<1x16xf32>,
        %parallel_loop3A_259 = vector.shape_cast %parallel_loop3A_258 : vector<1x16xf32> to vector<16xf32>
        %parallel_loop3A_260 = vector.shape_cast %parallel_loop3A_255 : vector<16xf32> to vector<1x16xf32>
        tpu.vector_store %arg8[%parallel_loop3A_256, %parallel_loop3A_257], %parallel_loop3A_260 {strides = array<i32>} : memref<96x144xf32, #tpu.memory_space<vmem>>, vector<1x16xf32>,
        %parallel_loop3A_261 = arith.constant 0 : i32
        %parallel_loop3A_262 = vector.broadcast %parallel_loop3A_261 : i32 to vector<16xi32>
        %parallel_loop3A_263 = arith.muli %iota3A, %parallel_loop3A_262 : vector<16xi32>
        %parallel_loop3A_264 = arith.constant 1 : i32
        %parallel_loop3A_265 = vector.broadcast %parallel_loop3A_264 : i32 to vector<16xi32>
        %parallel_loop3A_266 = arith.addi %parallel_loop3A_263, %parallel_loop3A_265 : vector<16xi32>
        %parallel_loop3A_267 = arith.constant 0 : i32
        %parallel_loop3A_268 = vector.broadcast %parallel_loop3A_267 : i32 to vector<16xi32>
        %parallel_loop3A_269 = arith.cmpi slt, %parallel_loop3A_266, %parallel_loop3A_268 : vector<16xi32>
        %parallel_loop3A_270 = arith.constant 16 : i32
        %parallel_loop3A_271 = vector.broadcast %parallel_loop3A_270 : i32 to vector<16xi32>
        %parallel_loop3A_272 = arith.addi %parallel_loop3A_266, %parallel_loop3A_271 : vector<16xi32>
        %parallel_loop3A_273 = arith.select %parallel_loop3A_269, %parallel_loop3A_272, %parallel_loop3A_266 : vector<16xi1>, vector<16xi32>
        %parallel_loop3A_274 = vector.shape_cast %parallel_loop3A_273 : vector<16xi32> to vector<16x1xi32>
        %parallel_loop3A_275 = vector.shape_cast %parallel_loop3A_274 : vector<16x1xi32> to vector<16xi32>
        %parallel_loop3A_276 = tpu.dynamic_gather %parallel_loop3A_229[%parallel_loop3A_275] in [0] : vector<16xf32>, vector<16xi32> -> vector<16xf32>
        %parallel_loop3A_277 = arith.index_cast %parallel_loop3A_209 : i32 to index
        %parallel_loop3A_278 = arith.constant 16 : index
        %parallel_loop3A_279 = tpu.vector_load %arg8[%parallel_loop3A_277, %parallel_loop3A_278] {strides = array<i32>} : memref<96x144xf32, #tpu.memory_space<vmem>>, vector<1x16xf32>,
        %parallel_loop3A_280 = vector.shape_cast %parallel_loop3A_279 : vector<1x16xf32> to vector<16xf32>
        %parallel_loop3A_281 = arith.mulf %parallel_loop3A_280, %parallel_loop3A_276 : vector<16xf32>
        %parallel_loop3A_282 = arith.index_cast %parallel_loop3A_209 : i32 to index
        %parallel_loop3A_283 = arith.constant 16 : index
        %parallel_loop3A_284 = tpu.vector_load %arg8[%parallel_loop3A_282, %parallel_loop3A_283] {strides = array<i32>} : memref<96x144xf32, #tpu.memory_space<vmem>>, vector<1x16xf32>,
        %parallel_loop3A_285 = vector.shape_cast %parallel_loop3A_284 : vector<1x16xf32> to vector<16xf32>
        %parallel_loop3A_286 = vector.shape_cast %parallel_loop3A_281 : vector<16xf32> to vector<1x16xf32>
        tpu.vector_store %arg8[%parallel_loop3A_282, %parallel_loop3A_283], %parallel_loop3A_286 {strides = array<i32>} : memref<96x144xf32, #tpu.memory_space<vmem>>, vector<1x16xf32>,
        %parallel_loop3A_287 = arith.constant 0 : i32
        %parallel_loop3A_288 = vector.broadcast %parallel_loop3A_287 : i32 to vector<16xi32>
        %parallel_loop3A_289 = arith.muli %iota3A, %parallel_loop3A_288 : vector<16xi32>
        %parallel_loop3A_290 = arith.constant 2 : i32
        %parallel_loop3A_291 = vector.broadcast %parallel_loop3A_290 : i32 to vector<16xi32>
        %parallel_loop3A_292 = arith.addi %parallel_loop3A_289, %parallel_loop3A_291 : vector<16xi32>
        %parallel_loop3A_293 = arith.constant 0 : i32
        %parallel_loop3A_294 = vector.broadcast %parallel_loop3A_293 : i32 to vector<16xi32>
        %parallel_loop3A_295 = arith.cmpi slt, %parallel_loop3A_292, %parallel_loop3A_294 : vector<16xi32>
        %parallel_loop3A_296 = arith.constant 16 : i32
        %parallel_loop3A_297 = vector.broadcast %parallel_loop3A_296 : i32 to vector<16xi32>
        %parallel_loop3A_298 = arith.addi %parallel_loop3A_292, %parallel_loop3A_297 : vector<16xi32>
        %parallel_loop3A_299 = arith.select %parallel_loop3A_295, %parallel_loop3A_298, %parallel_loop3A_292 : vector<16xi1>, vector<16xi32>
        %parallel_loop3A_300 = vector.shape_cast %parallel_loop3A_299 : vector<16xi32> to vector<16x1xi32>
        %parallel_loop3A_301 = vector.shape_cast %parallel_loop3A_300 : vector<16x1xi32> to vector<16xi32>
        %parallel_loop3A_302 = tpu.dynamic_gather %parallel_loop3A_229[%parallel_loop3A_301] in [0] : vector<16xf32>, vector<16xi32> -> vector<16xf32>
        %parallel_loop3A_303 = arith.index_cast %parallel_loop3A_209 : i32 to index
        %parallel_loop3A_304 = arith.constant 32 : index
        %parallel_loop3A_305 = tpu.vector_load %arg8[%parallel_loop3A_303, %parallel_loop3A_304] {strides = array<i32>} : memref<96x144xf32, #tpu.memory_space<vmem>>, vector<1x16xf32>,
        %parallel_loop3A_306 = vector.shape_cast %parallel_loop3A_305 : vector<1x16xf32> to vector<16xf32>
        %parallel_loop3A_307 = arith.mulf %parallel_loop3A_306, %parallel_loop3A_302 : vector<16xf32>
        %parallel_loop3A_308 = arith.index_cast %parallel_loop3A_209 : i32 to index
        %parallel_loop3A_309 = arith.constant 32 : index
        %parallel_loop3A_310 = tpu.vector_load %arg8[%parallel_loop3A_308, %parallel_loop3A_309] {strides = array<i32>} : memref<96x144xf32, #tpu.memory_space<vmem>>, vector<1x16xf32>,
        %parallel_loop3A_311 = vector.shape_cast %parallel_loop3A_310 : vector<1x16xf32> to vector<16xf32>
        %parallel_loop3A_312 = vector.shape_cast %parallel_loop3A_307 : vector<16xf32> to vector<1x16xf32>
        tpu.vector_store %arg8[%parallel_loop3A_308, %parallel_loop3A_309], %parallel_loop3A_312 {strides = array<i32>} : memref<96x144xf32, #tpu.memory_space<vmem>>, vector<1x16xf32>,
        %parallel_loop3A_313 = arith.constant 0 : i32
        %parallel_loop3A_314 = vector.broadcast %parallel_loop3A_313 : i32 to vector<16xi32>
        %parallel_loop3A_315 = arith.muli %iota3A, %parallel_loop3A_314 : vector<16xi32>
        %parallel_loop3A_316 = arith.constant 3 : i32
        %parallel_loop3A_317 = vector.broadcast %parallel_loop3A_316 : i32 to vector<16xi32>
        %parallel_loop3A_318 = arith.addi %parallel_loop3A_315, %parallel_loop3A_317 : vector<16xi32>
        %parallel_loop3A_319 = arith.constant 0 : i32
        %parallel_loop3A_320 = vector.broadcast %parallel_loop3A_319 : i32 to vector<16xi32>
        %parallel_loop3A_321 = arith.cmpi slt, %parallel_loop3A_318, %parallel_loop3A_320 : vector<16xi32>
        %parallel_loop3A_322 = arith.constant 16 : i32
        %parallel_loop3A_323 = vector.broadcast %parallel_loop3A_322 : i32 to vector<16xi32>
        %parallel_loop3A_324 = arith.addi %parallel_loop3A_318, %parallel_loop3A_323 : vector<16xi32>
        %parallel_loop3A_325 = arith.select %parallel_loop3A_321, %parallel_loop3A_324, %parallel_loop3A_318 : vector<16xi1>, vector<16xi32>
        %parallel_loop3A_326 = vector.shape_cast %parallel_loop3A_325 : vector<16xi32> to vector<16x1xi32>
        %parallel_loop3A_327 = vector.shape_cast %parallel_loop3A_326 : vector<16x1xi32> to vector<16xi32>
        %parallel_loop3A_328 = tpu.dynamic_gather %parallel_loop3A_229[%parallel_loop3A_327] in [0] : vector<16xf32>, vector<16xi32> -> vector<16xf32>
        %parallel_loop3A_329 = arith.index_cast %parallel_loop3A_209 : i32 to index
        %parallel_loop3A_330 = arith.constant 48 : index
        %parallel_loop3A_331 = tpu.vector_load %arg8[%parallel_loop3A_329, %parallel_loop3A_330] {strides = array<i32>} : memref<96x144xf32, #tpu.memory_space<vmem>>, vector<1x16xf32>,
        %parallel_loop3A_332 = vector.shape_cast %parallel_loop3A_331 : vector<1x16xf32> to vector<16xf32>
        %parallel_loop3A_333 = arith.mulf %parallel_loop3A_332, %parallel_loop3A_328 : vector<16xf32>
        %parallel_loop3A_334 = arith.index_cast %parallel_loop3A_209 : i32 to index
        %parallel_loop3A_335 = arith.constant 48 : index
        %parallel_loop3A_336 = tpu.vector_load %arg8[%parallel_loop3A_334, %parallel_loop3A_335] {strides = array<i32>} : memref<96x144xf32, #tpu.memory_space<vmem>>, vector<1x16xf32>,
        %parallel_loop3A_337 = vector.shape_cast %parallel_loop3A_336 : vector<1x16xf32> to vector<16xf32>
        %parallel_loop3A_338 = vector.shape_cast %parallel_loop3A_333 : vector<16xf32> to vector<1x16xf32>
        tpu.vector_store %arg8[%parallel_loop3A_334, %parallel_loop3A_335], %parallel_loop3A_338 {strides = array<i32>} : memref<96x144xf32, #tpu.memory_space<vmem>>, vector<1x16xf32>,
        %parallel_loop3A_339 = arith.constant 0 : i32
        %parallel_loop3A_340 = vector.broadcast %parallel_loop3A_339 : i32 to vector<16xi32>
        %parallel_loop3A_341 = arith.muli %iota3A, %parallel_loop3A_340 : vector<16xi32>
        %parallel_loop3A_342 = arith.constant 4 : i32
        %parallel_loop3A_343 = vector.broadcast %parallel_loop3A_342 : i32 to vector<16xi32>
        %parallel_loop3A_344 = arith.addi %parallel_loop3A_341, %parallel_loop3A_343 : vector<16xi32>
        %parallel_loop3A_345 = arith.constant 0 : i32
        %parallel_loop3A_346 = vector.broadcast %parallel_loop3A_345 : i32 to vector<16xi32>
        %parallel_loop3A_347 = arith.cmpi slt, %parallel_loop3A_344, %parallel_loop3A_346 : vector<16xi32>
        %parallel_loop3A_348 = arith.constant 16 : i32
        %parallel_loop3A_349 = vector.broadcast %parallel_loop3A_348 : i32 to vector<16xi32>
        %parallel_loop3A_350 = arith.addi %parallel_loop3A_344, %parallel_loop3A_349 : vector<16xi32>
        %parallel_loop3A_351 = arith.select %parallel_loop3A_347, %parallel_loop3A_350, %parallel_loop3A_344 : vector<16xi1>, vector<16xi32>
        %parallel_loop3A_352 = vector.shape_cast %parallel_loop3A_351 : vector<16xi32> to vector<16x1xi32>
        %parallel_loop3A_353 = vector.shape_cast %parallel_loop3A_352 : vector<16x1xi32> to vector<16xi32>
        %parallel_loop3A_354 = tpu.dynamic_gather %parallel_loop3A_229[%parallel_loop3A_353] in [0] : vector<16xf32>, vector<16xi32> -> vector<16xf32>
        %parallel_loop3A_355 = arith.index_cast %parallel_loop3A_209 : i32 to index
        %parallel_loop3A_356 = arith.constant 64 : index
        %parallel_loop3A_357 = tpu.vector_load %arg8[%parallel_loop3A_355, %parallel_loop3A_356] {strides = array<i32>} : memref<96x144xf32, #tpu.memory_space<vmem>>, vector<1x16xf32>,
        %parallel_loop3A_358 = vector.shape_cast %parallel_loop3A_357 : vector<1x16xf32> to vector<16xf32>
        %parallel_loop3A_359 = arith.mulf %parallel_loop3A_358, %parallel_loop3A_354 : vector<16xf32>
        %parallel_loop3A_360 = arith.index_cast %parallel_loop3A_209 : i32 to index
        %parallel_loop3A_361 = arith.constant 64 : index
        %parallel_loop3A_362 = tpu.vector_load %arg8[%parallel_loop3A_360, %parallel_loop3A_361] {strides = array<i32>} : memref<96x144xf32, #tpu.memory_space<vmem>>, vector<1x16xf32>,
        %parallel_loop3A_363 = vector.shape_cast %parallel_loop3A_362 : vector<1x16xf32> to vector<16xf32>
        %parallel_loop3A_364 = vector.shape_cast %parallel_loop3A_359 : vector<16xf32> to vector<1x16xf32>
        tpu.vector_store %arg8[%parallel_loop3A_360, %parallel_loop3A_361], %parallel_loop3A_364 {strides = array<i32>} : memref<96x144xf32, #tpu.memory_space<vmem>>, vector<1x16xf32>,
        %parallel_loop3A_365 = arith.constant 0 : i32
        %parallel_loop3A_366 = vector.broadcast %parallel_loop3A_365 : i32 to vector<16xi32>
        %parallel_loop3A_367 = arith.muli %iota3A, %parallel_loop3A_366 : vector<16xi32>
        %parallel_loop3A_368 = arith.constant 5 : i32
        %parallel_loop3A_369 = vector.broadcast %parallel_loop3A_368 : i32 to vector<16xi32>
        %parallel_loop3A_370 = arith.addi %parallel_loop3A_367, %parallel_loop3A_369 : vector<16xi32>
        %parallel_loop3A_371 = arith.constant 0 : i32
        %parallel_loop3A_372 = vector.broadcast %parallel_loop3A_371 : i32 to vector<16xi32>
        %parallel_loop3A_373 = arith.cmpi slt, %parallel_loop3A_370, %parallel_loop3A_372 : vector<16xi32>
        %parallel_loop3A_374 = arith.constant 16 : i32
        %parallel_loop3A_375 = vector.broadcast %parallel_loop3A_374 : i32 to vector<16xi32>
        %parallel_loop3A_376 = arith.addi %parallel_loop3A_370, %parallel_loop3A_375 : vector<16xi32>
        %parallel_loop3A_377 = arith.select %parallel_loop3A_373, %parallel_loop3A_376, %parallel_loop3A_370 : vector<16xi1>, vector<16xi32>
        %parallel_loop3A_378 = vector.shape_cast %parallel_loop3A_377 : vector<16xi32> to vector<16x1xi32>
        %parallel_loop3A_379 = vector.shape_cast %parallel_loop3A_378 : vector<16x1xi32> to vector<16xi32>
        %parallel_loop3A_380 = tpu.dynamic_gather %parallel_loop3A_229[%parallel_loop3A_379] in [0] : vector<16xf32>, vector<16xi32> -> vector<16xf32>
        %parallel_loop3A_381 = arith.index_cast %parallel_loop3A_209 : i32 to index
        %parallel_loop3A_382 = arith.constant 80 : index
        %parallel_loop3A_383 = tpu.vector_load %arg8[%parallel_loop3A_381, %parallel_loop3A_382] {strides = array<i32>} : memref<96x144xf32, #tpu.memory_space<vmem>>, vector<1x16xf32>,
        %parallel_loop3A_384 = vector.shape_cast %parallel_loop3A_383 : vector<1x16xf32> to vector<16xf32>
        %parallel_loop3A_385 = arith.mulf %parallel_loop3A_384, %parallel_loop3A_380 : vector<16xf32>
        %parallel_loop3A_386 = arith.index_cast %parallel_loop3A_209 : i32 to index
        %parallel_loop3A_387 = arith.constant 80 : index
        %parallel_loop3A_388 = tpu.vector_load %arg8[%parallel_loop3A_386, %parallel_loop3A_387] {strides = array<i32>} : memref<96x144xf32, #tpu.memory_space<vmem>>, vector<1x16xf32>,
        %parallel_loop3A_389 = vector.shape_cast %parallel_loop3A_388 : vector<1x16xf32> to vector<16xf32>
        %parallel_loop3A_390 = vector.shape_cast %parallel_loop3A_385 : vector<16xf32> to vector<1x16xf32>
        tpu.vector_store %arg8[%parallel_loop3A_386, %parallel_loop3A_387], %parallel_loop3A_390 {strides = array<i32>} : memref<96x144xf32, #tpu.memory_space<vmem>>, vector<1x16xf32>,
        %parallel_loop3A_391 = arith.constant 0 : i32
        %parallel_loop3A_392 = vector.broadcast %parallel_loop3A_391 : i32 to vector<16xi32>
        %parallel_loop3A_393 = arith.muli %iota3A, %parallel_loop3A_392 : vector<16xi32>
        %parallel_loop3A_394 = arith.constant 6 : i32
        %parallel_loop3A_395 = vector.broadcast %parallel_loop3A_394 : i32 to vector<16xi32>
        %parallel_loop3A_396 = arith.addi %parallel_loop3A_393, %parallel_loop3A_395 : vector<16xi32>
        %parallel_loop3A_397 = arith.constant 0 : i32
        %parallel_loop3A_398 = vector.broadcast %parallel_loop3A_397 : i32 to vector<16xi32>
        %parallel_loop3A_399 = arith.cmpi slt, %parallel_loop3A_396, %parallel_loop3A_398 : vector<16xi32>
        %parallel_loop3A_400 = arith.constant 16 : i32
        %parallel_loop3A_401 = vector.broadcast %parallel_loop3A_400 : i32 to vector<16xi32>
        %parallel_loop3A_402 = arith.addi %parallel_loop3A_396, %parallel_loop3A_401 : vector<16xi32>
        %parallel_loop3A_403 = arith.select %parallel_loop3A_399, %parallel_loop3A_402, %parallel_loop3A_396 : vector<16xi1>, vector<16xi32>
        %parallel_loop3A_404 = vector.shape_cast %parallel_loop3A_403 : vector<16xi32> to vector<16x1xi32>
        %parallel_loop3A_405 = vector.shape_cast %parallel_loop3A_404 : vector<16x1xi32> to vector<16xi32>
        %parallel_loop3A_406 = tpu.dynamic_gather %parallel_loop3A_229[%parallel_loop3A_405] in [0] : vector<16xf32>, vector<16xi32> -> vector<16xf32>
        %parallel_loop3A_407 = arith.index_cast %parallel_loop3A_209 : i32 to index
        %parallel_loop3A_408 = arith.constant 96 : index
        %parallel_loop3A_409 = tpu.vector_load %arg8[%parallel_loop3A_407, %parallel_loop3A_408] {strides = array<i32>} : memref<96x144xf32, #tpu.memory_space<vmem>>, vector<1x16xf32>,
        %parallel_loop3A_410 = vector.shape_cast %parallel_loop3A_409 : vector<1x16xf32> to vector<16xf32>
        %parallel_loop3A_411 = arith.mulf %parallel_loop3A_410, %parallel_loop3A_406 : vector<16xf32>
        %parallel_loop3A_412 = arith.index_cast %parallel_loop3A_209 : i32 to index
        %parallel_loop3A_413 = arith.constant 96 : index
        %parallel_loop3A_414 = tpu.vector_load %arg8[%parallel_loop3A_412, %parallel_loop3A_413] {strides = array<i32>} : memref<96x144xf32, #tpu.memory_space<vmem>>, vector<1x16xf32>,
        %parallel_loop3A_415 = vector.shape_cast %parallel_loop3A_414 : vector<1x16xf32> to vector<16xf32>
        %parallel_loop3A_416 = vector.shape_cast %parallel_loop3A_411 : vector<16xf32> to vector<1x16xf32>
        tpu.vector_store %arg8[%parallel_loop3A_412, %parallel_loop3A_413], %parallel_loop3A_416 {strides = array<i32>} : memref<96x144xf32, #tpu.memory_space<vmem>>, vector<1x16xf32>,
        %parallel_loop3A_417 = arith.constant 0 : i32
        %parallel_loop3A_418 = vector.broadcast %parallel_loop3A_417 : i32 to vector<16xi32>
        %parallel_loop3A_419 = arith.muli %iota3A, %parallel_loop3A_418 : vector<16xi32>
        %parallel_loop3A_420 = arith.constant 7 : i32
        %parallel_loop3A_421 = vector.broadcast %parallel_loop3A_420 : i32 to vector<16xi32>
        %parallel_loop3A_422 = arith.addi %parallel_loop3A_419, %parallel_loop3A_421 : vector<16xi32>
        %parallel_loop3A_423 = arith.constant 0 : i32
        %parallel_loop3A_424 = vector.broadcast %parallel_loop3A_423 : i32 to vector<16xi32>
        %parallel_loop3A_425 = arith.cmpi slt, %parallel_loop3A_422, %parallel_loop3A_424 : vector<16xi32>
        %parallel_loop3A_426 = arith.constant 16 : i32
        %parallel_loop3A_427 = vector.broadcast %parallel_loop3A_426 : i32 to vector<16xi32>
        %parallel_loop3A_428 = arith.addi %parallel_loop3A_422, %parallel_loop3A_427 : vector<16xi32>
        %parallel_loop3A_429 = arith.select %parallel_loop3A_425, %parallel_loop3A_428, %parallel_loop3A_422 : vector<16xi1>, vector<16xi32>
        %parallel_loop3A_430 = vector.shape_cast %parallel_loop3A_429 : vector<16xi32> to vector<16x1xi32>
        %parallel_loop3A_431 = vector.shape_cast %parallel_loop3A_430 : vector<16x1xi32> to vector<16xi32>
        %parallel_loop3A_432 = tpu.dynamic_gather %parallel_loop3A_229[%parallel_loop3A_431] in [0] : vector<16xf32>, vector<16xi32> -> vector<16xf32>
        %parallel_loop3A_433 = arith.index_cast %parallel_loop3A_209 : i32 to index
        %parallel_loop3A_434 = arith.constant 112 : index
        %parallel_loop3A_435 = tpu.vector_load %arg8[%parallel_loop3A_433, %parallel_loop3A_434] {strides = array<i32>} : memref<96x144xf32, #tpu.memory_space<vmem>>, vector<1x16xf32>,
        %parallel_loop3A_436 = vector.shape_cast %parallel_loop3A_435 : vector<1x16xf32> to vector<16xf32>
        %parallel_loop3A_437 = arith.mulf %parallel_loop3A_436, %parallel_loop3A_432 : vector<16xf32>
        %parallel_loop3A_438 = arith.index_cast %parallel_loop3A_209 : i32 to index
        %parallel_loop3A_439 = arith.constant 112 : index
        %parallel_loop3A_440 = tpu.vector_load %arg8[%parallel_loop3A_438, %parallel_loop3A_439] {strides = array<i32>} : memref<96x144xf32, #tpu.memory_space<vmem>>, vector<1x16xf32>,
        %parallel_loop3A_441 = vector.shape_cast %parallel_loop3A_440 : vector<1x16xf32> to vector<16xf32>
        %parallel_loop3A_442 = vector.shape_cast %parallel_loop3A_437 : vector<16xf32> to vector<1x16xf32>
        tpu.vector_store %arg8[%parallel_loop3A_438, %parallel_loop3A_439], %parallel_loop3A_442 {strides = array<i32>} : memref<96x144xf32, #tpu.memory_space<vmem>>, vector<1x16xf32>,
      } {sc.loop_unroll_factor = 4 : i64, sc.parallel_access}
      %run_scoped3A_136 = arith.constant 1 : i32
      "tpu.region"() ({
        %run_scoped3A_209 = tpu.sem_alloc : memref<!tpu.dma_semaphore, #tpu.memory_space<semaphore_mem>>
        %dma_start3A_210 = arith.constant 0 : i32
        %dma_start3A_211 = tpu.memref_slice %arg6[%run_scoped3A_136, %dma_start3A_210] : memref<2x96xi32, #tpu.memory_space<vmem>> -> memref<1x96xi32, #tpu.memory_space<vmem>>
        %dma_start3A_212 = tpu.memref_squeeze %dma_start3A_211 : memref<1x96xi32, #tpu.memory_space<vmem>> -> memref<96xi32, #tpu.memory_space<vmem>>
        %dma_start3A_213 = arith.constant 0 : i32
        %dma_start3A_214 = arith.constant 0 : i32
        %dma_start3A_215 = tpu.memref_slice %arg12[%dma_start3A_213, %dma_start3A_214] : memref<10112x144xf32, #tpu.memory_space<vmem_shared>> -> memref<10112x144xf32, #tpu.memory_space<vmem_shared>>
        tpu.enqueue_indirect_dma source(%arg8 : memref<96x144xf32, #tpu.memory_space<vmem>>) target(%dma_start3A_215 : memref<10112x144xf32, #tpu.memory_space<vmem_shared>>) offsets(%dma_start3A_212 : memref<96xi32, #tpu.memory_space<vmem>>) semaphore(%run_scoped3A_209 : memref<!tpu.dma_semaphore, #tpu.memory_space<semaphore_mem>>) {add = true}
        %dma_wait3A_216 = arith.constant 0 : i32
        %dma_wait3A_217 = tpu.memref_slice %arg6[%run_scoped3A_136, %dma_wait3A_216] : memref<2x96xi32, #tpu.memory_space<vmem>> -> memref<1x96xi32, #tpu.memory_space<vmem>>
        %dma_wait3A_218 = tpu.memref_squeeze %dma_wait3A_217 : memref<1x96xi32, #tpu.memory_space<vmem>> -> memref<96xi32, #tpu.memory_space<vmem>>
        %dma_wait3A_219 = arith.constant 0 : i32
        %dma_wait3A_220 = arith.constant 0 : i32
        %dma_wait3A_221 = tpu.memref_slice %arg12[%dma_wait3A_219, %dma_wait3A_220] : memref<10112x144xf32, #tpu.memory_space<vmem_shared>> -> memref<10112x144xf32, #tpu.memory_space<vmem_shared>>
        tpu.wait_indirect_dma semaphore(%run_scoped3A_209 : memref<!tpu.dma_semaphore, #tpu.memory_space<semaphore_mem>>) src(%arg8 : memref<96x144xf32, #tpu.memory_space<vmem>>) dst(%dma_wait3A_221 : memref<10112x144xf32, #tpu.memory_space<vmem_shared>>)
        tpu.yield
      }) : () -> ()
      %add3A_137 = arith.constant 2 : i32
      %add3A_138 = arith.addi %mul3A_94, %add3A_137 : i32
      %min3A_139 = arith.constant 107 : i32
      %min3A_140 = arith.minsi %add3A_138, %min3A_139 : i32
      %dma_start3A_141 = arith.constant 0 : i32
      %dma_start3A_142 = arith.constant 0 : i32
      %dma_start3A_143 = tpu.memref_slice %arg4[%add3A, %min3A_140, %dma_start3A_141, %dma_start3A_142] : memref<32x108x2x96xi32, #tpu.memory_space<hbm>> -> memref<1x1x2x96xi32, #tpu.memory_space<hbm>>
      %dma_start3A_144 = tpu.memref_squeeze %dma_start3A_143 : memref<1x1x2x96xi32, #tpu.memory_space<hbm>> -> memref<2x96xi32, #tpu.memory_space<hbm>>
      %dma_start3A_145 = arith.constant 0 : i32
      %dma_start3A_146 = arith.constant 0 : i32
      %dma_start3A_147 = tpu.memref_slice %arg4[%add3A, %min3A_140, %dma_start3A_145, %dma_start3A_146] : memref<32x108x2x96xi32, #tpu.memory_space<hbm>> -> memref<1x1x2x96xi32, #tpu.memory_space<hbm>>
      %dma_start3A_148 = tpu.memref_squeeze %dma_start3A_147 : memref<1x1x2x96xi32, #tpu.memory_space<hbm>> -> memref<2x96xi32, #tpu.memory_space<hbm>>
      tpu.enqueue_dma source(%dma_start3A_148 : memref<2x96xi32, #tpu.memory_space<hbm>>) target(%arg6 : memref<2x96xi32, #tpu.memory_space<vmem>>) target_semaphore(%arg13 : memref<!tpu.dma_semaphore, #tpu.memory_space<semaphore_mem>>)
      %mul3A_149 = arith.constant 2 : i32
      %mul3A_150 = arith.muli %scan3A_92, %mul3A_149 : i32
      %add3A_151 = arith.constant 1 : i32
      %add3A_152 = arith.addi %mul3A_150, %add3A_151 : i32
      %add3A_153 = arith.constant 1 : i32
      %add3A_154 = arith.addi %add3A_152, %add3A_153 : i32
      %min3A_155 = arith.constant 107 : i32
      %min3A_156 = arith.minsi %add3A_154, %min3A_155 : i32
      %dma_wait3A_157 = arith.constant 0 : i32
      %dma_wait3A_158 = arith.constant 0 : i32
      %dma_wait3A_159 = tpu.memref_slice %arg4[%add3A, %min3A_156, %dma_wait3A_157, %dma_wait3A_158] : memref<32x108x2x96xi32, #tpu.memory_space<hbm>> -> memref<1x1x2x96xi32, #tpu.memory_space<hbm>>
      %dma_wait3A_160 = tpu.memref_squeeze %dma_wait3A_159 : memref<1x1x2x96xi32, #tpu.memory_space<hbm>> -> memref<2x96xi32, #tpu.memory_space<hbm>>
      %dma_wait3A_161 = arith.constant 0 : i32
      %dma_wait3A_162 = arith.constant 0 : i32
      %dma_wait3A_163 = tpu.memref_slice %arg4[%add3A, %min3A_156, %dma_wait3A_161, %dma_wait3A_162] : memref<32x108x2x96xi32, #tpu.memory_space<hbm>> -> memref<1x1x2x96xi32, #tpu.memory_space<hbm>>
      %dma_wait3A_164 = tpu.memref_squeeze %dma_wait3A_163 : memref<1x1x2x96xi32, #tpu.memory_space<hbm>> -> memref<2x96xi32, #tpu.memory_space<hbm>>
      tpu.wait_dma2 semaphore(%arg13 : memref<!tpu.dma_semaphore, #tpu.memory_space<semaphore_mem>>) src(%dma_wait3A_164 : memref<2x96xi32, #tpu.memory_space<hbm>>) dst(%arg6 : memref<2x96xi32, #tpu.memory_space<vmem>>)
      %dma_start3A_165 = arith.constant 0 : i32
      %dma_start3A_166 = arith.constant 0 : i32
      %dma_start3A_167 = tpu.memref_slice %arg6[%dma_start3A_165, %dma_start3A_166] : memref<2x96xi32, #tpu.memory_space<vmem>> -> memref<1x96xi32, #tpu.memory_space<vmem>>
      %dma_start3A_168 = tpu.memref_squeeze %dma_start3A_167 : memref<1x96xi32, #tpu.memory_space<vmem>> -> memref<96xi32, #tpu.memory_space<vmem>>
      %dma_start3A_169 = arith.constant 0 : i32
      %dma_start3A_170 = arith.constant 0 : i32
      %dma_start3A_171 = tpu.memref_slice %arg2[%dma_start3A_169, %dma_start3A_170] : memref<10112x144xf32, #tpu.memory_space<hbm>> -> memref<10112x144xf32, #tpu.memory_space<hbm>>
      tpu.enqueue_indirect_dma source(%dma_start3A_171 : memref<10112x144xf32, #tpu.memory_space<hbm>>) target(%arg8 : memref<96x144xf32, #tpu.memory_space<vmem>>) offsets(%dma_start3A_168 : memref<96xi32, #tpu.memory_space<vmem>>) semaphore(%arg15 : memref<!tpu.dma_semaphore, #tpu.memory_space<semaphore_mem>>)
      %dma_start3A_172 = arith.constant 1 : i32
      %dma_start3A_173 = arith.constant 0 : i32
      %dma_start3A_174 = tpu.memref_slice %arg6[%dma_start3A_172, %dma_start3A_173] : memref<2x96xi32, #tpu.memory_space<vmem>> -> memref<1x96xi32, #tpu.memory_space<vmem>>
      %dma_start3A_175 = tpu.memref_squeeze %dma_start3A_174 : memref<1x96xi32, #tpu.memory_space<vmem>> -> memref<96xi32, #tpu.memory_space<vmem>>
      %dma_start3A_176 = arith.constant 0 : i32
      %dma_start3A_177 = arith.constant 0 : i32
      %dma_start3A_178 = tpu.memref_slice %arg3[%dma_start3A_176, %dma_start3A_177] : memref<10112x16xf32, #tpu.memory_space<hbm>> -> memref<10112x16xf32, #tpu.memory_space<hbm>>
      tpu.enqueue_indirect_dma source(%dma_start3A_178 : memref<10112x16xf32, #tpu.memory_space<hbm>>) target(%arg10 : memref<96x16xf32, #tpu.memory_space<vmem>>) offsets(%dma_start3A_175 : memref<96xi32, #tpu.memory_space<vmem>>) semaphore(%arg17 : memref<!tpu.dma_semaphore, #tpu.memory_space<semaphore_mem>>)
      %dma_wait3A_179 = arith.constant 0 : i32
      %dma_wait3A_180 = arith.constant 0 : i32
      %dma_wait3A_181 = tpu.memref_slice %arg7[%dma_wait3A_179, %dma_wait3A_180] : memref<2x96xi32, #tpu.memory_space<vmem>> -> memref<1x96xi32, #tpu.memory_space<vmem>>
      %dma_wait3A_182 = tpu.memref_squeeze %dma_wait3A_181 : memref<1x96xi32, #tpu.memory_space<vmem>> -> memref<96xi32, #tpu.memory_space<vmem>>
      %dma_wait3A_183 = arith.constant 0 : i32
      %dma_wait3A_184 = arith.constant 0 : i32
      %dma_wait3A_185 = tpu.memref_slice %arg2[%dma_wait3A_183, %dma_wait3A_184] : memref<10112x144xf32, #tpu.memory_space<hbm>> -> memref<10112x144xf32, #tpu.memory_space<hbm>>
      tpu.wait_indirect_dma semaphore(%arg16 : memref<!tpu.dma_semaphore, #tpu.memory_space<semaphore_mem>>) src(%dma_wait3A_185 : memref<10112x144xf32, #tpu.memory_space<hbm>>) dst(%arg9 : memref<96x144xf32, #tpu.memory_space<vmem>>)
      %dma_wait3A_186 = arith.constant 1 : i32
      %dma_wait3A_187 = arith.constant 0 : i32
      %dma_wait3A_188 = tpu.memref_slice %arg7[%dma_wait3A_186, %dma_wait3A_187] : memref<2x96xi32, #tpu.memory_space<vmem>> -> memref<1x96xi32, #tpu.memory_space<vmem>>
      %dma_wait3A_189 = tpu.memref_squeeze %dma_wait3A_188 : memref<1x96xi32, #tpu.memory_space<vmem>> -> memref<96xi32, #tpu.memory_space<vmem>>
      %dma_wait3A_190 = arith.constant 0 : i32
      %dma_wait3A_191 = arith.constant 0 : i32
      %dma_wait3A_192 = tpu.memref_slice %arg3[%dma_wait3A_190, %dma_wait3A_191] : memref<10112x16xf32, #tpu.memory_space<hbm>> -> memref<10112x16xf32, #tpu.memory_space<hbm>>
      tpu.wait_indirect_dma semaphore(%arg18 : memref<!tpu.dma_semaphore, #tpu.memory_space<semaphore_mem>>) src(%dma_wait3A_192 : memref<10112x16xf32, #tpu.memory_space<hbm>>) dst(%arg11 : memref<96x16xf32, #tpu.memory_space<vmem>>)
      %parallel_loop3A_193 = arith.constant 0 : i32
      %parallel_loop3A_194 = arith.constant 96 : i32
      %parallel_loop3A_195 = arith.constant 1 : i32
      scf.for %parallel_loop3A_209 = %parallel_loop3A_193 to %parallel_loop3A_194 step %parallel_loop3A_195  : i32 {
        %parallel_loop3A_210 = arith.index_cast %parallel_loop3A_209 : i32 to index
        %parallel_loop3A_211 = arith.constant 128 : index
        %parallel_loop3A_212 = tpu.vector_load %arg9[%parallel_loop3A_210, %parallel_loop3A_211] {strides = array<i32>} : memref<96x144xf32, #tpu.memory_space<vmem>>, vector<1x16xf32>,
        %parallel_loop3A_213 = vector.shape_cast %parallel_loop3A_212 : vector<1x16xf32> to vector<16xf32>
        %parallel_loop3A_214 = arith.index_cast %parallel_loop3A_209 : i32 to index
        %parallel_loop3A_215 = arith.constant 0 : index
        %parallel_loop3A_216 = tpu.vector_load %arg11[%parallel_loop3A_214, %parallel_loop3A_215] {strides = array<i32>} : memref<96x16xf32, #tpu.memory_space<vmem>>, vector<1x16xf32>,
        %parallel_loop3A_217 = vector.shape_cast %parallel_loop3A_216 : vector<1x16xf32> to vector<16xf32>
        %parallel_loop3A_218 = arith.addf %parallel_loop3A_213, %parallel_loop3A_217 : vector<16xf32>
        %parallel_loop3A_219 = arith.constant 2.000000e-01 : f32
        %parallel_loop3A_220 = vector.broadcast %parallel_loop3A_219 : f32 to vector<16xf32>
        %parallel_loop3A_221 = arith.mulf %parallel_loop3A_220, %parallel_loop3A_218 : vector<16xf32>
        %parallel_loop3A_222 = arith.maximumf %parallel_loop3A_218, %parallel_loop3A_221 : vector<16xf32>
        %parallel_loop3A_223 = math.exp %parallel_loop3A_222 : vector<16xf32>
        %parallel_loop3A_224 = arith.constant 8 : i32
        %parallel_loop3A_225 = vector.broadcast %parallel_loop3A_224 : i32 to vector<16xi32>
        %parallel_loop3A_226 = arith.cmpi slt, %iota3A, %parallel_loop3A_225 : vector<16xi32>
        %parallel_loop3A_227 = arith.constant 0.000000e+00 : f32
        %parallel_loop3A_228 = vector.broadcast %parallel_loop3A_227 : f32 to vector<16xf32>
        %parallel_loop3A_229 = arith.select %parallel_loop3A_226, %parallel_loop3A_223, %parallel_loop3A_228 : vector<16xi1>, vector<16xf32>
        %parallel_loop3A_230 = arith.index_cast %parallel_loop3A_209 : i32 to index
        %parallel_loop3A_231 = arith.constant 128 : index
        %parallel_loop3A_232 = tpu.vector_load %arg9[%parallel_loop3A_230, %parallel_loop3A_231] {strides = array<i32>} : memref<96x144xf32, #tpu.memory_space<vmem>>, vector<1x16xf32>,
        %parallel_loop3A_233 = vector.shape_cast %parallel_loop3A_232 : vector<1x16xf32> to vector<16xf32>
        %parallel_loop3A_234 = vector.shape_cast %parallel_loop3A_229 : vector<16xf32> to vector<1x16xf32>
        tpu.vector_store %arg9[%parallel_loop3A_230, %parallel_loop3A_231], %parallel_loop3A_234 {strides = array<i32>} : memref<96x144xf32, #tpu.memory_space<vmem>>, vector<1x16xf32>,
        %parallel_loop3A_235 = arith.constant 0 : i32
        %parallel_loop3A_236 = vector.broadcast %parallel_loop3A_235 : i32 to vector<16xi32>
        %parallel_loop3A_237 = arith.muli %iota3A, %parallel_loop3A_236 : vector<16xi32>
        %parallel_loop3A_238 = arith.constant 0 : i32
        %parallel_loop3A_239 = vector.broadcast %parallel_loop3A_238 : i32 to vector<16xi32>
        %parallel_loop3A_240 = arith.addi %parallel_loop3A_237, %parallel_loop3A_239 : vector<16xi32>
        %parallel_loop3A_241 = arith.constant 0 : i32
        %parallel_loop3A_242 = vector.broadcast %parallel_loop3A_241 : i32 to vector<16xi32>
        %parallel_loop3A_243 = arith.cmpi slt, %parallel_loop3A_240, %parallel_loop3A_242 : vector<16xi32>
        %parallel_loop3A_244 = arith.constant 16 : i32
        %parallel_loop3A_245 = vector.broadcast %parallel_loop3A_244 : i32 to vector<16xi32>
        %parallel_loop3A_246 = arith.addi %parallel_loop3A_240, %parallel_loop3A_245 : vector<16xi32>
        %parallel_loop3A_247 = arith.select %parallel_loop3A_243, %parallel_loop3A_246, %parallel_loop3A_240 : vector<16xi1>, vector<16xi32>
        %parallel_loop3A_248 = vector.shape_cast %parallel_loop3A_247 : vector<16xi32> to vector<16x1xi32>
        %parallel_loop3A_249 = vector.shape_cast %parallel_loop3A_248 : vector<16x1xi32> to vector<16xi32>
        %parallel_loop3A_250 = tpu.dynamic_gather %parallel_loop3A_229[%parallel_loop3A_249] in [0] : vector<16xf32>, vector<16xi32> -> vector<16xf32>
        %parallel_loop3A_251 = arith.index_cast %parallel_loop3A_209 : i32 to index
        %parallel_loop3A_252 = arith.constant 0 : index
        %parallel_loop3A_253 = tpu.vector_load %arg9[%parallel_loop3A_251, %parallel_loop3A_252] {strides = array<i32>} : memref<96x144xf32, #tpu.memory_space<vmem>>, vector<1x16xf32>,
        %parallel_loop3A_254 = vector.shape_cast %parallel_loop3A_253 : vector<1x16xf32> to vector<16xf32>
        %parallel_loop3A_255 = arith.mulf %parallel_loop3A_254, %parallel_loop3A_250 : vector<16xf32>
        %parallel_loop3A_256 = arith.index_cast %parallel_loop3A_209 : i32 to index
        %parallel_loop3A_257 = arith.constant 0 : index
        %parallel_loop3A_258 = tpu.vector_load %arg9[%parallel_loop3A_256, %parallel_loop3A_257] {strides = array<i32>} : memref<96x144xf32, #tpu.memory_space<vmem>>, vector<1x16xf32>,
        %parallel_loop3A_259 = vector.shape_cast %parallel_loop3A_258 : vector<1x16xf32> to vector<16xf32>
        %parallel_loop3A_260 = vector.shape_cast %parallel_loop3A_255 : vector<16xf32> to vector<1x16xf32>
        tpu.vector_store %arg9[%parallel_loop3A_256, %parallel_loop3A_257], %parallel_loop3A_260 {strides = array<i32>} : memref<96x144xf32, #tpu.memory_space<vmem>>, vector<1x16xf32>,
        %parallel_loop3A_261 = arith.constant 0 : i32
        %parallel_loop3A_262 = vector.broadcast %parallel_loop3A_261 : i32 to vector<16xi32>
        %parallel_loop3A_263 = arith.muli %iota3A, %parallel_loop3A_262 : vector<16xi32>
        %parallel_loop3A_264 = arith.constant 1 : i32
        %parallel_loop3A_265 = vector.broadcast %parallel_loop3A_264 : i32 to vector<16xi32>
        %parallel_loop3A_266 = arith.addi %parallel_loop3A_263, %parallel_loop3A_265 : vector<16xi32>
        %parallel_loop3A_267 = arith.constant 0 : i32
        %parallel_loop3A_268 = vector.broadcast %parallel_loop3A_267 : i32 to vector<16xi32>
        %parallel_loop3A_269 = arith.cmpi slt, %parallel_loop3A_266, %parallel_loop3A_268 : vector<16xi32>
        %parallel_loop3A_270 = arith.constant 16 : i32
        %parallel_loop3A_271 = vector.broadcast %parallel_loop3A_270 : i32 to vector<16xi32>
        %parallel_loop3A_272 = arith.addi %parallel_loop3A_266, %parallel_loop3A_271 : vector<16xi32>
        %parallel_loop3A_273 = arith.select %parallel_loop3A_269, %parallel_loop3A_272, %parallel_loop3A_266 : vector<16xi1>, vector<16xi32>
        %parallel_loop3A_274 = vector.shape_cast %parallel_loop3A_273 : vector<16xi32> to vector<16x1xi32>
        %parallel_loop3A_275 = vector.shape_cast %parallel_loop3A_274 : vector<16x1xi32> to vector<16xi32>
        %parallel_loop3A_276 = tpu.dynamic_gather %parallel_loop3A_229[%parallel_loop3A_275] in [0] : vector<16xf32>, vector<16xi32> -> vector<16xf32>
        %parallel_loop3A_277 = arith.index_cast %parallel_loop3A_209 : i32 to index
        %parallel_loop3A_278 = arith.constant 16 : index
        %parallel_loop3A_279 = tpu.vector_load %arg9[%parallel_loop3A_277, %parallel_loop3A_278] {strides = array<i32>} : memref<96x144xf32, #tpu.memory_space<vmem>>, vector<1x16xf32>,
        %parallel_loop3A_280 = vector.shape_cast %parallel_loop3A_279 : vector<1x16xf32> to vector<16xf32>
        %parallel_loop3A_281 = arith.mulf %parallel_loop3A_280, %parallel_loop3A_276 : vector<16xf32>
        %parallel_loop3A_282 = arith.index_cast %parallel_loop3A_209 : i32 to index
        %parallel_loop3A_283 = arith.constant 16 : index
        %parallel_loop3A_284 = tpu.vector_load %arg9[%parallel_loop3A_282, %parallel_loop3A_283] {strides = array<i32>} : memref<96x144xf32, #tpu.memory_space<vmem>>, vector<1x16xf32>,
        %parallel_loop3A_285 = vector.shape_cast %parallel_loop3A_284 : vector<1x16xf32> to vector<16xf32>
        %parallel_loop3A_286 = vector.shape_cast %parallel_loop3A_281 : vector<16xf32> to vector<1x16xf32>
        tpu.vector_store %arg9[%parallel_loop3A_282, %parallel_loop3A_283], %parallel_loop3A_286 {strides = array<i32>} : memref<96x144xf32, #tpu.memory_space<vmem>>, vector<1x16xf32>,
        %parallel_loop3A_287 = arith.constant 0 : i32
        %parallel_loop3A_288 = vector.broadcast %parallel_loop3A_287 : i32 to vector<16xi32>
        %parallel_loop3A_289 = arith.muli %iota3A, %parallel_loop3A_288 : vector<16xi32>
        %parallel_loop3A_290 = arith.constant 2 : i32
        %parallel_loop3A_291 = vector.broadcast %parallel_loop3A_290 : i32 to vector<16xi32>
        %parallel_loop3A_292 = arith.addi %parallel_loop3A_289, %parallel_loop3A_291 : vector<16xi32>
        %parallel_loop3A_293 = arith.constant 0 : i32
        %parallel_loop3A_294 = vector.broadcast %parallel_loop3A_293 : i32 to vector<16xi32>
        %parallel_loop3A_295 = arith.cmpi slt, %parallel_loop3A_292, %parallel_loop3A_294 : vector<16xi32>
        %parallel_loop3A_296 = arith.constant 16 : i32
        %parallel_loop3A_297 = vector.broadcast %parallel_loop3A_296 : i32 to vector<16xi32>
        %parallel_loop3A_298 = arith.addi %parallel_loop3A_292, %parallel_loop3A_297 : vector<16xi32>
        %parallel_loop3A_299 = arith.select %parallel_loop3A_295, %parallel_loop3A_298, %parallel_loop3A_292 : vector<16xi1>, vector<16xi32>
        %parallel_loop3A_300 = vector.shape_cast %parallel_loop3A_299 : vector<16xi32> to vector<16x1xi32>
        %parallel_loop3A_301 = vector.shape_cast %parallel_loop3A_300 : vector<16x1xi32> to vector<16xi32>
        %parallel_loop3A_302 = tpu.dynamic_gather %parallel_loop3A_229[%parallel_loop3A_301] in [0] : vector<16xf32>, vector<16xi32> -> vector<16xf32>
        %parallel_loop3A_303 = arith.index_cast %parallel_loop3A_209 : i32 to index
        %parallel_loop3A_304 = arith.constant 32 : index
        %parallel_loop3A_305 = tpu.vector_load %arg9[%parallel_loop3A_303, %parallel_loop3A_304] {strides = array<i32>} : memref<96x144xf32, #tpu.memory_space<vmem>>, vector<1x16xf32>,
        %parallel_loop3A_306 = vector.shape_cast %parallel_loop3A_305 : vector<1x16xf32> to vector<16xf32>
        %parallel_loop3A_307 = arith.mulf %parallel_loop3A_306, %parallel_loop3A_302 : vector<16xf32>
        %parallel_loop3A_308 = arith.index_cast %parallel_loop3A_209 : i32 to index
        %parallel_loop3A_309 = arith.constant 32 : index
        %parallel_loop3A_310 = tpu.vector_load %arg9[%parallel_loop3A_308, %parallel_loop3A_309] {strides = array<i32>} : memref<96x144xf32, #tpu.memory_space<vmem>>, vector<1x16xf32>,
        %parallel_loop3A_311 = vector.shape_cast %parallel_loop3A_310 : vector<1x16xf32> to vector<16xf32>
        %parallel_loop3A_312 = vector.shape_cast %parallel_loop3A_307 : vector<16xf32> to vector<1x16xf32>
        tpu.vector_store %arg9[%parallel_loop3A_308, %parallel_loop3A_309], %parallel_loop3A_312 {strides = array<i32>} : memref<96x144xf32, #tpu.memory_space<vmem>>, vector<1x16xf32>,
        %parallel_loop3A_313 = arith.constant 0 : i32
        %parallel_loop3A_314 = vector.broadcast %parallel_loop3A_313 : i32 to vector<16xi32>
        %parallel_loop3A_315 = arith.muli %iota3A, %parallel_loop3A_314 : vector<16xi32>
        %parallel_loop3A_316 = arith.constant 3 : i32
        %parallel_loop3A_317 = vector.broadcast %parallel_loop3A_316 : i32 to vector<16xi32>
        %parallel_loop3A_318 = arith.addi %parallel_loop3A_315, %parallel_loop3A_317 : vector<16xi32>
        %parallel_loop3A_319 = arith.constant 0 : i32
        %parallel_loop3A_320 = vector.broadcast %parallel_loop3A_319 : i32 to vector<16xi32>
        %parallel_loop3A_321 = arith.cmpi slt, %parallel_loop3A_318, %parallel_loop3A_320 : vector<16xi32>
        %parallel_loop3A_322 = arith.constant 16 : i32
        %parallel_loop3A_323 = vector.broadcast %parallel_loop3A_322 : i32 to vector<16xi32>
        %parallel_loop3A_324 = arith.addi %parallel_loop3A_318, %parallel_loop3A_323 : vector<16xi32>
        %parallel_loop3A_325 = arith.select %parallel_loop3A_321, %parallel_loop3A_324, %parallel_loop3A_318 : vector<16xi1>, vector<16xi32>
        %parallel_loop3A_326 = vector.shape_cast %parallel_loop3A_325 : vector<16xi32> to vector<16x1xi32>
        %parallel_loop3A_327 = vector.shape_cast %parallel_loop3A_326 : vector<16x1xi32> to vector<16xi32>
        %parallel_loop3A_328 = tpu.dynamic_gather %parallel_loop3A_229[%parallel_loop3A_327] in [0] : vector<16xf32>, vector<16xi32> -> vector<16xf32>
        %parallel_loop3A_329 = arith.index_cast %parallel_loop3A_209 : i32 to index
        %parallel_loop3A_330 = arith.constant 48 : index
        %parallel_loop3A_331 = tpu.vector_load %arg9[%parallel_loop3A_329, %parallel_loop3A_330] {strides = array<i32>} : memref<96x144xf32, #tpu.memory_space<vmem>>, vector<1x16xf32>,
        %parallel_loop3A_332 = vector.shape_cast %parallel_loop3A_331 : vector<1x16xf32> to vector<16xf32>
        %parallel_loop3A_333 = arith.mulf %parallel_loop3A_332, %parallel_loop3A_328 : vector<16xf32>
        %parallel_loop3A_334 = arith.index_cast %parallel_loop3A_209 : i32 to index
        %parallel_loop3A_335 = arith.constant 48 : index
        %parallel_loop3A_336 = tpu.vector_load %arg9[%parallel_loop3A_334, %parallel_loop3A_335] {strides = array<i32>} : memref<96x144xf32, #tpu.memory_space<vmem>>, vector<1x16xf32>,
        %parallel_loop3A_337 = vector.shape_cast %parallel_loop3A_336 : vector<1x16xf32> to vector<16xf32>
        %parallel_loop3A_338 = vector.shape_cast %parallel_loop3A_333 : vector<16xf32> to vector<1x16xf32>
        tpu.vector_store %arg9[%parallel_loop3A_334, %parallel_loop3A_335], %parallel_loop3A_338 {strides = array<i32>} : memref<96x144xf32, #tpu.memory_space<vmem>>, vector<1x16xf32>,
        %parallel_loop3A_339 = arith.constant 0 : i32
        %parallel_loop3A_340 = vector.broadcast %parallel_loop3A_339 : i32 to vector<16xi32>
        %parallel_loop3A_341 = arith.muli %iota3A, %parallel_loop3A_340 : vector<16xi32>
        %parallel_loop3A_342 = arith.constant 4 : i32
        %parallel_loop3A_343 = vector.broadcast %parallel_loop3A_342 : i32 to vector<16xi32>
        %parallel_loop3A_344 = arith.addi %parallel_loop3A_341, %parallel_loop3A_343 : vector<16xi32>
        %parallel_loop3A_345 = arith.constant 0 : i32
        %parallel_loop3A_346 = vector.broadcast %parallel_loop3A_345 : i32 to vector<16xi32>
        %parallel_loop3A_347 = arith.cmpi slt, %parallel_loop3A_344, %parallel_loop3A_346 : vector<16xi32>
        %parallel_loop3A_348 = arith.constant 16 : i32
        %parallel_loop3A_349 = vector.broadcast %parallel_loop3A_348 : i32 to vector<16xi32>
        %parallel_loop3A_350 = arith.addi %parallel_loop3A_344, %parallel_loop3A_349 : vector<16xi32>
        %parallel_loop3A_351 = arith.select %parallel_loop3A_347, %parallel_loop3A_350, %parallel_loop3A_344 : vector<16xi1>, vector<16xi32>
        %parallel_loop3A_352 = vector.shape_cast %parallel_loop3A_351 : vector<16xi32> to vector<16x1xi32>
        %parallel_loop3A_353 = vector.shape_cast %parallel_loop3A_352 : vector<16x1xi32> to vector<16xi32>
        %parallel_loop3A_354 = tpu.dynamic_gather %parallel_loop3A_229[%parallel_loop3A_353] in [0] : vector<16xf32>, vector<16xi32> -> vector<16xf32>
        %parallel_loop3A_355 = arith.index_cast %parallel_loop3A_209 : i32 to index
        %parallel_loop3A_356 = arith.constant 64 : index
        %parallel_loop3A_357 = tpu.vector_load %arg9[%parallel_loop3A_355, %parallel_loop3A_356] {strides = array<i32>} : memref<96x144xf32, #tpu.memory_space<vmem>>, vector<1x16xf32>,
        %parallel_loop3A_358 = vector.shape_cast %parallel_loop3A_357 : vector<1x16xf32> to vector<16xf32>
        %parallel_loop3A_359 = arith.mulf %parallel_loop3A_358, %parallel_loop3A_354 : vector<16xf32>
        %parallel_loop3A_360 = arith.index_cast %parallel_loop3A_209 : i32 to index
        %parallel_loop3A_361 = arith.constant 64 : index
        %parallel_loop3A_362 = tpu.vector_load %arg9[%parallel_loop3A_360, %parallel_loop3A_361] {strides = array<i32>} : memref<96x144xf32, #tpu.memory_space<vmem>>, vector<1x16xf32>,
        %parallel_loop3A_363 = vector.shape_cast %parallel_loop3A_362 : vector<1x16xf32> to vector<16xf32>
        %parallel_loop3A_364 = vector.shape_cast %parallel_loop3A_359 : vector<16xf32> to vector<1x16xf32>
        tpu.vector_store %arg9[%parallel_loop3A_360, %parallel_loop3A_361], %parallel_loop3A_364 {strides = array<i32>} : memref<96x144xf32, #tpu.memory_space<vmem>>, vector<1x16xf32>,
        %parallel_loop3A_365 = arith.constant 0 : i32
        %parallel_loop3A_366 = vector.broadcast %parallel_loop3A_365 : i32 to vector<16xi32>
        %parallel_loop3A_367 = arith.muli %iota3A, %parallel_loop3A_366 : vector<16xi32>
        %parallel_loop3A_368 = arith.constant 5 : i32
        %parallel_loop3A_369 = vector.broadcast %parallel_loop3A_368 : i32 to vector<16xi32>
        %parallel_loop3A_370 = arith.addi %parallel_loop3A_367, %parallel_loop3A_369 : vector<16xi32>
        %parallel_loop3A_371 = arith.constant 0 : i32
        %parallel_loop3A_372 = vector.broadcast %parallel_loop3A_371 : i32 to vector<16xi32>
        %parallel_loop3A_373 = arith.cmpi slt, %parallel_loop3A_370, %parallel_loop3A_372 : vector<16xi32>
        %parallel_loop3A_374 = arith.constant 16 : i32
        %parallel_loop3A_375 = vector.broadcast %parallel_loop3A_374 : i32 to vector<16xi32>
        %parallel_loop3A_376 = arith.addi %parallel_loop3A_370, %parallel_loop3A_375 : vector<16xi32>
        %parallel_loop3A_377 = arith.select %parallel_loop3A_373, %parallel_loop3A_376, %parallel_loop3A_370 : vector<16xi1>, vector<16xi32>
        %parallel_loop3A_378 = vector.shape_cast %parallel_loop3A_377 : vector<16xi32> to vector<16x1xi32>
        %parallel_loop3A_379 = vector.shape_cast %parallel_loop3A_378 : vector<16x1xi32> to vector<16xi32>
        %parallel_loop3A_380 = tpu.dynamic_gather %parallel_loop3A_229[%parallel_loop3A_379] in [0] : vector<16xf32>, vector<16xi32> -> vector<16xf32>
        %parallel_loop3A_381 = arith.index_cast %parallel_loop3A_209 : i32 to index
        %parallel_loop3A_382 = arith.constant 80 : index
        %parallel_loop3A_383 = tpu.vector_load %arg9[%parallel_loop3A_381, %parallel_loop3A_382] {strides = array<i32>} : memref<96x144xf32, #tpu.memory_space<vmem>>, vector<1x16xf32>,
        %parallel_loop3A_384 = vector.shape_cast %parallel_loop3A_383 : vector<1x16xf32> to vector<16xf32>
        %parallel_loop3A_385 = arith.mulf %parallel_loop3A_384, %parallel_loop3A_380 : vector<16xf32>
        %parallel_loop3A_386 = arith.index_cast %parallel_loop3A_209 : i32 to index
        %parallel_loop3A_387 = arith.constant 80 : index
        %parallel_loop3A_388 = tpu.vector_load %arg9[%parallel_loop3A_386, %parallel_loop3A_387] {strides = array<i32>} : memref<96x144xf32, #tpu.memory_space<vmem>>, vector<1x16xf32>,
        %parallel_loop3A_389 = vector.shape_cast %parallel_loop3A_388 : vector<1x16xf32> to vector<16xf32>
        %parallel_loop3A_390 = vector.shape_cast %parallel_loop3A_385 : vector<16xf32> to vector<1x16xf32>
        tpu.vector_store %arg9[%parallel_loop3A_386, %parallel_loop3A_387], %parallel_loop3A_390 {strides = array<i32>} : memref<96x144xf32, #tpu.memory_space<vmem>>, vector<1x16xf32>,
        %parallel_loop3A_391 = arith.constant 0 : i32
        %parallel_loop3A_392 = vector.broadcast %parallel_loop3A_391 : i32 to vector<16xi32>
        %parallel_loop3A_393 = arith.muli %iota3A, %parallel_loop3A_392 : vector<16xi32>
        %parallel_loop3A_394 = arith.constant 6 : i32
        %parallel_loop3A_395 = vector.broadcast %parallel_loop3A_394 : i32 to vector<16xi32>
        %parallel_loop3A_396 = arith.addi %parallel_loop3A_393, %parallel_loop3A_395 : vector<16xi32>
        %parallel_loop3A_397 = arith.constant 0 : i32
        %parallel_loop3A_398 = vector.broadcast %parallel_loop3A_397 : i32 to vector<16xi32>
        %parallel_loop3A_399 = arith.cmpi slt, %parallel_loop3A_396, %parallel_loop3A_398 : vector<16xi32>
        %parallel_loop3A_400 = arith.constant 16 : i32
        %parallel_loop3A_401 = vector.broadcast %parallel_loop3A_400 : i32 to vector<16xi32>
        %parallel_loop3A_402 = arith.addi %parallel_loop3A_396, %parallel_loop3A_401 : vector<16xi32>
        %parallel_loop3A_403 = arith.select %parallel_loop3A_399, %parallel_loop3A_402, %parallel_loop3A_396 : vector<16xi1>, vector<16xi32>
        %parallel_loop3A_404 = vector.shape_cast %parallel_loop3A_403 : vector<16xi32> to vector<16x1xi32>
        %parallel_loop3A_405 = vector.shape_cast %parallel_loop3A_404 : vector<16x1xi32> to vector<16xi32>
        %parallel_loop3A_406 = tpu.dynamic_gather %parallel_loop3A_229[%parallel_loop3A_405] in [0] : vector<16xf32>, vector<16xi32> -> vector<16xf32>
        %parallel_loop3A_407 = arith.index_cast %parallel_loop3A_209 : i32 to index
        %parallel_loop3A_408 = arith.constant 96 : index
        %parallel_loop3A_409 = tpu.vector_load %arg9[%parallel_loop3A_407, %parallel_loop3A_408] {strides = array<i32>} : memref<96x144xf32, #tpu.memory_space<vmem>>, vector<1x16xf32>,
        %parallel_loop3A_410 = vector.shape_cast %parallel_loop3A_409 : vector<1x16xf32> to vector<16xf32>
        %parallel_loop3A_411 = arith.mulf %parallel_loop3A_410, %parallel_loop3A_406 : vector<16xf32>
        %parallel_loop3A_412 = arith.index_cast %parallel_loop3A_209 : i32 to index
        %parallel_loop3A_413 = arith.constant 96 : index
        %parallel_loop3A_414 = tpu.vector_load %arg9[%parallel_loop3A_412, %parallel_loop3A_413] {strides = array<i32>} : memref<96x144xf32, #tpu.memory_space<vmem>>, vector<1x16xf32>,
        %parallel_loop3A_415 = vector.shape_cast %parallel_loop3A_414 : vector<1x16xf32> to vector<16xf32>
        %parallel_loop3A_416 = vector.shape_cast %parallel_loop3A_411 : vector<16xf32> to vector<1x16xf32>
        tpu.vector_store %arg9[%parallel_loop3A_412, %parallel_loop3A_413], %parallel_loop3A_416 {strides = array<i32>} : memref<96x144xf32, #tpu.memory_space<vmem>>, vector<1x16xf32>,
        %parallel_loop3A_417 = arith.constant 0 : i32
        %parallel_loop3A_418 = vector.broadcast %parallel_loop3A_417 : i32 to vector<16xi32>
        %parallel_loop3A_419 = arith.muli %iota3A, %parallel_loop3A_418 : vector<16xi32>
        %parallel_loop3A_420 = arith.constant 7 : i32
        %parallel_loop3A_421 = vector.broadcast %parallel_loop3A_420 : i32 to vector<16xi32>
        %parallel_loop3A_422 = arith.addi %parallel_loop3A_419, %parallel_loop3A_421 : vector<16xi32>
        %parallel_loop3A_423 = arith.constant 0 : i32
        %parallel_loop3A_424 = vector.broadcast %parallel_loop3A_423 : i32 to vector<16xi32>
        %parallel_loop3A_425 = arith.cmpi slt, %parallel_loop3A_422, %parallel_loop3A_424 : vector<16xi32>
        %parallel_loop3A_426 = arith.constant 16 : i32
        %parallel_loop3A_427 = vector.broadcast %parallel_loop3A_426 : i32 to vector<16xi32>
        %parallel_loop3A_428 = arith.addi %parallel_loop3A_422, %parallel_loop3A_427 : vector<16xi32>
        %parallel_loop3A_429 = arith.select %parallel_loop3A_425, %parallel_loop3A_428, %parallel_loop3A_422 : vector<16xi1>, vector<16xi32>
        %parallel_loop3A_430 = vector.shape_cast %parallel_loop3A_429 : vector<16xi32> to vector<16x1xi32>
        %parallel_loop3A_431 = vector.shape_cast %parallel_loop3A_430 : vector<16x1xi32> to vector<16xi32>
        %parallel_loop3A_432 = tpu.dynamic_gather %parallel_loop3A_229[%parallel_loop3A_431] in [0] : vector<16xf32>, vector<16xi32> -> vector<16xf32>
        %parallel_loop3A_433 = arith.index_cast %parallel_loop3A_209 : i32 to index
        %parallel_loop3A_434 = arith.constant 112 : index
        %parallel_loop3A_435 = tpu.vector_load %arg9[%parallel_loop3A_433, %parallel_loop3A_434] {strides = array<i32>} : memref<96x144xf32, #tpu.memory_space<vmem>>, vector<1x16xf32>,
        %parallel_loop3A_436 = vector.shape_cast %parallel_loop3A_435 : vector<1x16xf32> to vector<16xf32>
        %parallel_loop3A_437 = arith.mulf %parallel_loop3A_436, %parallel_loop3A_432 : vector<16xf32>
        %parallel_loop3A_438 = arith.index_cast %parallel_loop3A_209 : i32 to index
        %parallel_loop3A_439 = arith.constant 112 : index
        %parallel_loop3A_440 = tpu.vector_load %arg9[%parallel_loop3A_438, %parallel_loop3A_439] {strides = array<i32>} : memref<96x144xf32, #tpu.memory_space<vmem>>, vector<1x16xf32>,
        %parallel_loop3A_441 = vector.shape_cast %parallel_loop3A_440 : vector<1x16xf32> to vector<16xf32>
        %parallel_loop3A_442 = vector.shape_cast %parallel_loop3A_437 : vector<16xf32> to vector<1x16xf32>
        tpu.vector_store %arg9[%parallel_loop3A_438, %parallel_loop3A_439], %parallel_loop3A_442 {strides = array<i32>} : memref<96x144xf32, #tpu.memory_space<vmem>>, vector<1x16xf32>,
      } {sc.loop_unroll_factor = 4 : i64, sc.parallel_access}
      %run_scoped3A_196 = arith.constant 1 : i32
      "tpu.region"() ({
        %run_scoped3A_209 = tpu.sem_alloc : memref<!tpu.dma_semaphore, #tpu.memory_space<semaphore_mem>>
        %dma_start3A_210 = arith.constant 0 : i32
        %dma_start3A_211 = tpu.memref_slice %arg7[%run_scoped3A_196, %dma_start3A_210] : memref<2x96xi32, #tpu.memory_space<vmem>> -> memref<1x96xi32, #tpu.memory_space<vmem>>
        %dma_start3A_212 = tpu.memref_squeeze %dma_start3A_211 : memref<1x96xi32, #tpu.memory_space<vmem>> -> memref<96xi32, #tpu.memory_space<vmem>>
        %dma_start3A_213 = arith.constant 0 : i32
        %dma_start3A_214 = arith.constant 0 : i32
        %dma_start3A_215 = tpu.memref_slice %arg12[%dma_start3A_213, %dma_start3A_214] : memref<10112x144xf32, #tpu.memory_space<vmem_shared>> -> memref<10112x144xf32, #tpu.memory_space<vmem_shared>>
        tpu.enqueue_indirect_dma source(%arg9 : memref<96x144xf32, #tpu.memory_space<vmem>>) target(%dma_start3A_215 : memref<10112x144xf32, #tpu.memory_space<vmem_shared>>) offsets(%dma_start3A_212 : memref<96xi32, #tpu.memory_space<vmem>>) semaphore(%run_scoped3A_209 : memref<!tpu.dma_semaphore, #tpu.memory_space<semaphore_mem>>) {add = true}
        %dma_wait3A_216 = arith.constant 0 : i32
        %dma_wait3A_217 = tpu.memref_slice %arg7[%run_scoped3A_196, %dma_wait3A_216] : memref<2x96xi32, #tpu.memory_space<vmem>> -> memref<1x96xi32, #tpu.memory_space<vmem>>
        %dma_wait3A_218 = tpu.memref_squeeze %dma_wait3A_217 : memref<1x96xi32, #tpu.memory_space<vmem>> -> memref<96xi32, #tpu.memory_space<vmem>>
        %dma_wait3A_219 = arith.constant 0 : i32
        %dma_wait3A_220 = arith.constant 0 : i32
        %dma_wait3A_221 = tpu.memref_slice %arg12[%dma_wait3A_219, %dma_wait3A_220] : memref<10112x144xf32, #tpu.memory_space<vmem_shared>> -> memref<10112x144xf32, #tpu.memory_space<vmem_shared>>
        tpu.wait_indirect_dma semaphore(%run_scoped3A_209 : memref<!tpu.dma_semaphore, #tpu.memory_space<semaphore_mem>>) src(%arg9 : memref<96x144xf32, #tpu.memory_space<vmem>>) dst(%dma_wait3A_221 : memref<10112x144xf32, #tpu.memory_space<vmem_shared>>)
        tpu.yield
      }) : () -> ()
      %add3A_197 = arith.constant 2 : i32
      %add3A_198 = arith.addi %add3A_152, %add3A_197 : i32
      %min3A_199 = arith.constant 107 : i32
      %min3A_200 = arith.minsi %add3A_198, %min3A_199 : i32
      %dma_start3A_201 = arith.constant 0 : i32
      %dma_start3A_202 = arith.constant 0 : i32
      %dma_start3A_203 = tpu.memref_slice %arg4[%add3A, %min3A_200, %dma_start3A_201, %dma_start3A_202] : memref<32x108x2x96xi32, #tpu.memory_space<hbm>> -> memref<1x1x2x96xi32, #tpu.memory_space<hbm>>
      %dma_start3A_204 = tpu.memref_squeeze %dma_start3A_203 : memref<1x1x2x96xi32, #tpu.memory_space<hbm>> -> memref<2x96xi32, #tpu.memory_space<hbm>>
      %dma_start3A_205 = arith.constant 0 : i32
      %dma_start3A_206 = arith.constant 0 : i32
      %dma_start3A_207 = tpu.memref_slice %arg4[%add3A, %min3A_200, %dma_start3A_205, %dma_start3A_206] : memref<32x108x2x96xi32, #tpu.memory_space<hbm>> -> memref<1x1x2x96xi32, #tpu.memory_space<hbm>>
      %dma_start3A_208 = tpu.memref_squeeze %dma_start3A_207 : memref<1x1x2x96xi32, #tpu.memory_space<hbm>> -> memref<2x96xi32, #tpu.memory_space<hbm>>
      tpu.enqueue_dma source(%dma_start3A_208 : memref<2x96xi32, #tpu.memory_space<hbm>>) target(%arg7 : memref<2x96xi32, #tpu.memory_space<vmem>>) target_semaphore(%arg14 : memref<!tpu.dma_semaphore, #tpu.memory_space<semaphore_mem>>)
    }
    %scan3A_64 = arith.constant 54 : i32
    %dma_wait3A = arith.constant 0 : i32
    %dma_wait3A_65 = arith.constant 0 : i32
    %dma_wait3A_66 = tpu.memref_slice %arg6[%dma_wait3A, %dma_wait3A_65] : memref<2x96xi32, #tpu.memory_space<vmem>> -> memref<1x96xi32, #tpu.memory_space<vmem>>
    %dma_wait3A_67 = tpu.memref_squeeze %dma_wait3A_66 : memref<1x96xi32, #tpu.memory_space<vmem>> -> memref<96xi32, #tpu.memory_space<vmem>>
    %dma_wait3A_68 = arith.constant 0 : i32
    %dma_wait3A_69 = arith.constant 0 : i32
    %dma_wait3A_70 = tpu.memref_slice %arg2[%dma_wait3A_68, %dma_wait3A_69] : memref<10112x144xf32, #tpu.memory_space<hbm>> -> memref<10112x144xf32, #tpu.memory_space<hbm>>
    tpu.wait_indirect_dma semaphore(%arg15 : memref<!tpu.dma_semaphore, #tpu.memory_space<semaphore_mem>>) src(%dma_wait3A_70 : memref<10112x144xf32, #tpu.memory_space<hbm>>) dst(%arg8 : memref<96x144xf32, #tpu.memory_space<vmem>>)
    %dma_wait3A_71 = arith.constant 1 : i32
    %dma_wait3A_72 = arith.constant 0 : i32
    %dma_wait3A_73 = tpu.memref_slice %arg6[%dma_wait3A_71, %dma_wait3A_72] : memref<2x96xi32, #tpu.memory_space<vmem>> -> memref<1x96xi32, #tpu.memory_space<vmem>>
    %dma_wait3A_74 = tpu.memref_squeeze %dma_wait3A_73 : memref<1x96xi32, #tpu.memory_space<vmem>> -> memref<96xi32, #tpu.memory_space<vmem>>
    %dma_wait3A_75 = arith.constant 0 : i32
    %dma_wait3A_76 = arith.constant 0 : i32
    %dma_wait3A_77 = tpu.memref_slice %arg3[%dma_wait3A_75, %dma_wait3A_76] : memref<10112x16xf32, #tpu.memory_space<hbm>> -> memref<10112x16xf32, #tpu.memory_space<hbm>>
    tpu.wait_indirect_dma semaphore(%arg17 : memref<!tpu.dma_semaphore, #tpu.memory_space<semaphore_mem>>) src(%dma_wait3A_77 : memref<10112x16xf32, #tpu.memory_space<hbm>>) dst(%arg10 : memref<96x16xf32, #tpu.memory_space<vmem>>)
    %dma_wait3A_78 = arith.constant 107 : i32
    %dma_wait3A_79 = arith.constant 0 : i32
    %dma_wait3A_80 = arith.constant 0 : i32
    %dma_wait3A_81 = tpu.memref_slice %arg4[%add3A, %dma_wait3A_78, %dma_wait3A_79, %dma_wait3A_80] : memref<32x108x2x96xi32, #tpu.memory_space<hbm>> -> memref<1x1x2x96xi32, #tpu.memory_space<hbm>>
    %dma_wait3A_82 = tpu.memref_squeeze %dma_wait3A_81 : memref<1x1x2x96xi32, #tpu.memory_space<hbm>> -> memref<2x96xi32, #tpu.memory_space<hbm>>
    %dma_wait3A_83 = arith.constant 0 : i32
    %dma_wait3A_84 = arith.constant 0 : i32
    %dma_wait3A_85 = tpu.memref_slice %arg4[%add3A, %dma_wait3A_78, %dma_wait3A_83, %dma_wait3A_84] : memref<32x108x2x96xi32, #tpu.memory_space<hbm>> -> memref<1x1x2x96xi32, #tpu.memory_space<hbm>>
    %dma_wait3A_86 = tpu.memref_squeeze %dma_wait3A_85 : memref<1x1x2x96xi32, #tpu.memory_space<hbm>> -> memref<2x96xi32, #tpu.memory_space<hbm>>
    tpu.wait_dma2 semaphore(%arg14 : memref<!tpu.dma_semaphore, #tpu.memory_space<semaphore_mem>>) src(%dma_wait3A_86 : memref<2x96xi32, #tpu.memory_space<hbm>>) dst(%arg7 : memref<2x96xi32, #tpu.memory_space<vmem>>)
    %barrier3A_87 = arith.constant 0 : index
    tpu.barrier barrier_id(%barrier3A_87)
    %mul3A_88 = arith.constant 632 : i32
    %mul3A_89 = arith.muli %arg1, %mul3A_88 : i32
    %mul3A_90 = arith.constant 632 : i32
    %mul3A_91 = arith.muli %arg1, %mul3A_90 : i32
    "tpu.region"() ({
      %run_scoped3A_92 = tpu.sem_alloc : memref<!tpu.dma_semaphore, #tpu.memory_space<semaphore_mem>>
      %dma_start3A_93 = arith.constant 0 : i32
      %dma_start3A_94 = tpu.memref_slice %arg5[%arg0, %mul3A_91, %dma_start3A_93] : memref<2x10112x144xf32, #tpu.memory_space<hbm>> -> memref<1x632x144xf32, #tpu.memory_space<hbm>>
      %dma_start3A_95 = tpu.memref_squeeze %dma_start3A_94 : memref<1x632x144xf32, #tpu.memory_space<hbm>> -> memref<632x144xf32, #tpu.memory_space<hbm>>
      %dma_start3A_96 = arith.constant 0 : i32
      %dma_start3A_97 = tpu.memref_slice %arg12[%mul3A_89, %dma_start3A_96] : memref<10112x144xf32, #tpu.memory_space<vmem_shared>> -> memref<632x144xf32, #tpu.memory_space<vmem_shared>>
      tpu.enqueue_dma source(%dma_start3A_97 : memref<632x144xf32, #tpu.memory_space<vmem_shared>>) target(%dma_start3A_95 : memref<632x144xf32, #tpu.memory_space<hbm>>) target_semaphore(%run_scoped3A_92 : memref<!tpu.dma_semaphore, #tpu.memory_space<semaphore_mem>>)
      %dma_wait3A_98 = arith.constant 0 : i32
      %dma_wait3A_99 = tpu.memref_slice %arg5[%arg0, %mul3A_91, %dma_wait3A_98] : memref<2x10112x144xf32, #tpu.memory_space<hbm>> -> memref<1x632x144xf32, #tpu.memory_space<hbm>>
      %dma_wait3A_100 = tpu.memref_squeeze %dma_wait3A_99 : memref<1x632x144xf32, #tpu.memory_space<hbm>> -> memref<632x144xf32, #tpu.memory_space<hbm>>
      %dma_wait3A_101 = arith.constant 0 : i32
      %dma_wait3A_102 = tpu.memref_slice %arg12[%mul3A_89, %dma_wait3A_101] : memref<10112x144xf32, #tpu.memory_space<vmem_shared>> -> memref<632x144xf32, #tpu.memory_space<vmem_shared>>
      tpu.wait_dma2 semaphore(%run_scoped3A_92 : memref<!tpu.dma_semaphore, #tpu.memory_space<semaphore_mem>>) src(%dma_wait3A_102 : memref<632x144xf32, #tpu.memory_space<vmem_shared>>) dst(%dma_wait3A_100 : memref<632x144xf32, #tpu.memory_space<hbm>>)
      tpu.yield
    }) : () -> ()
    return
  }
}

#map = affine_map<(d0, d1) -> (0, 0)>
#map1 = affine_map<(d0, d1) -> (0, 0, 0, 0)>
#map2 = affine_map<(d0, d1) -> (0, 0, 0)>
module attributes {stable_mosaic.version = 14 : i64} {
  func.func @body(%arg0: i32, %arg1: i32, %arg2: memref<10112x32xf32, #tpu.memory_space<hbm>>, %arg3: memref<10112x16xf32, #tpu.memory_space<hbm>>, %arg4: memref<32x108x2x96xi32, #tpu.memory_space<hbm>>, %arg5: memref<2x10112x32xf32, #tpu.memory_space<hbm>>, %arg6: memref<2x96xi32, #tpu.memory_space<vmem>>, %arg7: memref<2x96xi32, #tpu.memory_space<vmem>>, %arg8: memref<96x32xf32, #tpu.memory_space<vmem>>, %arg9: memref<96x32xf32, #tpu.memory_space<vmem>>, %arg10: memref<96x16xf32, #tpu.memory_space<vmem>>, %arg11: memref<96x16xf32, #tpu.memory_space<vmem>>, %arg12: memref<10112x32xf32, #tpu.memory_space<vmem_shared>>, %arg13: memref<!tpu.dma_semaphore, #tpu.memory_space<semaphore_mem>>, %arg14: memref<!tpu.dma_semaphore, #tpu.memory_space<semaphore_mem>>, %arg15: memref<!tpu.dma_semaphore, #tpu.memory_space<semaphore_mem>>, %arg16: memref<!tpu.dma_semaphore, #tpu.memory_space<semaphore_mem>>, %arg17: memref<!tpu.dma_semaphore, #tpu.memory_space<semaphore_mem>>, %arg18: memref<!tpu.dma_semaphore, #tpu.memory_space<semaphore_mem>>) attributes {dimension_semantics = [#tpu.dimension_semantics<core_parallel>, #tpu.dimension_semantics<subcore_parallel>], iteration_bounds = array<i64: 2, 16>, scalar_prefetch = 0 : i64, scratch_operands = 13 : i64, tpu.core_type = #tpu.core_type<sc_vector_subcore>, window_params = [{transform_indices = #map}, {transform_indices = #map}, {transform_indices = #map1}, {transform_indices = #map2}]} {
    %mul3A = arith.constant 16 : i32
    %mul3A_0 = arith.muli %arg0, %mul3A : i32
    %add3A = arith.addi %mul3A_0, %arg1 : i32
    %iota3A = tpu.iota {dimensions = array<i32: 0>} : vector<16xi32>
    %convert_element_type3A = arith.sitofp %iota3A : vector<16xi32> to vector<16xf32>
    %mul3A_1 = arith.constant 0.000000e+00 : f32
    %mul3A_2 = vector.broadcast %mul3A_1 : f32 to vector<16xf32>
    %mul3A_3 = arith.mulf %convert_element_type3A, %mul3A_2 : vector<16xf32>
    %scan3A = arith.constant 0 : i32
    %scan3A_4 = arith.constant 0 : i32
    %scan3A_5 = arith.constant 96 : i32
    %scan3A_6 = arith.addi %scan3A_4, %scan3A_5 : i32
    %scan3A_7 = arith.constant 1 : i32
    scf.for %scan3A_92 = %scan3A_4 to %scan3A_6 step %scan3A_7  : i32 {
      %swap3A = arith.index_cast %scan3A_92 : i32 to index
      %swap3A_93 = arith.constant 0 : index
      %swap3A_94 = tpu.vector_load %arg8[%swap3A, %swap3A_93] {strides = array<i32>} : memref<96x32xf32, #tpu.memory_space<vmem>>, vector<1x16xf32>,
      %swap3A_95 = vector.shape_cast %swap3A_94 : vector<1x16xf32> to vector<16xf32>
      %swap3A_96 = vector.shape_cast %mul3A_3 : vector<16xf32> to vector<1x16xf32>
      tpu.vector_store %arg8[%swap3A, %swap3A_93], %swap3A_96 {strides = array<i32>} : memref<96x32xf32, #tpu.memory_space<vmem>>, vector<1x16xf32>,
      %swap3A_97 = arith.index_cast %scan3A_92 : i32 to index
      %swap3A_98 = arith.constant 16 : index
      %swap3A_99 = tpu.vector_load %arg8[%swap3A_97, %swap3A_98] {strides = array<i32>} : memref<96x32xf32, #tpu.memory_space<vmem>>, vector<1x16xf32>,
      %swap3A_100 = vector.shape_cast %swap3A_99 : vector<1x16xf32> to vector<16xf32>
      %swap3A_101 = vector.shape_cast %mul3A_3 : vector<16xf32> to vector<1x16xf32>
      tpu.vector_store %arg8[%swap3A_97, %swap3A_98], %swap3A_101 {strides = array<i32>} : memref<96x32xf32, #tpu.memory_space<vmem>>, vector<1x16xf32>,
    }
    %scan3A_8 = arith.constant 96 : i32
    %mul3A_9 = arith.constant 632 : i32
    %mul3A_10 = arith.muli %arg1, %mul3A_9 : i32
    %add3A_11 = arith.constant 0 : i32
    %add3A_12 = arith.addi %mul3A_10, %add3A_11 : i32
    "tpu.region"() ({
      %run_scoped3A_92 = tpu.sem_alloc : memref<!tpu.dma_semaphore, #tpu.memory_space<semaphore_mem>>
      %dma_start3A_93 = arith.constant 0 : i32
      %dma_start3A_94 = tpu.memref_slice %arg12[%add3A_12, %dma_start3A_93] : memref<10112x32xf32, #tpu.memory_space<vmem_shared>> -> memref<96x32xf32, #tpu.memory_space<vmem_shared>>
      %dma_start3A_95 = arith.constant 0 : i32
      %dma_start3A_96 = tpu.memref_slice %arg12[%add3A_12, %dma_start3A_95] : memref<10112x32xf32, #tpu.memory_space<vmem_shared>> -> memref<96x32xf32, #tpu.memory_space<vmem_shared>>
      tpu.enqueue_dma source(%arg8 : memref<96x32xf32, #tpu.memory_space<vmem>>) target(%dma_start3A_96 : memref<96x32xf32, #tpu.memory_space<vmem_shared>>) target_semaphore(%run_scoped3A_92 : memref<!tpu.dma_semaphore, #tpu.memory_space<semaphore_mem>>)
      %dma_wait3A_97 = arith.constant 0 : i32
      %dma_wait3A_98 = tpu.memref_slice %arg12[%add3A_12, %dma_wait3A_97] : memref<10112x32xf32, #tpu.memory_space<vmem_shared>> -> memref<96x32xf32, #tpu.memory_space<vmem_shared>>
      %dma_wait3A_99 = arith.constant 0 : i32
      %dma_wait3A_100 = tpu.memref_slice %arg12[%add3A_12, %dma_wait3A_99] : memref<10112x32xf32, #tpu.memory_space<vmem_shared>> -> memref<96x32xf32, #tpu.memory_space<vmem_shared>>
      tpu.wait_dma2 semaphore(%run_scoped3A_92 : memref<!tpu.dma_semaphore, #tpu.memory_space<semaphore_mem>>) src(%arg8 : memref<96x32xf32, #tpu.memory_space<vmem>>) dst(%dma_wait3A_100 : memref<96x32xf32, #tpu.memory_space<vmem_shared>>)
      tpu.yield
    }) : () -> ()
    %mul3A_13 = arith.constant 632 : i32
    %mul3A_14 = arith.muli %arg1, %mul3A_13 : i32
    %add3A_15 = arith.constant 96 : i32
    %add3A_16 = arith.addi %mul3A_14, %add3A_15 : i32
    "tpu.region"() ({
      %run_scoped3A_92 = tpu.sem_alloc : memref<!tpu.dma_semaphore, #tpu.memory_space<semaphore_mem>>
      %dma_start3A_93 = arith.constant 0 : i32
      %dma_start3A_94 = tpu.memref_slice %arg12[%add3A_16, %dma_start3A_93] : memref<10112x32xf32, #tpu.memory_space<vmem_shared>> -> memref<96x32xf32, #tpu.memory_space<vmem_shared>>
      %dma_start3A_95 = arith.constant 0 : i32
      %dma_start3A_96 = tpu.memref_slice %arg12[%add3A_16, %dma_start3A_95] : memref<10112x32xf32, #tpu.memory_space<vmem_shared>> -> memref<96x32xf32, #tpu.memory_space<vmem_shared>>
      tpu.enqueue_dma source(%arg8 : memref<96x32xf32, #tpu.memory_space<vmem>>) target(%dma_start3A_96 : memref<96x32xf32, #tpu.memory_space<vmem_shared>>) target_semaphore(%run_scoped3A_92 : memref<!tpu.dma_semaphore, #tpu.memory_space<semaphore_mem>>)
      %dma_wait3A_97 = arith.constant 0 : i32
      %dma_wait3A_98 = tpu.memref_slice %arg12[%add3A_16, %dma_wait3A_97] : memref<10112x32xf32, #tpu.memory_space<vmem_shared>> -> memref<96x32xf32, #tpu.memory_space<vmem_shared>>
      %dma_wait3A_99 = arith.constant 0 : i32
      %dma_wait3A_100 = tpu.memref_slice %arg12[%add3A_16, %dma_wait3A_99] : memref<10112x32xf32, #tpu.memory_space<vmem_shared>> -> memref<96x32xf32, #tpu.memory_space<vmem_shared>>
      tpu.wait_dma2 semaphore(%run_scoped3A_92 : memref<!tpu.dma_semaphore, #tpu.memory_space<semaphore_mem>>) src(%arg8 : memref<96x32xf32, #tpu.memory_space<vmem>>) dst(%dma_wait3A_100 : memref<96x32xf32, #tpu.memory_space<vmem_shared>>)
      tpu.yield
    }) : () -> ()
    %mul3A_17 = arith.constant 632 : i32
    %mul3A_18 = arith.muli %arg1, %mul3A_17 : i32
    %add3A_19 = arith.constant 192 : i32
    %add3A_20 = arith.addi %mul3A_18, %add3A_19 : i32
    "tpu.region"() ({
      %run_scoped3A_92 = tpu.sem_alloc : memref<!tpu.dma_semaphore, #tpu.memory_space<semaphore_mem>>
      %dma_start3A_93 = arith.constant 0 : i32
      %dma_start3A_94 = tpu.memref_slice %arg12[%add3A_20, %dma_start3A_93] : memref<10112x32xf32, #tpu.memory_space<vmem_shared>> -> memref<96x32xf32, #tpu.memory_space<vmem_shared>>
      %dma_start3A_95 = arith.constant 0 : i32
      %dma_start3A_96 = tpu.memref_slice %arg12[%add3A_20, %dma_start3A_95] : memref<10112x32xf32, #tpu.memory_space<vmem_shared>> -> memref<96x32xf32, #tpu.memory_space<vmem_shared>>
      tpu.enqueue_dma source(%arg8 : memref<96x32xf32, #tpu.memory_space<vmem>>) target(%dma_start3A_96 : memref<96x32xf32, #tpu.memory_space<vmem_shared>>) target_semaphore(%run_scoped3A_92 : memref<!tpu.dma_semaphore, #tpu.memory_space<semaphore_mem>>)
      %dma_wait3A_97 = arith.constant 0 : i32
      %dma_wait3A_98 = tpu.memref_slice %arg12[%add3A_20, %dma_wait3A_97] : memref<10112x32xf32, #tpu.memory_space<vmem_shared>> -> memref<96x32xf32, #tpu.memory_space<vmem_shared>>
      %dma_wait3A_99 = arith.constant 0 : i32
      %dma_wait3A_100 = tpu.memref_slice %arg12[%add3A_20, %dma_wait3A_99] : memref<10112x32xf32, #tpu.memory_space<vmem_shared>> -> memref<96x32xf32, #tpu.memory_space<vmem_shared>>
      tpu.wait_dma2 semaphore(%run_scoped3A_92 : memref<!tpu.dma_semaphore, #tpu.memory_space<semaphore_mem>>) src(%arg8 : memref<96x32xf32, #tpu.memory_space<vmem>>) dst(%dma_wait3A_100 : memref<96x32xf32, #tpu.memory_space<vmem_shared>>)
      tpu.yield
    }) : () -> ()
    %mul3A_21 = arith.constant 632 : i32
    %mul3A_22 = arith.muli %arg1, %mul3A_21 : i32
    %add3A_23 = arith.constant 288 : i32
    %add3A_24 = arith.addi %mul3A_22, %add3A_23 : i32
    "tpu.region"() ({
      %run_scoped3A_92 = tpu.sem_alloc : memref<!tpu.dma_semaphore, #tpu.memory_space<semaphore_mem>>
      %dma_start3A_93 = arith.constant 0 : i32
      %dma_start3A_94 = tpu.memref_slice %arg12[%add3A_24, %dma_start3A_93] : memref<10112x32xf32, #tpu.memory_space<vmem_shared>> -> memref<96x32xf32, #tpu.memory_space<vmem_shared>>
      %dma_start3A_95 = arith.constant 0 : i32
      %dma_start3A_96 = tpu.memref_slice %arg12[%add3A_24, %dma_start3A_95] : memref<10112x32xf32, #tpu.memory_space<vmem_shared>> -> memref<96x32xf32, #tpu.memory_space<vmem_shared>>
      tpu.enqueue_dma source(%arg8 : memref<96x32xf32, #tpu.memory_space<vmem>>) target(%dma_start3A_96 : memref<96x32xf32, #tpu.memory_space<vmem_shared>>) target_semaphore(%run_scoped3A_92 : memref<!tpu.dma_semaphore, #tpu.memory_space<semaphore_mem>>)
      %dma_wait3A_97 = arith.constant 0 : i32
      %dma_wait3A_98 = tpu.memref_slice %arg12[%add3A_24, %dma_wait3A_97] : memref<10112x32xf32, #tpu.memory_space<vmem_shared>> -> memref<96x32xf32, #tpu.memory_space<vmem_shared>>
      %dma_wait3A_99 = arith.constant 0 : i32
      %dma_wait3A_100 = tpu.memref_slice %arg12[%add3A_24, %dma_wait3A_99] : memref<10112x32xf32, #tpu.memory_space<vmem_shared>> -> memref<96x32xf32, #tpu.memory_space<vmem_shared>>
      tpu.wait_dma2 semaphore(%run_scoped3A_92 : memref<!tpu.dma_semaphore, #tpu.memory_space<semaphore_mem>>) src(%arg8 : memref<96x32xf32, #tpu.memory_space<vmem>>) dst(%dma_wait3A_100 : memref<96x32xf32, #tpu.memory_space<vmem_shared>>)
      tpu.yield
    }) : () -> ()
    %mul3A_25 = arith.constant 632 : i32
    %mul3A_26 = arith.muli %arg1, %mul3A_25 : i32
    %add3A_27 = arith.constant 384 : i32
    %add3A_28 = arith.addi %mul3A_26, %add3A_27 : i32
    "tpu.region"() ({
      %run_scoped3A_92 = tpu.sem_alloc : memref<!tpu.dma_semaphore, #tpu.memory_space<semaphore_mem>>
      %dma_start3A_93 = arith.constant 0 : i32
      %dma_start3A_94 = tpu.memref_slice %arg12[%add3A_28, %dma_start3A_93] : memref<10112x32xf32, #tpu.memory_space<vmem_shared>> -> memref<96x32xf32, #tpu.memory_space<vmem_shared>>
      %dma_start3A_95 = arith.constant 0 : i32
      %dma_start3A_96 = tpu.memref_slice %arg12[%add3A_28, %dma_start3A_95] : memref<10112x32xf32, #tpu.memory_space<vmem_shared>> -> memref<96x32xf32, #tpu.memory_space<vmem_shared>>
      tpu.enqueue_dma source(%arg8 : memref<96x32xf32, #tpu.memory_space<vmem>>) target(%dma_start3A_96 : memref<96x32xf32, #tpu.memory_space<vmem_shared>>) target_semaphore(%run_scoped3A_92 : memref<!tpu.dma_semaphore, #tpu.memory_space<semaphore_mem>>)
      %dma_wait3A_97 = arith.constant 0 : i32
      %dma_wait3A_98 = tpu.memref_slice %arg12[%add3A_28, %dma_wait3A_97] : memref<10112x32xf32, #tpu.memory_space<vmem_shared>> -> memref<96x32xf32, #tpu.memory_space<vmem_shared>>
      %dma_wait3A_99 = arith.constant 0 : i32
      %dma_wait3A_100 = tpu.memref_slice %arg12[%add3A_28, %dma_wait3A_99] : memref<10112x32xf32, #tpu.memory_space<vmem_shared>> -> memref<96x32xf32, #tpu.memory_space<vmem_shared>>
      tpu.wait_dma2 semaphore(%run_scoped3A_92 : memref<!tpu.dma_semaphore, #tpu.memory_space<semaphore_mem>>) src(%arg8 : memref<96x32xf32, #tpu.memory_space<vmem>>) dst(%dma_wait3A_100 : memref<96x32xf32, #tpu.memory_space<vmem_shared>>)
      tpu.yield
    }) : () -> ()
    %mul3A_29 = arith.constant 632 : i32
    %mul3A_30 = arith.muli %arg1, %mul3A_29 : i32
    %add3A_31 = arith.constant 480 : i32
    %add3A_32 = arith.addi %mul3A_30, %add3A_31 : i32
    "tpu.region"() ({
      %run_scoped3A_92 = tpu.sem_alloc : memref<!tpu.dma_semaphore, #tpu.memory_space<semaphore_mem>>
      %dma_start3A_93 = arith.constant 0 : i32
      %dma_start3A_94 = tpu.memref_slice %arg12[%add3A_32, %dma_start3A_93] : memref<10112x32xf32, #tpu.memory_space<vmem_shared>> -> memref<96x32xf32, #tpu.memory_space<vmem_shared>>
      %dma_start3A_95 = arith.constant 0 : i32
      %dma_start3A_96 = tpu.memref_slice %arg12[%add3A_32, %dma_start3A_95] : memref<10112x32xf32, #tpu.memory_space<vmem_shared>> -> memref<96x32xf32, #tpu.memory_space<vmem_shared>>
      tpu.enqueue_dma source(%arg8 : memref<96x32xf32, #tpu.memory_space<vmem>>) target(%dma_start3A_96 : memref<96x32xf32, #tpu.memory_space<vmem_shared>>) target_semaphore(%run_scoped3A_92 : memref<!tpu.dma_semaphore, #tpu.memory_space<semaphore_mem>>)
      %dma_wait3A_97 = arith.constant 0 : i32
      %dma_wait3A_98 = tpu.memref_slice %arg12[%add3A_32, %dma_wait3A_97] : memref<10112x32xf32, #tpu.memory_space<vmem_shared>> -> memref<96x32xf32, #tpu.memory_space<vmem_shared>>
      %dma_wait3A_99 = arith.constant 0 : i32
      %dma_wait3A_100 = tpu.memref_slice %arg12[%add3A_32, %dma_wait3A_99] : memref<10112x32xf32, #tpu.memory_space<vmem_shared>> -> memref<96x32xf32, #tpu.memory_space<vmem_shared>>
      tpu.wait_dma2 semaphore(%run_scoped3A_92 : memref<!tpu.dma_semaphore, #tpu.memory_space<semaphore_mem>>) src(%arg8 : memref<96x32xf32, #tpu.memory_space<vmem>>) dst(%dma_wait3A_100 : memref<96x32xf32, #tpu.memory_space<vmem_shared>>)
      tpu.yield
    }) : () -> ()
    %mul3A_33 = arith.constant 632 : i32
    %mul3A_34 = arith.muli %arg1, %mul3A_33 : i32
    %add3A_35 = arith.constant 576 : i32
    %add3A_36 = arith.addi %mul3A_34, %add3A_35 : i32
    "tpu.region"() ({
      %run_scoped3A_92 = tpu.sem_alloc : memref<!tpu.dma_semaphore, #tpu.memory_space<semaphore_mem>>
      %dma_start3A_93 = arith.constant 0 : i32
      %dma_start3A_94 = arith.constant 0 : i32
      %dma_start3A_95 = tpu.memref_slice %arg8[%dma_start3A_93, %dma_start3A_94] : memref<96x32xf32, #tpu.memory_space<vmem>> -> memref<56x32xf32, #tpu.memory_space<vmem>>
      %dma_start3A_96 = arith.constant 0 : i32
      %dma_start3A_97 = tpu.memref_slice %arg12[%add3A_36, %dma_start3A_96] : memref<10112x32xf32, #tpu.memory_space<vmem_shared>> -> memref<56x32xf32, #tpu.memory_space<vmem_shared>>
      %dma_start3A_98 = arith.constant 0 : i32
      %dma_start3A_99 = tpu.memref_slice %arg12[%add3A_36, %dma_start3A_98] : memref<10112x32xf32, #tpu.memory_space<vmem_shared>> -> memref<56x32xf32, #tpu.memory_space<vmem_shared>>
      %dma_start3A_100 = arith.constant 0 : i32
      %dma_start3A_101 = arith.constant 0 : i32
      %dma_start3A_102 = tpu.memref_slice %arg8[%dma_start3A_100, %dma_start3A_101] : memref<96x32xf32, #tpu.memory_space<vmem>> -> memref<56x32xf32, #tpu.memory_space<vmem>>
      tpu.enqueue_dma source(%dma_start3A_102 : memref<56x32xf32, #tpu.memory_space<vmem>>) target(%dma_start3A_99 : memref<56x32xf32, #tpu.memory_space<vmem_shared>>) target_semaphore(%run_scoped3A_92 : memref<!tpu.dma_semaphore, #tpu.memory_space<semaphore_mem>>)
      %dma_wait3A_103 = arith.constant 0 : i32
      %dma_wait3A_104 = arith.constant 0 : i32
      %dma_wait3A_105 = tpu.memref_slice %arg8[%dma_wait3A_103, %dma_wait3A_104] : memref<96x32xf32, #tpu.memory_space<vmem>> -> memref<56x32xf32, #tpu.memory_space<vmem>>
      %dma_wait3A_106 = arith.constant 0 : i32
      %dma_wait3A_107 = tpu.memref_slice %arg12[%add3A_36, %dma_wait3A_106] : memref<10112x32xf32, #tpu.memory_space<vmem_shared>> -> memref<56x32xf32, #tpu.memory_space<vmem_shared>>
      %dma_wait3A_108 = arith.constant 0 : i32
      %dma_wait3A_109 = tpu.memref_slice %arg12[%add3A_36, %dma_wait3A_108] : memref<10112x32xf32, #tpu.memory_space<vmem_shared>> -> memref<56x32xf32, #tpu.memory_space<vmem_shared>>
      %dma_wait3A_110 = arith.constant 0 : i32
      %dma_wait3A_111 = arith.constant 0 : i32
      %dma_wait3A_112 = tpu.memref_slice %arg8[%dma_wait3A_110, %dma_wait3A_111] : memref<96x32xf32, #tpu.memory_space<vmem>> -> memref<56x32xf32, #tpu.memory_space<vmem>>
      tpu.wait_dma2 semaphore(%run_scoped3A_92 : memref<!tpu.dma_semaphore, #tpu.memory_space<semaphore_mem>>) src(%dma_wait3A_112 : memref<56x32xf32, #tpu.memory_space<vmem>>) dst(%dma_wait3A_109 : memref<56x32xf32, #tpu.memory_space<vmem_shared>>)
      tpu.yield
    }) : () -> ()
    %barrier3A = arith.constant 0 : index
    tpu.barrier barrier_id(%barrier3A)
    %run_scoped3A = arith.constant 0 : i32
    "tpu.region"() ({
      %run_scoped3A_92 = tpu.sem_alloc : memref<!tpu.dma_semaphore, #tpu.memory_space<semaphore_mem>>
      %dma_start3A_93 = arith.constant 0 : i32
      %dma_start3A_94 = arith.constant 0 : i32
      %dma_start3A_95 = tpu.memref_slice %arg4[%add3A, %run_scoped3A, %dma_start3A_93, %dma_start3A_94] : memref<32x108x2x96xi32, #tpu.memory_space<hbm>> -> memref<1x1x2x96xi32, #tpu.memory_space<hbm>>
      %dma_start3A_96 = tpu.memref_squeeze %dma_start3A_95 : memref<1x1x2x96xi32, #tpu.memory_space<hbm>> -> memref<2x96xi32, #tpu.memory_space<hbm>>
      %dma_start3A_97 = arith.constant 0 : i32
      %dma_start3A_98 = arith.constant 0 : i32
      %dma_start3A_99 = tpu.memref_slice %arg4[%add3A, %run_scoped3A, %dma_start3A_97, %dma_start3A_98] : memref<32x108x2x96xi32, #tpu.memory_space<hbm>> -> memref<1x1x2x96xi32, #tpu.memory_space<hbm>>
      %dma_start3A_100 = tpu.memref_squeeze %dma_start3A_99 : memref<1x1x2x96xi32, #tpu.memory_space<hbm>> -> memref<2x96xi32, #tpu.memory_space<hbm>>
      tpu.enqueue_dma source(%dma_start3A_100 : memref<2x96xi32, #tpu.memory_space<hbm>>) target(%arg6 : memref<2x96xi32, #tpu.memory_space<vmem>>) target_semaphore(%run_scoped3A_92 : memref<!tpu.dma_semaphore, #tpu.memory_space<semaphore_mem>>)
      %dma_wait3A_101 = arith.constant 0 : i32
      %dma_wait3A_102 = arith.constant 0 : i32
      %dma_wait3A_103 = tpu.memref_slice %arg4[%add3A, %run_scoped3A, %dma_wait3A_101, %dma_wait3A_102] : memref<32x108x2x96xi32, #tpu.memory_space<hbm>> -> memref<1x1x2x96xi32, #tpu.memory_space<hbm>>
      %dma_wait3A_104 = tpu.memref_squeeze %dma_wait3A_103 : memref<1x1x2x96xi32, #tpu.memory_space<hbm>> -> memref<2x96xi32, #tpu.memory_space<hbm>>
      %dma_wait3A_105 = arith.constant 0 : i32
      %dma_wait3A_106 = arith.constant 0 : i32
      %dma_wait3A_107 = tpu.memref_slice %arg4[%add3A, %run_scoped3A, %dma_wait3A_105, %dma_wait3A_106] : memref<32x108x2x96xi32, #tpu.memory_space<hbm>> -> memref<1x1x2x96xi32, #tpu.memory_space<hbm>>
      %dma_wait3A_108 = tpu.memref_squeeze %dma_wait3A_107 : memref<1x1x2x96xi32, #tpu.memory_space<hbm>> -> memref<2x96xi32, #tpu.memory_space<hbm>>
      tpu.wait_dma2 semaphore(%run_scoped3A_92 : memref<!tpu.dma_semaphore, #tpu.memory_space<semaphore_mem>>) src(%dma_wait3A_108 : memref<2x96xi32, #tpu.memory_space<hbm>>) dst(%arg6 : memref<2x96xi32, #tpu.memory_space<vmem>>)
      tpu.yield
    }) : () -> ()
    %dma_start3A = arith.constant 0 : i32
    %dma_start3A_37 = arith.constant 0 : i32
    %dma_start3A_38 = tpu.memref_slice %arg6[%dma_start3A, %dma_start3A_37] : memref<2x96xi32, #tpu.memory_space<vmem>> -> memref<1x96xi32, #tpu.memory_space<vmem>>
    %dma_start3A_39 = tpu.memref_squeeze %dma_start3A_38 : memref<1x96xi32, #tpu.memory_space<vmem>> -> memref<96xi32, #tpu.memory_space<vmem>>
    %dma_start3A_40 = arith.constant 0 : i32
    %dma_start3A_41 = arith.constant 0 : i32
    %dma_start3A_42 = tpu.memref_slice %arg2[%dma_start3A_40, %dma_start3A_41] : memref<10112x32xf32, #tpu.memory_space<hbm>> -> memref<10112x32xf32, #tpu.memory_space<hbm>>
    tpu.enqueue_indirect_dma source(%dma_start3A_42 : memref<10112x32xf32, #tpu.memory_space<hbm>>) target(%arg8 : memref<96x32xf32, #tpu.memory_space<vmem>>) offsets(%dma_start3A_39 : memref<96xi32, #tpu.memory_space<vmem>>) semaphore(%arg15 : memref<!tpu.dma_semaphore, #tpu.memory_space<semaphore_mem>>)
    %dma_start3A_43 = arith.constant 1 : i32
    %dma_start3A_44 = arith.constant 0 : i32
    %dma_start3A_45 = tpu.memref_slice %arg6[%dma_start3A_43, %dma_start3A_44] : memref<2x96xi32, #tpu.memory_space<vmem>> -> memref<1x96xi32, #tpu.memory_space<vmem>>
    %dma_start3A_46 = tpu.memref_squeeze %dma_start3A_45 : memref<1x96xi32, #tpu.memory_space<vmem>> -> memref<96xi32, #tpu.memory_space<vmem>>
    %dma_start3A_47 = arith.constant 0 : i32
    %dma_start3A_48 = arith.constant 0 : i32
    %dma_start3A_49 = tpu.memref_slice %arg3[%dma_start3A_47, %dma_start3A_48] : memref<10112x16xf32, #tpu.memory_space<hbm>> -> memref<10112x16xf32, #tpu.memory_space<hbm>>
    tpu.enqueue_indirect_dma source(%dma_start3A_49 : memref<10112x16xf32, #tpu.memory_space<hbm>>) target(%arg10 : memref<96x16xf32, #tpu.memory_space<vmem>>) offsets(%dma_start3A_46 : memref<96xi32, #tpu.memory_space<vmem>>) semaphore(%arg17 : memref<!tpu.dma_semaphore, #tpu.memory_space<semaphore_mem>>)
    %dma_start3A_50 = arith.constant 1 : i32
    %dma_start3A_51 = arith.constant 0 : i32
    %dma_start3A_52 = arith.constant 0 : i32
    %dma_start3A_53 = tpu.memref_slice %arg4[%add3A, %dma_start3A_50, %dma_start3A_51, %dma_start3A_52] : memref<32x108x2x96xi32, #tpu.memory_space<hbm>> -> memref<1x1x2x96xi32, #tpu.memory_space<hbm>>
    %dma_start3A_54 = tpu.memref_squeeze %dma_start3A_53 : memref<1x1x2x96xi32, #tpu.memory_space<hbm>> -> memref<2x96xi32, #tpu.memory_space<hbm>>
    %dma_start3A_55 = arith.constant 0 : i32
    %dma_start3A_56 = arith.constant 0 : i32
    %dma_start3A_57 = tpu.memref_slice %arg4[%add3A, %dma_start3A_50, %dma_start3A_55, %dma_start3A_56] : memref<32x108x2x96xi32, #tpu.memory_space<hbm>> -> memref<1x1x2x96xi32, #tpu.memory_space<hbm>>
    %dma_start3A_58 = tpu.memref_squeeze %dma_start3A_57 : memref<1x1x2x96xi32, #tpu.memory_space<hbm>> -> memref<2x96xi32, #tpu.memory_space<hbm>>
    tpu.enqueue_dma source(%dma_start3A_58 : memref<2x96xi32, #tpu.memory_space<hbm>>) target(%arg7 : memref<2x96xi32, #tpu.memory_space<vmem>>) target_semaphore(%arg14 : memref<!tpu.dma_semaphore, #tpu.memory_space<semaphore_mem>>)
    %scan3A_59 = arith.constant 0 : i32
    %scan3A_60 = arith.constant 0 : i32
    %scan3A_61 = arith.constant 54 : i32
    %scan3A_62 = arith.addi %scan3A_60, %scan3A_61 : i32
    %scan3A_63 = arith.constant 1 : i32
    scf.for %scan3A_92 = %scan3A_60 to %scan3A_62 step %scan3A_63  : i32 {
      %mul3A_93 = arith.constant 2 : i32
      %mul3A_94 = arith.muli %scan3A_92, %mul3A_93 : i32
      %add3A_95 = arith.constant 1 : i32
      %add3A_96 = arith.addi %mul3A_94, %add3A_95 : i32
      %min3A = arith.constant 107 : i32
      %min3A_97 = arith.minsi %add3A_96, %min3A : i32
      %dma_wait3A_98 = arith.constant 0 : i32
      %dma_wait3A_99 = arith.constant 0 : i32
      %dma_wait3A_100 = tpu.memref_slice %arg4[%add3A, %min3A_97, %dma_wait3A_98, %dma_wait3A_99] : memref<32x108x2x96xi32, #tpu.memory_space<hbm>> -> memref<1x1x2x96xi32, #tpu.memory_space<hbm>>
      %dma_wait3A_101 = tpu.memref_squeeze %dma_wait3A_100 : memref<1x1x2x96xi32, #tpu.memory_space<hbm>> -> memref<2x96xi32, #tpu.memory_space<hbm>>
      %dma_wait3A_102 = arith.constant 0 : i32
      %dma_wait3A_103 = arith.constant 0 : i32
      %dma_wait3A_104 = tpu.memref_slice %arg4[%add3A, %min3A_97, %dma_wait3A_102, %dma_wait3A_103] : memref<32x108x2x96xi32, #tpu.memory_space<hbm>> -> memref<1x1x2x96xi32, #tpu.memory_space<hbm>>
      %dma_wait3A_105 = tpu.memref_squeeze %dma_wait3A_104 : memref<1x1x2x96xi32, #tpu.memory_space<hbm>> -> memref<2x96xi32, #tpu.memory_space<hbm>>
      tpu.wait_dma2 semaphore(%arg14 : memref<!tpu.dma_semaphore, #tpu.memory_space<semaphore_mem>>) src(%dma_wait3A_105 : memref<2x96xi32, #tpu.memory_space<hbm>>) dst(%arg7 : memref<2x96xi32, #tpu.memory_space<vmem>>)
      %dma_start3A_106 = arith.constant 0 : i32
      %dma_start3A_107 = arith.constant 0 : i32
      %dma_start3A_108 = tpu.memref_slice %arg7[%dma_start3A_106, %dma_start3A_107] : memref<2x96xi32, #tpu.memory_space<vmem>> -> memref<1x96xi32, #tpu.memory_space<vmem>>
      %dma_start3A_109 = tpu.memref_squeeze %dma_start3A_108 : memref<1x96xi32, #tpu.memory_space<vmem>> -> memref<96xi32, #tpu.memory_space<vmem>>
      %dma_start3A_110 = arith.constant 0 : i32
      %dma_start3A_111 = arith.constant 0 : i32
      %dma_start3A_112 = tpu.memref_slice %arg2[%dma_start3A_110, %dma_start3A_111] : memref<10112x32xf32, #tpu.memory_space<hbm>> -> memref<10112x32xf32, #tpu.memory_space<hbm>>
      tpu.enqueue_indirect_dma source(%dma_start3A_112 : memref<10112x32xf32, #tpu.memory_space<hbm>>) target(%arg9 : memref<96x32xf32, #tpu.memory_space<vmem>>) offsets(%dma_start3A_109 : memref<96xi32, #tpu.memory_space<vmem>>) semaphore(%arg16 : memref<!tpu.dma_semaphore, #tpu.memory_space<semaphore_mem>>)
      %dma_start3A_113 = arith.constant 1 : i32
      %dma_start3A_114 = arith.constant 0 : i32
      %dma_start3A_115 = tpu.memref_slice %arg7[%dma_start3A_113, %dma_start3A_114] : memref<2x96xi32, #tpu.memory_space<vmem>> -> memref<1x96xi32, #tpu.memory_space<vmem>>
      %dma_start3A_116 = tpu.memref_squeeze %dma_start3A_115 : memref<1x96xi32, #tpu.memory_space<vmem>> -> memref<96xi32, #tpu.memory_space<vmem>>
      %dma_start3A_117 = arith.constant 0 : i32
      %dma_start3A_118 = arith.constant 0 : i32
      %dma_start3A_119 = tpu.memref_slice %arg3[%dma_start3A_117, %dma_start3A_118] : memref<10112x16xf32, #tpu.memory_space<hbm>> -> memref<10112x16xf32, #tpu.memory_space<hbm>>
      tpu.enqueue_indirect_dma source(%dma_start3A_119 : memref<10112x16xf32, #tpu.memory_space<hbm>>) target(%arg11 : memref<96x16xf32, #tpu.memory_space<vmem>>) offsets(%dma_start3A_116 : memref<96xi32, #tpu.memory_space<vmem>>) semaphore(%arg18 : memref<!tpu.dma_semaphore, #tpu.memory_space<semaphore_mem>>)
      %dma_wait3A_120 = arith.constant 0 : i32
      %dma_wait3A_121 = arith.constant 0 : i32
      %dma_wait3A_122 = tpu.memref_slice %arg6[%dma_wait3A_120, %dma_wait3A_121] : memref<2x96xi32, #tpu.memory_space<vmem>> -> memref<1x96xi32, #tpu.memory_space<vmem>>
      %dma_wait3A_123 = tpu.memref_squeeze %dma_wait3A_122 : memref<1x96xi32, #tpu.memory_space<vmem>> -> memref<96xi32, #tpu.memory_space<vmem>>
      %dma_wait3A_124 = arith.constant 0 : i32
      %dma_wait3A_125 = arith.constant 0 : i32
      %dma_wait3A_126 = tpu.memref_slice %arg2[%dma_wait3A_124, %dma_wait3A_125] : memref<10112x32xf32, #tpu.memory_space<hbm>> -> memref<10112x32xf32, #tpu.memory_space<hbm>>
      tpu.wait_indirect_dma semaphore(%arg15 : memref<!tpu.dma_semaphore, #tpu.memory_space<semaphore_mem>>) src(%dma_wait3A_126 : memref<10112x32xf32, #tpu.memory_space<hbm>>) dst(%arg8 : memref<96x32xf32, #tpu.memory_space<vmem>>)
      %dma_wait3A_127 = arith.constant 1 : i32
      %dma_wait3A_128 = arith.constant 0 : i32
      %dma_wait3A_129 = tpu.memref_slice %arg6[%dma_wait3A_127, %dma_wait3A_128] : memref<2x96xi32, #tpu.memory_space<vmem>> -> memref<1x96xi32, #tpu.memory_space<vmem>>
      %dma_wait3A_130 = tpu.memref_squeeze %dma_wait3A_129 : memref<1x96xi32, #tpu.memory_space<vmem>> -> memref<96xi32, #tpu.memory_space<vmem>>
      %dma_wait3A_131 = arith.constant 0 : i32
      %dma_wait3A_132 = arith.constant 0 : i32
      %dma_wait3A_133 = tpu.memref_slice %arg3[%dma_wait3A_131, %dma_wait3A_132] : memref<10112x16xf32, #tpu.memory_space<hbm>> -> memref<10112x16xf32, #tpu.memory_space<hbm>>
      tpu.wait_indirect_dma semaphore(%arg17 : memref<!tpu.dma_semaphore, #tpu.memory_space<semaphore_mem>>) src(%dma_wait3A_133 : memref<10112x16xf32, #tpu.memory_space<hbm>>) dst(%arg10 : memref<96x16xf32, #tpu.memory_space<vmem>>)
      %parallel_loop3A = arith.constant 0 : i32
      %parallel_loop3A_134 = arith.constant 96 : i32
      %parallel_loop3A_135 = arith.constant 1 : i32
      scf.for %parallel_loop3A_209 = %parallel_loop3A to %parallel_loop3A_134 step %parallel_loop3A_135  : i32 {
        %parallel_loop3A_210 = arith.index_cast %parallel_loop3A_209 : i32 to index
        %parallel_loop3A_211 = arith.constant 16 : index
        %parallel_loop3A_212 = tpu.vector_load %arg8[%parallel_loop3A_210, %parallel_loop3A_211] {strides = array<i32>} : memref<96x32xf32, #tpu.memory_space<vmem>>, vector<1x16xf32>,
        %parallel_loop3A_213 = vector.shape_cast %parallel_loop3A_212 : vector<1x16xf32> to vector<16xf32>
        %parallel_loop3A_214 = arith.index_cast %parallel_loop3A_209 : i32 to index
        %parallel_loop3A_215 = arith.constant 0 : index
        %parallel_loop3A_216 = tpu.vector_load %arg10[%parallel_loop3A_214, %parallel_loop3A_215] {strides = array<i32>} : memref<96x16xf32, #tpu.memory_space<vmem>>, vector<1x16xf32>,
        %parallel_loop3A_217 = vector.shape_cast %parallel_loop3A_216 : vector<1x16xf32> to vector<16xf32>
        %parallel_loop3A_218 = arith.addf %parallel_loop3A_213, %parallel_loop3A_217 : vector<16xf32>
        %parallel_loop3A_219 = arith.constant 2.000000e-01 : f32
        %parallel_loop3A_220 = vector.broadcast %parallel_loop3A_219 : f32 to vector<16xf32>
        %parallel_loop3A_221 = arith.mulf %parallel_loop3A_220, %parallel_loop3A_218 : vector<16xf32>
        %parallel_loop3A_222 = arith.maximumf %parallel_loop3A_218, %parallel_loop3A_221 : vector<16xf32>
        %parallel_loop3A_223 = math.exp %parallel_loop3A_222 : vector<16xf32>
        %parallel_loop3A_224 = arith.constant 1 : i32
        %parallel_loop3A_225 = vector.broadcast %parallel_loop3A_224 : i32 to vector<16xi32>
        %parallel_loop3A_226 = arith.cmpi slt, %iota3A, %parallel_loop3A_225 : vector<16xi32>
        %parallel_loop3A_227 = arith.constant 0.000000e+00 : f32
        %parallel_loop3A_228 = vector.broadcast %parallel_loop3A_227 : f32 to vector<16xf32>
        %parallel_loop3A_229 = arith.select %parallel_loop3A_226, %parallel_loop3A_223, %parallel_loop3A_228 : vector<16xi1>, vector<16xf32>
        %parallel_loop3A_230 = arith.index_cast %parallel_loop3A_209 : i32 to index
        %parallel_loop3A_231 = arith.constant 16 : index
        %parallel_loop3A_232 = tpu.vector_load %arg8[%parallel_loop3A_230, %parallel_loop3A_231] {strides = array<i32>} : memref<96x32xf32, #tpu.memory_space<vmem>>, vector<1x16xf32>,
        %parallel_loop3A_233 = vector.shape_cast %parallel_loop3A_232 : vector<1x16xf32> to vector<16xf32>
        %parallel_loop3A_234 = vector.shape_cast %parallel_loop3A_229 : vector<16xf32> to vector<1x16xf32>
        tpu.vector_store %arg8[%parallel_loop3A_230, %parallel_loop3A_231], %parallel_loop3A_234 {strides = array<i32>} : memref<96x32xf32, #tpu.memory_space<vmem>>, vector<1x16xf32>,
        %parallel_loop3A_235 = arith.constant 0 : i32
        %parallel_loop3A_236 = vector.broadcast %parallel_loop3A_235 : i32 to vector<16xi32>
        %parallel_loop3A_237 = arith.muli %iota3A, %parallel_loop3A_236 : vector<16xi32>
        %parallel_loop3A_238 = arith.constant 0 : i32
        %parallel_loop3A_239 = vector.broadcast %parallel_loop3A_238 : i32 to vector<16xi32>
        %parallel_loop3A_240 = arith.addi %parallel_loop3A_237, %parallel_loop3A_239 : vector<16xi32>
        %parallel_loop3A_241 = arith.constant 0 : i32
        %parallel_loop3A_242 = vector.broadcast %parallel_loop3A_241 : i32 to vector<16xi32>
        %parallel_loop3A_243 = arith.cmpi slt, %parallel_loop3A_240, %parallel_loop3A_242 : vector<16xi32>
        %parallel_loop3A_244 = arith.constant 16 : i32
        %parallel_loop3A_245 = vector.broadcast %parallel_loop3A_244 : i32 to vector<16xi32>
        %parallel_loop3A_246 = arith.addi %parallel_loop3A_240, %parallel_loop3A_245 : vector<16xi32>
        %parallel_loop3A_247 = arith.select %parallel_loop3A_243, %parallel_loop3A_246, %parallel_loop3A_240 : vector<16xi1>, vector<16xi32>
        %parallel_loop3A_248 = vector.shape_cast %parallel_loop3A_247 : vector<16xi32> to vector<16x1xi32>
        %parallel_loop3A_249 = vector.shape_cast %parallel_loop3A_248 : vector<16x1xi32> to vector<16xi32>
        %parallel_loop3A_250 = tpu.dynamic_gather %parallel_loop3A_229[%parallel_loop3A_249] in [0] : vector<16xf32>, vector<16xi32> -> vector<16xf32>
        %parallel_loop3A_251 = arith.index_cast %parallel_loop3A_209 : i32 to index
        %parallel_loop3A_252 = arith.constant 0 : index
        %parallel_loop3A_253 = tpu.vector_load %arg8[%parallel_loop3A_251, %parallel_loop3A_252] {strides = array<i32>} : memref<96x32xf32, #tpu.memory_space<vmem>>, vector<1x16xf32>,
        %parallel_loop3A_254 = vector.shape_cast %parallel_loop3A_253 : vector<1x16xf32> to vector<16xf32>
        %parallel_loop3A_255 = arith.mulf %parallel_loop3A_254, %parallel_loop3A_250 : vector<16xf32>
        %parallel_loop3A_256 = arith.index_cast %parallel_loop3A_209 : i32 to index
        %parallel_loop3A_257 = arith.constant 0 : index
        %parallel_loop3A_258 = tpu.vector_load %arg8[%parallel_loop3A_256, %parallel_loop3A_257] {strides = array<i32>} : memref<96x32xf32, #tpu.memory_space<vmem>>, vector<1x16xf32>,
        %parallel_loop3A_259 = vector.shape_cast %parallel_loop3A_258 : vector<1x16xf32> to vector<16xf32>
        %parallel_loop3A_260 = vector.shape_cast %parallel_loop3A_255 : vector<16xf32> to vector<1x16xf32>
        tpu.vector_store %arg8[%parallel_loop3A_256, %parallel_loop3A_257], %parallel_loop3A_260 {strides = array<i32>} : memref<96x32xf32, #tpu.memory_space<vmem>>, vector<1x16xf32>,
      } {sc.loop_unroll_factor = 4 : i64, sc.parallel_access}
      %run_scoped3A_136 = arith.constant 1 : i32
      "tpu.region"() ({
        %run_scoped3A_209 = tpu.sem_alloc : memref<!tpu.dma_semaphore, #tpu.memory_space<semaphore_mem>>
        %dma_start3A_210 = arith.constant 0 : i32
        %dma_start3A_211 = tpu.memref_slice %arg6[%run_scoped3A_136, %dma_start3A_210] : memref<2x96xi32, #tpu.memory_space<vmem>> -> memref<1x96xi32, #tpu.memory_space<vmem>>
        %dma_start3A_212 = tpu.memref_squeeze %dma_start3A_211 : memref<1x96xi32, #tpu.memory_space<vmem>> -> memref<96xi32, #tpu.memory_space<vmem>>
        %dma_start3A_213 = arith.constant 0 : i32
        %dma_start3A_214 = arith.constant 0 : i32
        %dma_start3A_215 = tpu.memref_slice %arg12[%dma_start3A_213, %dma_start3A_214] : memref<10112x32xf32, #tpu.memory_space<vmem_shared>> -> memref<10112x32xf32, #tpu.memory_space<vmem_shared>>
        tpu.enqueue_indirect_dma source(%arg8 : memref<96x32xf32, #tpu.memory_space<vmem>>) target(%dma_start3A_215 : memref<10112x32xf32, #tpu.memory_space<vmem_shared>>) offsets(%dma_start3A_212 : memref<96xi32, #tpu.memory_space<vmem>>) semaphore(%run_scoped3A_209 : memref<!tpu.dma_semaphore, #tpu.memory_space<semaphore_mem>>) {add = true}
        %dma_wait3A_216 = arith.constant 0 : i32
        %dma_wait3A_217 = tpu.memref_slice %arg6[%run_scoped3A_136, %dma_wait3A_216] : memref<2x96xi32, #tpu.memory_space<vmem>> -> memref<1x96xi32, #tpu.memory_space<vmem>>
        %dma_wait3A_218 = tpu.memref_squeeze %dma_wait3A_217 : memref<1x96xi32, #tpu.memory_space<vmem>> -> memref<96xi32, #tpu.memory_space<vmem>>
        %dma_wait3A_219 = arith.constant 0 : i32
        %dma_wait3A_220 = arith.constant 0 : i32
        %dma_wait3A_221 = tpu.memref_slice %arg12[%dma_wait3A_219, %dma_wait3A_220] : memref<10112x32xf32, #tpu.memory_space<vmem_shared>> -> memref<10112x32xf32, #tpu.memory_space<vmem_shared>>
        tpu.wait_indirect_dma semaphore(%run_scoped3A_209 : memref<!tpu.dma_semaphore, #tpu.memory_space<semaphore_mem>>) src(%arg8 : memref<96x32xf32, #tpu.memory_space<vmem>>) dst(%dma_wait3A_221 : memref<10112x32xf32, #tpu.memory_space<vmem_shared>>)
        tpu.yield
      }) : () -> ()
      %add3A_137 = arith.constant 2 : i32
      %add3A_138 = arith.addi %mul3A_94, %add3A_137 : i32
      %min3A_139 = arith.constant 107 : i32
      %min3A_140 = arith.minsi %add3A_138, %min3A_139 : i32
      %dma_start3A_141 = arith.constant 0 : i32
      %dma_start3A_142 = arith.constant 0 : i32
      %dma_start3A_143 = tpu.memref_slice %arg4[%add3A, %min3A_140, %dma_start3A_141, %dma_start3A_142] : memref<32x108x2x96xi32, #tpu.memory_space<hbm>> -> memref<1x1x2x96xi32, #tpu.memory_space<hbm>>
      %dma_start3A_144 = tpu.memref_squeeze %dma_start3A_143 : memref<1x1x2x96xi32, #tpu.memory_space<hbm>> -> memref<2x96xi32, #tpu.memory_space<hbm>>
      %dma_start3A_145 = arith.constant 0 : i32
      %dma_start3A_146 = arith.constant 0 : i32
      %dma_start3A_147 = tpu.memref_slice %arg4[%add3A, %min3A_140, %dma_start3A_145, %dma_start3A_146] : memref<32x108x2x96xi32, #tpu.memory_space<hbm>> -> memref<1x1x2x96xi32, #tpu.memory_space<hbm>>
      %dma_start3A_148 = tpu.memref_squeeze %dma_start3A_147 : memref<1x1x2x96xi32, #tpu.memory_space<hbm>> -> memref<2x96xi32, #tpu.memory_space<hbm>>
      tpu.enqueue_dma source(%dma_start3A_148 : memref<2x96xi32, #tpu.memory_space<hbm>>) target(%arg6 : memref<2x96xi32, #tpu.memory_space<vmem>>) target_semaphore(%arg13 : memref<!tpu.dma_semaphore, #tpu.memory_space<semaphore_mem>>)
      %mul3A_149 = arith.constant 2 : i32
      %mul3A_150 = arith.muli %scan3A_92, %mul3A_149 : i32
      %add3A_151 = arith.constant 1 : i32
      %add3A_152 = arith.addi %mul3A_150, %add3A_151 : i32
      %add3A_153 = arith.constant 1 : i32
      %add3A_154 = arith.addi %add3A_152, %add3A_153 : i32
      %min3A_155 = arith.constant 107 : i32
      %min3A_156 = arith.minsi %add3A_154, %min3A_155 : i32
      %dma_wait3A_157 = arith.constant 0 : i32
      %dma_wait3A_158 = arith.constant 0 : i32
      %dma_wait3A_159 = tpu.memref_slice %arg4[%add3A, %min3A_156, %dma_wait3A_157, %dma_wait3A_158] : memref<32x108x2x96xi32, #tpu.memory_space<hbm>> -> memref<1x1x2x96xi32, #tpu.memory_space<hbm>>
      %dma_wait3A_160 = tpu.memref_squeeze %dma_wait3A_159 : memref<1x1x2x96xi32, #tpu.memory_space<hbm>> -> memref<2x96xi32, #tpu.memory_space<hbm>>
      %dma_wait3A_161 = arith.constant 0 : i32
      %dma_wait3A_162 = arith.constant 0 : i32
      %dma_wait3A_163 = tpu.memref_slice %arg4[%add3A, %min3A_156, %dma_wait3A_161, %dma_wait3A_162] : memref<32x108x2x96xi32, #tpu.memory_space<hbm>> -> memref<1x1x2x96xi32, #tpu.memory_space<hbm>>
      %dma_wait3A_164 = tpu.memref_squeeze %dma_wait3A_163 : memref<1x1x2x96xi32, #tpu.memory_space<hbm>> -> memref<2x96xi32, #tpu.memory_space<hbm>>
      tpu.wait_dma2 semaphore(%arg13 : memref<!tpu.dma_semaphore, #tpu.memory_space<semaphore_mem>>) src(%dma_wait3A_164 : memref<2x96xi32, #tpu.memory_space<hbm>>) dst(%arg6 : memref<2x96xi32, #tpu.memory_space<vmem>>)
      %dma_start3A_165 = arith.constant 0 : i32
      %dma_start3A_166 = arith.constant 0 : i32
      %dma_start3A_167 = tpu.memref_slice %arg6[%dma_start3A_165, %dma_start3A_166] : memref<2x96xi32, #tpu.memory_space<vmem>> -> memref<1x96xi32, #tpu.memory_space<vmem>>
      %dma_start3A_168 = tpu.memref_squeeze %dma_start3A_167 : memref<1x96xi32, #tpu.memory_space<vmem>> -> memref<96xi32, #tpu.memory_space<vmem>>
      %dma_start3A_169 = arith.constant 0 : i32
      %dma_start3A_170 = arith.constant 0 : i32
      %dma_start3A_171 = tpu.memref_slice %arg2[%dma_start3A_169, %dma_start3A_170] : memref<10112x32xf32, #tpu.memory_space<hbm>> -> memref<10112x32xf32, #tpu.memory_space<hbm>>
      tpu.enqueue_indirect_dma source(%dma_start3A_171 : memref<10112x32xf32, #tpu.memory_space<hbm>>) target(%arg8 : memref<96x32xf32, #tpu.memory_space<vmem>>) offsets(%dma_start3A_168 : memref<96xi32, #tpu.memory_space<vmem>>) semaphore(%arg15 : memref<!tpu.dma_semaphore, #tpu.memory_space<semaphore_mem>>)
      %dma_start3A_172 = arith.constant 1 : i32
      %dma_start3A_173 = arith.constant 0 : i32
      %dma_start3A_174 = tpu.memref_slice %arg6[%dma_start3A_172, %dma_start3A_173] : memref<2x96xi32, #tpu.memory_space<vmem>> -> memref<1x96xi32, #tpu.memory_space<vmem>>
      %dma_start3A_175 = tpu.memref_squeeze %dma_start3A_174 : memref<1x96xi32, #tpu.memory_space<vmem>> -> memref<96xi32, #tpu.memory_space<vmem>>
      %dma_start3A_176 = arith.constant 0 : i32
      %dma_start3A_177 = arith.constant 0 : i32
      %dma_start3A_178 = tpu.memref_slice %arg3[%dma_start3A_176, %dma_start3A_177] : memref<10112x16xf32, #tpu.memory_space<hbm>> -> memref<10112x16xf32, #tpu.memory_space<hbm>>
      tpu.enqueue_indirect_dma source(%dma_start3A_178 : memref<10112x16xf32, #tpu.memory_space<hbm>>) target(%arg10 : memref<96x16xf32, #tpu.memory_space<vmem>>) offsets(%dma_start3A_175 : memref<96xi32, #tpu.memory_space<vmem>>) semaphore(%arg17 : memref<!tpu.dma_semaphore, #tpu.memory_space<semaphore_mem>>)
      %dma_wait3A_179 = arith.constant 0 : i32
      %dma_wait3A_180 = arith.constant 0 : i32
      %dma_wait3A_181 = tpu.memref_slice %arg7[%dma_wait3A_179, %dma_wait3A_180] : memref<2x96xi32, #tpu.memory_space<vmem>> -> memref<1x96xi32, #tpu.memory_space<vmem>>
      %dma_wait3A_182 = tpu.memref_squeeze %dma_wait3A_181 : memref<1x96xi32, #tpu.memory_space<vmem>> -> memref<96xi32, #tpu.memory_space<vmem>>
      %dma_wait3A_183 = arith.constant 0 : i32
      %dma_wait3A_184 = arith.constant 0 : i32
      %dma_wait3A_185 = tpu.memref_slice %arg2[%dma_wait3A_183, %dma_wait3A_184] : memref<10112x32xf32, #tpu.memory_space<hbm>> -> memref<10112x32xf32, #tpu.memory_space<hbm>>
      tpu.wait_indirect_dma semaphore(%arg16 : memref<!tpu.dma_semaphore, #tpu.memory_space<semaphore_mem>>) src(%dma_wait3A_185 : memref<10112x32xf32, #tpu.memory_space<hbm>>) dst(%arg9 : memref<96x32xf32, #tpu.memory_space<vmem>>)
      %dma_wait3A_186 = arith.constant 1 : i32
      %dma_wait3A_187 = arith.constant 0 : i32
      %dma_wait3A_188 = tpu.memref_slice %arg7[%dma_wait3A_186, %dma_wait3A_187] : memref<2x96xi32, #tpu.memory_space<vmem>> -> memref<1x96xi32, #tpu.memory_space<vmem>>
      %dma_wait3A_189 = tpu.memref_squeeze %dma_wait3A_188 : memref<1x96xi32, #tpu.memory_space<vmem>> -> memref<96xi32, #tpu.memory_space<vmem>>
      %dma_wait3A_190 = arith.constant 0 : i32
      %dma_wait3A_191 = arith.constant 0 : i32
      %dma_wait3A_192 = tpu.memref_slice %arg3[%dma_wait3A_190, %dma_wait3A_191] : memref<10112x16xf32, #tpu.memory_space<hbm>> -> memref<10112x16xf32, #tpu.memory_space<hbm>>
      tpu.wait_indirect_dma semaphore(%arg18 : memref<!tpu.dma_semaphore, #tpu.memory_space<semaphore_mem>>) src(%dma_wait3A_192 : memref<10112x16xf32, #tpu.memory_space<hbm>>) dst(%arg11 : memref<96x16xf32, #tpu.memory_space<vmem>>)
      %parallel_loop3A_193 = arith.constant 0 : i32
      %parallel_loop3A_194 = arith.constant 96 : i32
      %parallel_loop3A_195 = arith.constant 1 : i32
      scf.for %parallel_loop3A_209 = %parallel_loop3A_193 to %parallel_loop3A_194 step %parallel_loop3A_195  : i32 {
        %parallel_loop3A_210 = arith.index_cast %parallel_loop3A_209 : i32 to index
        %parallel_loop3A_211 = arith.constant 16 : index
        %parallel_loop3A_212 = tpu.vector_load %arg9[%parallel_loop3A_210, %parallel_loop3A_211] {strides = array<i32>} : memref<96x32xf32, #tpu.memory_space<vmem>>, vector<1x16xf32>,
        %parallel_loop3A_213 = vector.shape_cast %parallel_loop3A_212 : vector<1x16xf32> to vector<16xf32>
        %parallel_loop3A_214 = arith.index_cast %parallel_loop3A_209 : i32 to index
        %parallel_loop3A_215 = arith.constant 0 : index
        %parallel_loop3A_216 = tpu.vector_load %arg11[%parallel_loop3A_214, %parallel_loop3A_215] {strides = array<i32>} : memref<96x16xf32, #tpu.memory_space<vmem>>, vector<1x16xf32>,
        %parallel_loop3A_217 = vector.shape_cast %parallel_loop3A_216 : vector<1x16xf32> to vector<16xf32>
        %parallel_loop3A_218 = arith.addf %parallel_loop3A_213, %parallel_loop3A_217 : vector<16xf32>
        %parallel_loop3A_219 = arith.constant 2.000000e-01 : f32
        %parallel_loop3A_220 = vector.broadcast %parallel_loop3A_219 : f32 to vector<16xf32>
        %parallel_loop3A_221 = arith.mulf %parallel_loop3A_220, %parallel_loop3A_218 : vector<16xf32>
        %parallel_loop3A_222 = arith.maximumf %parallel_loop3A_218, %parallel_loop3A_221 : vector<16xf32>
        %parallel_loop3A_223 = math.exp %parallel_loop3A_222 : vector<16xf32>
        %parallel_loop3A_224 = arith.constant 1 : i32
        %parallel_loop3A_225 = vector.broadcast %parallel_loop3A_224 : i32 to vector<16xi32>
        %parallel_loop3A_226 = arith.cmpi slt, %iota3A, %parallel_loop3A_225 : vector<16xi32>
        %parallel_loop3A_227 = arith.constant 0.000000e+00 : f32
        %parallel_loop3A_228 = vector.broadcast %parallel_loop3A_227 : f32 to vector<16xf32>
        %parallel_loop3A_229 = arith.select %parallel_loop3A_226, %parallel_loop3A_223, %parallel_loop3A_228 : vector<16xi1>, vector<16xf32>
        %parallel_loop3A_230 = arith.index_cast %parallel_loop3A_209 : i32 to index
        %parallel_loop3A_231 = arith.constant 16 : index
        %parallel_loop3A_232 = tpu.vector_load %arg9[%parallel_loop3A_230, %parallel_loop3A_231] {strides = array<i32>} : memref<96x32xf32, #tpu.memory_space<vmem>>, vector<1x16xf32>,
        %parallel_loop3A_233 = vector.shape_cast %parallel_loop3A_232 : vector<1x16xf32> to vector<16xf32>
        %parallel_loop3A_234 = vector.shape_cast %parallel_loop3A_229 : vector<16xf32> to vector<1x16xf32>
        tpu.vector_store %arg9[%parallel_loop3A_230, %parallel_loop3A_231], %parallel_loop3A_234 {strides = array<i32>} : memref<96x32xf32, #tpu.memory_space<vmem>>, vector<1x16xf32>,
        %parallel_loop3A_235 = arith.constant 0 : i32
        %parallel_loop3A_236 = vector.broadcast %parallel_loop3A_235 : i32 to vector<16xi32>
        %parallel_loop3A_237 = arith.muli %iota3A, %parallel_loop3A_236 : vector<16xi32>
        %parallel_loop3A_238 = arith.constant 0 : i32
        %parallel_loop3A_239 = vector.broadcast %parallel_loop3A_238 : i32 to vector<16xi32>
        %parallel_loop3A_240 = arith.addi %parallel_loop3A_237, %parallel_loop3A_239 : vector<16xi32>
        %parallel_loop3A_241 = arith.constant 0 : i32
        %parallel_loop3A_242 = vector.broadcast %parallel_loop3A_241 : i32 to vector<16xi32>
        %parallel_loop3A_243 = arith.cmpi slt, %parallel_loop3A_240, %parallel_loop3A_242 : vector<16xi32>
        %parallel_loop3A_244 = arith.constant 16 : i32
        %parallel_loop3A_245 = vector.broadcast %parallel_loop3A_244 : i32 to vector<16xi32>
        %parallel_loop3A_246 = arith.addi %parallel_loop3A_240, %parallel_loop3A_245 : vector<16xi32>
        %parallel_loop3A_247 = arith.select %parallel_loop3A_243, %parallel_loop3A_246, %parallel_loop3A_240 : vector<16xi1>, vector<16xi32>
        %parallel_loop3A_248 = vector.shape_cast %parallel_loop3A_247 : vector<16xi32> to vector<16x1xi32>
        %parallel_loop3A_249 = vector.shape_cast %parallel_loop3A_248 : vector<16x1xi32> to vector<16xi32>
        %parallel_loop3A_250 = tpu.dynamic_gather %parallel_loop3A_229[%parallel_loop3A_249] in [0] : vector<16xf32>, vector<16xi32> -> vector<16xf32>
        %parallel_loop3A_251 = arith.index_cast %parallel_loop3A_209 : i32 to index
        %parallel_loop3A_252 = arith.constant 0 : index
        %parallel_loop3A_253 = tpu.vector_load %arg9[%parallel_loop3A_251, %parallel_loop3A_252] {strides = array<i32>} : memref<96x32xf32, #tpu.memory_space<vmem>>, vector<1x16xf32>,
        %parallel_loop3A_254 = vector.shape_cast %parallel_loop3A_253 : vector<1x16xf32> to vector<16xf32>
        %parallel_loop3A_255 = arith.mulf %parallel_loop3A_254, %parallel_loop3A_250 : vector<16xf32>
        %parallel_loop3A_256 = arith.index_cast %parallel_loop3A_209 : i32 to index
        %parallel_loop3A_257 = arith.constant 0 : index
        %parallel_loop3A_258 = tpu.vector_load %arg9[%parallel_loop3A_256, %parallel_loop3A_257] {strides = array<i32>} : memref<96x32xf32, #tpu.memory_space<vmem>>, vector<1x16xf32>,
        %parallel_loop3A_259 = vector.shape_cast %parallel_loop3A_258 : vector<1x16xf32> to vector<16xf32>
        %parallel_loop3A_260 = vector.shape_cast %parallel_loop3A_255 : vector<16xf32> to vector<1x16xf32>
        tpu.vector_store %arg9[%parallel_loop3A_256, %parallel_loop3A_257], %parallel_loop3A_260 {strides = array<i32>} : memref<96x32xf32, #tpu.memory_space<vmem>>, vector<1x16xf32>,
      } {sc.loop_unroll_factor = 4 : i64, sc.parallel_access}
      %run_scoped3A_196 = arith.constant 1 : i32
      "tpu.region"() ({
        %run_scoped3A_209 = tpu.sem_alloc : memref<!tpu.dma_semaphore, #tpu.memory_space<semaphore_mem>>
        %dma_start3A_210 = arith.constant 0 : i32
        %dma_start3A_211 = tpu.memref_slice %arg7[%run_scoped3A_196, %dma_start3A_210] : memref<2x96xi32, #tpu.memory_space<vmem>> -> memref<1x96xi32, #tpu.memory_space<vmem>>
        %dma_start3A_212 = tpu.memref_squeeze %dma_start3A_211 : memref<1x96xi32, #tpu.memory_space<vmem>> -> memref<96xi32, #tpu.memory_space<vmem>>
        %dma_start3A_213 = arith.constant 0 : i32
        %dma_start3A_214 = arith.constant 0 : i32
        %dma_start3A_215 = tpu.memref_slice %arg12[%dma_start3A_213, %dma_start3A_214] : memref<10112x32xf32, #tpu.memory_space<vmem_shared>> -> memref<10112x32xf32, #tpu.memory_space<vmem_shared>>
        tpu.enqueue_indirect_dma source(%arg9 : memref<96x32xf32, #tpu.memory_space<vmem>>) target(%dma_start3A_215 : memref<10112x32xf32, #tpu.memory_space<vmem_shared>>) offsets(%dma_start3A_212 : memref<96xi32, #tpu.memory_space<vmem>>) semaphore(%run_scoped3A_209 : memref<!tpu.dma_semaphore, #tpu.memory_space<semaphore_mem>>) {add = true}
        %dma_wait3A_216 = arith.constant 0 : i32
        %dma_wait3A_217 = tpu.memref_slice %arg7[%run_scoped3A_196, %dma_wait3A_216] : memref<2x96xi32, #tpu.memory_space<vmem>> -> memref<1x96xi32, #tpu.memory_space<vmem>>
        %dma_wait3A_218 = tpu.memref_squeeze %dma_wait3A_217 : memref<1x96xi32, #tpu.memory_space<vmem>> -> memref<96xi32, #tpu.memory_space<vmem>>
        %dma_wait3A_219 = arith.constant 0 : i32
        %dma_wait3A_220 = arith.constant 0 : i32
        %dma_wait3A_221 = tpu.memref_slice %arg12[%dma_wait3A_219, %dma_wait3A_220] : memref<10112x32xf32, #tpu.memory_space<vmem_shared>> -> memref<10112x32xf32, #tpu.memory_space<vmem_shared>>
        tpu.wait_indirect_dma semaphore(%run_scoped3A_209 : memref<!tpu.dma_semaphore, #tpu.memory_space<semaphore_mem>>) src(%arg9 : memref<96x32xf32, #tpu.memory_space<vmem>>) dst(%dma_wait3A_221 : memref<10112x32xf32, #tpu.memory_space<vmem_shared>>)
        tpu.yield
      }) : () -> ()
      %add3A_197 = arith.constant 2 : i32
      %add3A_198 = arith.addi %add3A_152, %add3A_197 : i32
      %min3A_199 = arith.constant 107 : i32
      %min3A_200 = arith.minsi %add3A_198, %min3A_199 : i32
      %dma_start3A_201 = arith.constant 0 : i32
      %dma_start3A_202 = arith.constant 0 : i32
      %dma_start3A_203 = tpu.memref_slice %arg4[%add3A, %min3A_200, %dma_start3A_201, %dma_start3A_202] : memref<32x108x2x96xi32, #tpu.memory_space<hbm>> -> memref<1x1x2x96xi32, #tpu.memory_space<hbm>>
      %dma_start3A_204 = tpu.memref_squeeze %dma_start3A_203 : memref<1x1x2x96xi32, #tpu.memory_space<hbm>> -> memref<2x96xi32, #tpu.memory_space<hbm>>
      %dma_start3A_205 = arith.constant 0 : i32
      %dma_start3A_206 = arith.constant 0 : i32
      %dma_start3A_207 = tpu.memref_slice %arg4[%add3A, %min3A_200, %dma_start3A_205, %dma_start3A_206] : memref<32x108x2x96xi32, #tpu.memory_space<hbm>> -> memref<1x1x2x96xi32, #tpu.memory_space<hbm>>
      %dma_start3A_208 = tpu.memref_squeeze %dma_start3A_207 : memref<1x1x2x96xi32, #tpu.memory_space<hbm>> -> memref<2x96xi32, #tpu.memory_space<hbm>>
      tpu.enqueue_dma source(%dma_start3A_208 : memref<2x96xi32, #tpu.memory_space<hbm>>) target(%arg7 : memref<2x96xi32, #tpu.memory_space<vmem>>) target_semaphore(%arg14 : memref<!tpu.dma_semaphore, #tpu.memory_space<semaphore_mem>>)
    }
    %scan3A_64 = arith.constant 54 : i32
    %dma_wait3A = arith.constant 0 : i32
    %dma_wait3A_65 = arith.constant 0 : i32
    %dma_wait3A_66 = tpu.memref_slice %arg6[%dma_wait3A, %dma_wait3A_65] : memref<2x96xi32, #tpu.memory_space<vmem>> -> memref<1x96xi32, #tpu.memory_space<vmem>>
    %dma_wait3A_67 = tpu.memref_squeeze %dma_wait3A_66 : memref<1x96xi32, #tpu.memory_space<vmem>> -> memref<96xi32, #tpu.memory_space<vmem>>
    %dma_wait3A_68 = arith.constant 0 : i32
    %dma_wait3A_69 = arith.constant 0 : i32
    %dma_wait3A_70 = tpu.memref_slice %arg2[%dma_wait3A_68, %dma_wait3A_69] : memref<10112x32xf32, #tpu.memory_space<hbm>> -> memref<10112x32xf32, #tpu.memory_space<hbm>>
    tpu.wait_indirect_dma semaphore(%arg15 : memref<!tpu.dma_semaphore, #tpu.memory_space<semaphore_mem>>) src(%dma_wait3A_70 : memref<10112x32xf32, #tpu.memory_space<hbm>>) dst(%arg8 : memref<96x32xf32, #tpu.memory_space<vmem>>)
    %dma_wait3A_71 = arith.constant 1 : i32
    %dma_wait3A_72 = arith.constant 0 : i32
    %dma_wait3A_73 = tpu.memref_slice %arg6[%dma_wait3A_71, %dma_wait3A_72] : memref<2x96xi32, #tpu.memory_space<vmem>> -> memref<1x96xi32, #tpu.memory_space<vmem>>
    %dma_wait3A_74 = tpu.memref_squeeze %dma_wait3A_73 : memref<1x96xi32, #tpu.memory_space<vmem>> -> memref<96xi32, #tpu.memory_space<vmem>>
    %dma_wait3A_75 = arith.constant 0 : i32
    %dma_wait3A_76 = arith.constant 0 : i32
    %dma_wait3A_77 = tpu.memref_slice %arg3[%dma_wait3A_75, %dma_wait3A_76] : memref<10112x16xf32, #tpu.memory_space<hbm>> -> memref<10112x16xf32, #tpu.memory_space<hbm>>
    tpu.wait_indirect_dma semaphore(%arg17 : memref<!tpu.dma_semaphore, #tpu.memory_space<semaphore_mem>>) src(%dma_wait3A_77 : memref<10112x16xf32, #tpu.memory_space<hbm>>) dst(%arg10 : memref<96x16xf32, #tpu.memory_space<vmem>>)
    %dma_wait3A_78 = arith.constant 107 : i32
    %dma_wait3A_79 = arith.constant 0 : i32
    %dma_wait3A_80 = arith.constant 0 : i32
    %dma_wait3A_81 = tpu.memref_slice %arg4[%add3A, %dma_wait3A_78, %dma_wait3A_79, %dma_wait3A_80] : memref<32x108x2x96xi32, #tpu.memory_space<hbm>> -> memref<1x1x2x96xi32, #tpu.memory_space<hbm>>
    %dma_wait3A_82 = tpu.memref_squeeze %dma_wait3A_81 : memref<1x1x2x96xi32, #tpu.memory_space<hbm>> -> memref<2x96xi32, #tpu.memory_space<hbm>>
    %dma_wait3A_83 = arith.constant 0 : i32
    %dma_wait3A_84 = arith.constant 0 : i32
    %dma_wait3A_85 = tpu.memref_slice %arg4[%add3A, %dma_wait3A_78, %dma_wait3A_83, %dma_wait3A_84] : memref<32x108x2x96xi32, #tpu.memory_space<hbm>> -> memref<1x1x2x96xi32, #tpu.memory_space<hbm>>
    %dma_wait3A_86 = tpu.memref_squeeze %dma_wait3A_85 : memref<1x1x2x96xi32, #tpu.memory_space<hbm>> -> memref<2x96xi32, #tpu.memory_space<hbm>>
    tpu.wait_dma2 semaphore(%arg14 : memref<!tpu.dma_semaphore, #tpu.memory_space<semaphore_mem>>) src(%dma_wait3A_86 : memref<2x96xi32, #tpu.memory_space<hbm>>) dst(%arg7 : memref<2x96xi32, #tpu.memory_space<vmem>>)
    %barrier3A_87 = arith.constant 0 : index
    tpu.barrier barrier_id(%barrier3A_87)
    %mul3A_88 = arith.constant 632 : i32
    %mul3A_89 = arith.muli %arg1, %mul3A_88 : i32
    %mul3A_90 = arith.constant 632 : i32
    %mul3A_91 = arith.muli %arg1, %mul3A_90 : i32
    "tpu.region"() ({
      %run_scoped3A_92 = tpu.sem_alloc : memref<!tpu.dma_semaphore, #tpu.memory_space<semaphore_mem>>
      %dma_start3A_93 = arith.constant 0 : i32
      %dma_start3A_94 = tpu.memref_slice %arg5[%arg0, %mul3A_91, %dma_start3A_93] : memref<2x10112x32xf32, #tpu.memory_space<hbm>> -> memref<1x632x32xf32, #tpu.memory_space<hbm>>
      %dma_start3A_95 = tpu.memref_squeeze %dma_start3A_94 : memref<1x632x32xf32, #tpu.memory_space<hbm>> -> memref<632x32xf32, #tpu.memory_space<hbm>>
      %dma_start3A_96 = arith.constant 0 : i32
      %dma_start3A_97 = tpu.memref_slice %arg12[%mul3A_89, %dma_start3A_96] : memref<10112x32xf32, #tpu.memory_space<vmem_shared>> -> memref<632x32xf32, #tpu.memory_space<vmem_shared>>
      tpu.enqueue_dma source(%dma_start3A_97 : memref<632x32xf32, #tpu.memory_space<vmem_shared>>) target(%dma_start3A_95 : memref<632x32xf32, #tpu.memory_space<hbm>>) target_semaphore(%run_scoped3A_92 : memref<!tpu.dma_semaphore, #tpu.memory_space<semaphore_mem>>)
      %dma_wait3A_98 = arith.constant 0 : i32
      %dma_wait3A_99 = tpu.memref_slice %arg5[%arg0, %mul3A_91, %dma_wait3A_98] : memref<2x10112x32xf32, #tpu.memory_space<hbm>> -> memref<1x632x32xf32, #tpu.memory_space<hbm>>
      %dma_wait3A_100 = tpu.memref_squeeze %dma_wait3A_99 : memref<1x632x32xf32, #tpu.memory_space<hbm>> -> memref<632x32xf32, #tpu.memory_space<hbm>>
      %dma_wait3A_101 = arith.constant 0 : i32
      %dma_wait3A_102 = tpu.memref_slice %arg12[%mul3A_89, %dma_wait3A_101] : memref<10112x32xf32, #tpu.memory_space<vmem_shared>> -> memref<632x32xf32, #tpu.memory_space<vmem_shared>>
      tpu.wait_dma2 semaphore(%run_scoped3A_92 : memref<!tpu.dma_semaphore, #tpu.memory_space<semaphore_mem>>) src(%dma_wait3A_102 : memref<632x32xf32, #tpu.memory_space<vmem_shared>>) dst(%dma_wait3A_100 : memref<632x32xf32, #tpu.memory_space<hbm>>)
      tpu.yield
    }) : () -> ()
    return
  }
}

module attributes {stable_mosaic.version = 14 : i64} {
  func.func @_mm_body(%arg0: i32, %arg1: memref<632x128xf32, #tpu.memory_space<vmem>>, %arg2: memref<128x160xf32, #tpu.memory_space<vmem>>, %arg3: memref<632x144xf32, #tpu.memory_space<vmem>>, %arg4: memref<632x16xf32, #tpu.memory_space<vmem>>) attributes {dimension_semantics = [#tpu.dimension_semantics<arbitrary>], iteration_bounds = array<i64: 16>, scalar_prefetch = 0 : i64, scratch_operands = 0 : i64, tpu.core_type = #tpu.core_type<tc>, window_params = [{transform_indices = @transform_0, window_bounds = array<i64: 632, 128>}, {pipeline_mode = #tpu.pipeline_mode<synchronous>, transform_indices = @transform_1, window_bounds = array<i64: 128, 160>}, {transform_indices = @transform_2, window_bounds = array<i64: 632, 144>}, {transform_indices = @transform_3, window_bounds = array<i64: 632, 16>}]} {
    %get3A = arith.constant 0 : index
    %get3A_0 = arith.constant 0 : index
    %get3A_1 = vector.load %arg1[%get3A, %get3A_0] : memref<632x128xf32, #tpu.memory_space<vmem>>, vector<632x128xf32>
    %get3A_2 = arith.constant 0 : index
    %get3A_3 = arith.constant 0 : index
    %get3A_4 = vector.load %arg2[%get3A_2, %get3A_3] : memref<128x160xf32, #tpu.memory_space<vmem>>, vector<128x160xf32>
    %dot_general3A = arith.constant dense<0.000000e+00> : vector<632x160xf32>
    %dot_general3A_5 = tpu.matmul %get3A_1, %get3A_4, %dot_general3A {dimension_numbers = #tpu.dot_dimension_numbers<[1], [0], [0], [1], [0, 0, 1, 1], [], []>, transpose_lhs_hint = false} : vector<632x128xf32>, vector<128x160xf32>, vector<632x160xf32> -> vector<632x160xf32>
    %slice3A = vector.extract_strided_slice %dot_general3A_5 {offsets = [0, 0], sizes = [632, 144], strides = [1, 1]} : vector<632x160xf32> to vector<632x144xf32>
    %swap3A = arith.constant 0 : index
    %swap3A_6 = arith.constant 0 : index
    %swap3A_7 = vector.load %arg3[%swap3A, %swap3A_6] : memref<632x144xf32, #tpu.memory_space<vmem>>, vector<632x144xf32>
    tpu.vector_store %arg3[%swap3A, %swap3A_6], %slice3A {strides = array<i32>} : memref<632x144xf32, #tpu.memory_space<vmem>>, vector<632x144xf32>,
    %slice3A_8 = vector.extract_strided_slice %dot_general3A_5 {offsets = [0, 144], sizes = [632, 16], strides = [1, 1]} : vector<632x160xf32> to vector<632x16xf32>
    %swap3A_9 = arith.constant 0 : index
    %swap3A_10 = arith.constant 0 : index
    %swap3A_11 = vector.load %arg4[%swap3A_9, %swap3A_10] : memref<632x16xf32, #tpu.memory_space<vmem>>, vector<632x16xf32>
    tpu.vector_store %arg4[%swap3A_9, %swap3A_10], %slice3A_8 {strides = array<i32>} : memref<632x16xf32, #tpu.memory_space<vmem>>, vector<632x16xf32>,
    return
  }
  func.func @transform_0(%arg0: i32) -> (i32, i32) {
    %c0_i32 = arith.constant 0 : i32
    %c0_i32_0 = arith.constant 0 : i32
    return %arg0, %c0_i32 : i32, i32
  }
  func.func @transform_1(%arg0: i32) -> (i32, i32) {
    %c0_i32 = arith.constant 0 : i32
    %c0_i32_0 = arith.constant 0 : i32
    %c0_i32_1 = arith.constant 0 : i32
    return %c0_i32, %c0_i32_0 : i32, i32
  }
  func.func @transform_2(%arg0: i32) -> (i32, i32) {
    %c0_i32 = arith.constant 0 : i32
    %c0_i32_0 = arith.constant 0 : i32
    return %arg0, %c0_i32 : i32, i32
  }
  func.func @transform_3(%arg0: i32) -> (i32, i32) {
    %c0_i32 = arith.constant 0 : i32
    %c0_i32_0 = arith.constant 0 : i32
    return %arg0, %c0_i32 : i32, i32
  }
}

module attributes {stable_mosaic.version = 14 : i64} {
  func.func @_mid_body(%arg0: i32, %arg1: memref<2x632x144xf32, #tpu.memory_space<vmem>>, %arg2: memref<1x128xf32, #tpu.memory_space<vmem>>, %arg3: memref<128x48xf32, #tpu.memory_space<vmem>>, %arg4: memref<8x128xf32, #tpu.memory_space<vmem>>, %arg5: memref<632x32xf32, #tpu.memory_space<vmem>>, %arg6: memref<632x16xf32, #tpu.memory_space<vmem>>) attributes {dimension_semantics = [#tpu.dimension_semantics<arbitrary>], iteration_bounds = array<i64: 16>, scalar_prefetch = 0 : i64, scratch_operands = 0 : i64, tpu.core_type = #tpu.core_type<tc>, window_params = [{transform_indices = @transform_0, window_bounds = array<i64: 2, 632, 144>}, {pipeline_mode = #tpu.pipeline_mode<synchronous>, transform_indices = @transform_1, window_bounds = array<i64: 1, 128>}, {pipeline_mode = #tpu.pipeline_mode<synchronous>, transform_indices = @transform_2, window_bounds = array<i64: 128, 48>}, {pipeline_mode = #tpu.pipeline_mode<synchronous>, transform_indices = @transform_3, window_bounds = array<i64: 8, 128>}, {transform_indices = @transform_4, window_bounds = array<i64: 632, 32>}, {transform_indices = @transform_5, window_bounds = array<i64: 632, 16>}]} {
    %get3A = arith.constant 0 : index
    %get3A_0 = arith.constant 0 : index
    %get3A_1 = arith.constant 0 : index
    %get3A_2 = vector.load %arg1[%get3A, %get3A_0, %get3A_1] : memref<2x632x144xf32, #tpu.memory_space<vmem>>, vector<1x632x144xf32>
    %get3A_3 = vector.shape_cast %get3A_2 : vector<1x632x144xf32> to vector<632x144xf32>
    %get3A_4 = arith.constant 1 : index
    %get3A_5 = arith.constant 0 : index
    %get3A_6 = arith.constant 0 : index
    %get3A_7 = vector.load %arg1[%get3A_4, %get3A_5, %get3A_6] : memref<2x632x144xf32, #tpu.memory_space<vmem>>, vector<1x632x144xf32>
    %get3A_8 = vector.shape_cast %get3A_7 : vector<1x632x144xf32> to vector<632x144xf32>
    %add3A = arith.addf %get3A_3, %get3A_8 : vector<632x144xf32>
    %slice3A = vector.extract_strided_slice %add3A {offsets = [0, 0], sizes = [632, 128], strides = [1, 1]} : vector<632x144xf32> to vector<632x128xf32>
    %slice3A_9 = vector.extract_strided_slice %add3A {offsets = [0, 128], sizes = [632, 8], strides = [1, 1]} : vector<632x144xf32> to vector<632x8xf32>
    %get3A_10 = arith.constant 0 : index
    %get3A_11 = arith.constant 0 : index
    %get3A_12 = vector.load %arg4[%get3A_10, %get3A_11] : memref<8x128xf32, #tpu.memory_space<vmem>>, vector<8x128xf32>
    %dot_general3A = arith.constant dense<0.000000e+00> : vector<632x128xf32>
    %dot_general3A_13 = tpu.matmul %slice3A_9, %get3A_12, %dot_general3A {dimension_numbers = #tpu.dot_dimension_numbers<[1], [0], [0], [1], [0, 0, 1, 1], [], []>, transpose_lhs_hint = false} : vector<632x8xf32>, vector<8x128xf32>, vector<632x128xf32> -> vector<632x128xf32>
    %div3A = arith.divf %slice3A, %dot_general3A_13 : vector<632x128xf32>
    %get3A_14 = arith.constant 0 : index
    %get3A_15 = arith.constant 0 : index
    %get3A_16 = vector.load %arg2[%get3A_14, %get3A_15] : memref<1x128xf32, #tpu.memory_space<vmem>>, vector<1x128xf32>
    %add3A_17 = vector.broadcast %get3A_16 : vector<1x128xf32> to vector<632x128xf32>
    %add3A_18 = arith.addf %div3A, %add3A_17 : vector<632x128xf32>
    %gt3A = arith.constant 0.000000e+00 : f32
    %gt3A_19 = vector.broadcast %gt3A : f32 to vector<632x128xf32>
    %gt3A_20 = arith.cmpf ogt, %add3A_18, %gt3A_19 : vector<632x128xf32>
    %exp3A = math.exp %add3A_18 : vector<632x128xf32>
    %sub3A = arith.constant 1.000000e+00 : f32
    %sub3A_21 = vector.broadcast %sub3A : f32 to vector<632x128xf32>
    %sub3A_22 = arith.subf %exp3A, %sub3A_21 : vector<632x128xf32>
    %select_n3A = arith.select %gt3A_20, %add3A_18, %sub3A_22 : vector<632x128xi1>, vector<632x128xf32>
    %get3A_23 = arith.constant 0 : index
    %get3A_24 = arith.constant 0 : index
    %get3A_25 = vector.load %arg3[%get3A_23, %get3A_24] : memref<128x48xf32, #tpu.memory_space<vmem>>, vector<128x48xf32>
    %dot_general3A_26 = arith.constant dense<0.000000e+00> : vector<632x48xf32>
    %dot_general3A_27 = tpu.matmul %select_n3A, %get3A_25, %dot_general3A_26 {dimension_numbers = #tpu.dot_dimension_numbers<[1], [0], [0], [1], [0, 0, 1, 1], [], []>, transpose_lhs_hint = false} : vector<632x128xf32>, vector<128x48xf32>, vector<632x48xf32> -> vector<632x48xf32>
    %slice3A_28 = vector.extract_strided_slice %dot_general3A_27 {offsets = [0, 0], sizes = [632, 32], strides = [1, 1]} : vector<632x48xf32> to vector<632x32xf32>
    %swap3A = arith.constant 0 : index
    %swap3A_29 = arith.constant 0 : index
    %swap3A_30 = vector.load %arg5[%swap3A, %swap3A_29] : memref<632x32xf32, #tpu.memory_space<vmem>>, vector<632x32xf32>
    tpu.vector_store %arg5[%swap3A, %swap3A_29], %slice3A_28 {strides = array<i32>} : memref<632x32xf32, #tpu.memory_space<vmem>>, vector<632x32xf32>,
    %slice3A_31 = vector.extract_strided_slice %dot_general3A_27 {offsets = [0, 32], sizes = [632, 16], strides = [1, 1]} : vector<632x48xf32> to vector<632x16xf32>
    %swap3A_32 = arith.constant 0 : index
    %swap3A_33 = arith.constant 0 : index
    %swap3A_34 = vector.load %arg6[%swap3A_32, %swap3A_33] : memref<632x16xf32, #tpu.memory_space<vmem>>, vector<632x16xf32>
    tpu.vector_store %arg6[%swap3A_32, %swap3A_33], %slice3A_31 {strides = array<i32>} : memref<632x16xf32, #tpu.memory_space<vmem>>, vector<632x16xf32>,
    return
  }
  func.func @transform_0(%arg0: i32) -> (i32, i32, i32) {
    %c0_i32 = arith.constant 0 : i32
    %c0_i32_0 = arith.constant 0 : i32
    %c0_i32_1 = arith.constant 0 : i32
    return %c0_i32, %arg0, %c0_i32_0 : i32, i32, i32
  }
  func.func @transform_1(%arg0: i32) -> (i32, i32) {
    %c0_i32 = arith.constant 0 : i32
    %c0_i32_0 = arith.constant 0 : i32
    %c0_i32_1 = arith.constant 0 : i32
    return %c0_i32, %c0_i32_0 : i32, i32
  }
  func.func @transform_2(%arg0: i32) -> (i32, i32) {
    %c0_i32 = arith.constant 0 : i32
    %c0_i32_0 = arith.constant 0 : i32
    %c0_i32_1 = arith.constant 0 : i32
    return %c0_i32, %c0_i32_0 : i32, i32
  }
  func.func @transform_3(%arg0: i32) -> (i32, i32) {
    %c0_i32 = arith.constant 0 : i32
    %c0_i32_0 = arith.constant 0 : i32
    %c0_i32_1 = arith.constant 0 : i32
    return %c0_i32, %c0_i32_0 : i32, i32
  }
  func.func @transform_4(%arg0: i32) -> (i32, i32) {
    %c0_i32 = arith.constant 0 : i32
    %c0_i32_0 = arith.constant 0 : i32
    return %arg0, %c0_i32 : i32, i32
  }
  func.func @transform_5(%arg0: i32) -> (i32, i32) {
    %c0_i32 = arith.constant 0 : i32
    %c0_i32_0 = arith.constant 0 : i32
    return %arg0, %c0_i32 : i32, i32
  }
}

module attributes {stable_mosaic.version = 14 : i64} {
  func.func @_fin_body(%arg0: i32, %arg1: memref<2x1000x32xf32, #tpu.memory_space<vmem>>, %arg2: memref<1x16xf32, #tpu.memory_space<vmem>>, %arg3: memref<1000x16xf32, #tpu.memory_space<vmem>>) attributes {dimension_semantics = [#tpu.dimension_semantics<arbitrary>], iteration_bounds = array<i64: 10>, scalar_prefetch = 0 : i64, scratch_operands = 0 : i64, tpu.core_type = #tpu.core_type<tc>, window_params = [{transform_indices = @transform_0, window_bounds = array<i64: 2, 1000, 32>}, {pipeline_mode = #tpu.pipeline_mode<synchronous>, transform_indices = @transform_1, window_bounds = array<i64: 1, 16>}, {transform_indices = @transform_2, window_bounds = array<i64: 1000, 16>}]} {
    %get3A = arith.constant 0 : index
    %get3A_0 = arith.constant 0 : index
    %get3A_1 = arith.constant 0 : index
    %get3A_2 = vector.load %arg1[%get3A, %get3A_0, %get3A_1] : memref<2x1000x32xf32, #tpu.memory_space<vmem>>, vector<1x1000x32xf32>
    %get3A_3 = vector.shape_cast %get3A_2 : vector<1x1000x32xf32> to vector<1000x32xf32>
    %get3A_4 = arith.constant 1 : index
    %get3A_5 = arith.constant 0 : index
    %get3A_6 = arith.constant 0 : index
    %get3A_7 = vector.load %arg1[%get3A_4, %get3A_5, %get3A_6] : memref<2x1000x32xf32, #tpu.memory_space<vmem>>, vector<1x1000x32xf32>
    %get3A_8 = vector.shape_cast %get3A_7 : vector<1x1000x32xf32> to vector<1000x32xf32>
    %add3A = arith.addf %get3A_3, %get3A_8 : vector<1000x32xf32>
    %slice3A = vector.extract_strided_slice %add3A {offsets = [0, 0], sizes = [1000, 16], strides = [1, 1]} : vector<1000x32xf32> to vector<1000x16xf32>
    %slice3A_9 = vector.extract_strided_slice %add3A {offsets = [0, 16], sizes = [1000, 1], strides = [1, 1]} : vector<1000x32xf32> to vector<1000x1xf32>
    %broadcast_in_dim3A = vector.shape_cast %slice3A_9 : vector<1000x1xf32> to vector<1000x1xf32>
    %broadcast_in_dim3A_10 = vector.broadcast %broadcast_in_dim3A : vector<1000x1xf32> to vector<1000x16xf32>
    %div3A = arith.divf %slice3A, %broadcast_in_dim3A_10 : vector<1000x16xf32>
    %get3A_11 = arith.constant 0 : index
    %get3A_12 = arith.constant 0 : index
    %get3A_13 = vector.load %arg2[%get3A_11, %get3A_12] : memref<1x16xf32, #tpu.memory_space<vmem>>, vector<1x16xf32>
    %add3A_14 = vector.broadcast %get3A_13 : vector<1x16xf32> to vector<1000x16xf32>
    %add3A_15 = arith.addf %div3A, %add3A_14 : vector<1000x16xf32>
    %gt3A = arith.constant 0.000000e+00 : f32
    %gt3A_16 = vector.broadcast %gt3A : f32 to vector<1000x16xf32>
    %gt3A_17 = arith.cmpf ogt, %add3A_15, %gt3A_16 : vector<1000x16xf32>
    %exp3A = math.exp %add3A_15 : vector<1000x16xf32>
    %sub3A = arith.constant 1.000000e+00 : f32
    %sub3A_18 = vector.broadcast %sub3A : f32 to vector<1000x16xf32>
    %sub3A_19 = arith.subf %exp3A, %sub3A_18 : vector<1000x16xf32>
    %select_n3A = arith.select %gt3A_17, %add3A_15, %sub3A_19 : vector<1000x16xi1>, vector<1000x16xf32>
    %swap3A = arith.constant 0 : index
    %swap3A_20 = arith.constant 0 : index
    %swap3A_21 = vector.load %arg3[%swap3A, %swap3A_20] : memref<1000x16xf32, #tpu.memory_space<vmem>>, vector<1000x16xf32>
    tpu.vector_store %arg3[%swap3A, %swap3A_20], %select_n3A {strides = array<i32>} : memref<1000x16xf32, #tpu.memory_space<vmem>>, vector<1000x16xf32>,
    return
  }
  func.func @transform_0(%arg0: i32) -> (i32, i32, i32) {
    %c0_i32 = arith.constant 0 : i32
    %c0_i32_0 = arith.constant 0 : i32
    %c0_i32_1 = arith.constant 0 : i32
    return %c0_i32, %arg0, %c0_i32_0 : i32, i32, i32
  }
  func.func @transform_1(%arg0: i32) -> (i32, i32) {
    %c0_i32 = arith.constant 0 : i32
    %c0_i32_0 = arith.constant 0 : i32
    %c0_i32_1 = arith.constant 0 : i32
    return %c0_i32, %c0_i32_0 : i32, i32
  }
  func.func @transform_2(%arg0: i32) -> (i32, i32) {
    %c0_i32 = arith.constant 0 : i32
    %c0_i32_0 = arith.constant 0 : i32
    return %arg0, %c0_i32 : i32, i32
  }
}

</mosaic_0001>

<sc_bundles>
// kernel: kernel.10.cloned.1.call-start
scs
__scs_entry_jumppad:
0x0: {  	(pc) =	sbr.rel $0x88, $3  }
0x1: {  	(tag) =	ssettag $0x0;
	lr =	simm.s32 $0x1  }
0x2: {  	[smem:$0x3F97] =	sst lr;
	_ =	strace $0xD0000000  }
0x3: {  	_ = 	snop  }
0x4: {  	_ = 	snop  }
0x5: {  	_ = 	snop  }
0x6: {  	_ = 	snop  }
0x7: {  	_ = 	snop  }
__scs_overlays_trampoline_lowered:
0x8: {  	[smem:$0x3FA6] =	sst s0  }
0x9: {  	[smem:$0x3FA7] =	sst s1  }
0xa: {  	[smem:$0x3FA8] =	sst s2  }
0xb: {  	[smem:$0x3FA9] =	sst s3  }
0xc: {  	[smem:$0x3FAA] =	sst s4  }
0xd: {  	[smem:$0x3FAB] =	sst s5  }
0xe: {  	[smem:$0x3FAC] =	sst s6  }
0xf: {  	[smem:$0x3FAD] =	sst s7  }
0x10: {  	[smem:$0x3FAE] =	sst s8  }
0x11: {  	[smem:$0x3FAF] =	sst s9;
	s0 =	simm.s32 @!p0 $0x0  }
0x12: {  	s1 =	sld [smem:$0x3F95];
	s0 =	simm.s32 @p0 $0x1  }
0x13: {  	[smem:$0x3FB0] =	sst s0;
	s0 =	simm.s32 @!p1 $0x0  }
0x14: {  	s2 =	sld [smem:$0x3F94];
	s0 =	simm.s32 @p1 $0x1  }
0x15: {  	[smem:$0x3FB1] =	sst s0;
	s0 =	simm.s32 @!p2 $0x0  }
0x16: {  	s3 =	sld [smem:$0x3FDB];
	s0 =	simm.s32 @p2 $0x1  }
0x17: {  	s4 =	simm.s32 $0x1BF5;
	[smem:$0x3FB3] =	sst s0  }
0x18: {  	s0 =	sld [smem:$0x3F96];
	_ =	swait.ge [sflag:s4], $0x0  }
0x19: {  	s7 =	sld [smem:$0x3F97]  }
0x1a: {  	s8 =	sadd.s32 $0xFFFFE003, lr  }
0x1b: {  	s9 =	sadd.s32 $0xFFFFFEF7, lr;
	s5 =	simm.s32 $0xFFFFFFFF;
	p2 =	slt.u32 s8, $0xFFFFF086  }
0x1c: {  	p1 =	slt.u32 s9, $0xF7A;
	s5 =	simm.s32 @!p2 $0x0  }
0x1d: {  	s5 =	simm.s32 @p1 $0x1;
	p0 =	seq.s32 s7, s2  }
0x1e: {  	s7 =	smul.u32 @!p0 $0xF7A, s2;
	p2 =	seq.s32 @!p0 s5, $0x0  }
0x1f: {  	s9 =	smul.u32 $0xF7A, s1;
	s8 =	simm.s32 @!p0 $0x1BF5;
	p2 =	por !p2, p0  }
0x20: {  	[sflag:s8] =	ssyncset.s32 @!p0 $0xFFFFF086;
	s6 =	sadd.s32 @!p0 s3, s7;
	s7 =	simm.s32 @!p0 $0x108  }
0x21: {  	s3 =	sadd.s32 s3, s9;
	s6 =	sadd.s32 @!p0 $0x88, s6;
	s7 =	simm.s32 @p2 $0x1082  }
0x22: {  	[simem:s7], [sflag:s8] =	dma.local @!p0 [hbm:s6], $0xF7A  }
0x23: {  	s9 =	sor.u32 $0xD0000000, s2;
	s6 =	simm.s32 $0x108;
	_ =	swait.ge @!p0 [sflag:s8], $0x0  }
0x24: {  	s3 =	sadd.s32 $0x88, s3;
	s6 =	simm.s32 @!p1 $0x1082;
	[sflag:s4] =	ssyncset.s32 $0xFFFFF086  }
0x25: {  	[simem:s6], [sflag:s4] =	dma.local [hbm:s3], $0xF7A  }
0x26: {  	[smem:$0x3F97] =	sst s1;
	(tag) =	ssettag s2;
	_ =	strace s9  }
0x27: {  	s1 =	sld [smem:$0x3FA7]  }
0x28: {  	s2 =	sld [smem:$0x3FA8]  }
0x29: {  	s4 =	sld [smem:$0x3FAA]  }
0x2a: {  	p0 =	seq.s32 s5, $0x0;
	s5 =	sld [smem:$0x3FAB]  }
0x2b: {  	s6 =	sld [smem:$0x3FAC]  }
0x2c: {  	s7 =	sld [smem:$0x3FAD]  }
0x2d: {  	s3 =	simm.s32 $0x108;
	s8 =	sld [smem:$0x3FAE]  }
0x2e: {  	s3 =	simm.s32 @!p0 $0x1082;
	s9 =	sld [smem:$0x3FAF]  }
0x2f: {  	lr =	sadd.s32 s0, s3;
	s0 =	sld [smem:$0x3FA6]  }
0x30: {  	s3 =	sld [smem:$0x3FA9]  }
0x31: {  	[smem:$0x3FB2] =	sst s10  }
0x32: {  	s10 =	sld [smem:$0x3FB0];
	_ =	sdelay $0x3  }
0x33: {  	p0 =	seq.s32 s10, $0x1;
	s10 =	sld [smem:$0x3FB2];
	_ =	sdelay $0x3  }
0x34: {  	[smem:$0x3FB2] =	sst s10  }
0x35: {  	s10 =	sld [smem:$0x3FB1];
	_ =	sdelay $0x3  }
0x36: {  	p1 =	seq.s32 s10, $0x1;
	s10 =	sld [smem:$0x3FB2];
	_ =	sdelay $0x3  }
0x37: {  	[smem:$0x3FB2] =	sst s10  }
0x38: {  	s10 =	sld [smem:$0x3FB3]  }
0x39: {  	_ = 	snop;
	(pc) =	sbr.ind lr, $3  }
0x3a: {  	_ = 	snop  }
0x3b: {  	_ = 	snop  }
0x3c: {  	p2 =	seq.s32 s10, $0x1;
	s10 =	sld [smem:$0x3FB2]  }
0x3d: {  	_ =	shalt  }
0x3e: {  	_ =	shalt  }
0x3f: {  	_ =	shalt  }
0x40: {  	_ =	shalt  }
0x41: {  	_ =	shalt  }
0x42: {  	_ =	shalt  }
0x43: {  	_ =	shalt  }
0x44: {  	_ =	shalt  }
0x45: {  	_ =	shalt  }
0x46: {  	_ =	shalt  }
0x47: {  	_ =	shalt  }
0x48: {  	_ =	shalt  }
0x49: {  	_ =	shalt  }
0x4a: {  	_ =	shalt  }
0x4b: {  	_ =	shalt  }
0x4c: {  	_ =	shalt  }
0x4d: {  	_ =	shalt  }
0x4e: {  	_ =	shalt  }
0x4f: {  	_ =	shalt  }
0x50: {  	_ =	shalt  }
0x51: {  	_ =	shalt  }
0x52: {  	_ =	shalt  }
0x53: {  	_ =	shalt  }
0x54: {  	_ =	shalt  }
0x55: {  	_ =	shalt  }
0x56: {  	_ =	shalt  }
0x57: {  	_ =	shalt  }
0x58: {  	_ =	shalt  }
0x59: {  	_ =	shalt  }
0x5a: {  	_ =	shalt  }
0x5b: {  	_ =	shalt  }
0x5c: {  	_ =	shalt  }
0x5d: {  	_ =	shalt  }
0x5e: {  	_ =	shalt  }
0x5f: {  	_ =	shalt  }
0x60: {  	_ =	shalt  }
0x61: {  	_ =	shalt  }
0x62: {  	_ =	shalt  }
0x63: {  	_ =	shalt  }
0x64: {  	_ =	shalt  }
0x65: {  	_ =	shalt  }
0x66: {  	_ =	shalt  }
0x67: {  	_ =	shalt  }
0x68: {  	_ =	shalt  }
0x69: {  	_ =	shalt  }
0x6a: {  	_ =	shalt  }
0x6b: {  	_ =	shalt  }
0x6c: {  	_ =	shalt  }
0x6d: {  	_ =	shalt  }
0x6e: {  	_ =	shalt  }
0x6f: {  	_ =	shalt  }
0x70: {  	_ =	shalt  }
0x71: {  	_ =	shalt  }
0x72: {  	_ =	shalt  }
0x73: {  	_ =	shalt  }
0x74: {  	_ =	shalt  }
0x75: {  	_ =	shalt  }
0x76: {  	_ =	shalt  }
0x77: {  	_ =	shalt  }
0x78: {  	_ =	shalt  }
0x79: {  	_ =	shalt  }
0x7a: {  	_ =	shalt  }
0x7b: {  	_ =	shalt  }
0x7c: {  	_ =	shalt  }
0x7d: {  	_ =	shalt  }
0x7e: {  	_ =	shalt  }
0x7f: {  	_ =	shalt  }
0x80: {  	_ =	shalt  }
0x81: {  	_ =	shalt  }
0x82: {  	_ =	shalt  }
0x83: {  	_ =	shalt  }
0x84: {  	_ =	shalt  }
0x85: {  	_ =	shalt  }
0x86: {  	_ =	shalt  }
0x87: {  	_ =	shalt  }
.Lfunc_end0:
.L_simem_size_0:
called_computation.1_lowered:
.L_overlay_start_0:
0x88: {  	s2 =	sld [smem:$0x3FD9]  }
0x89: {  	s3 =	sld [smem:$0x3FFE];
	_ =	sdelay $0x1  }
0x8a: {  	s1 =	srdreg.scid  }
0x8b: {  	s0 =	sand.u32 $0x1, s1  }
0x8c: {  	s17 =	sshll.u32 s0, $0xA;
	s2 =	sadd.s32 s3, s2  }
0x8d: {  	s2 =	sadd.s32 s2, s17  }
0x8e: {  	[smem:$0x3FBE] =	sst s2  }
0x8f: {  	_ = 	snop  }
0x90: {  	s2 =	sld [smem:$0x3FD0];
	(tm) =	ssettm $0x1  }
0x91: {  	s18 =	sld [smem:$0x3FFB];
	_ =	sdelay $0x3  }
0x92: {  	_ =	strace s18  }
0x93: {  	s3 =	sld [smem:$0x3FFC];
	_ =	sdelay $0x3  }
0x94: {  	_ =	strace s3  }
0x95: {  	s3 =	sld [smem:$0x3FFD];
	_ =	sdelay $0x3  }
0x96: {  	_ =	strace s3  }
0x97: {  	_ =	strace $0x8FFFFFFF  }
0x98: {  	s19 =	sld [smem:$0x3FDB];
	_ =	sdelay $0x1  }
0x99: {  	s4 =	simm.s32 $_scs_section_size  }
0x9a: {  	s5 =	simm.s32 $_size__tile_overlayer_lowered;
	s6 =	simm.s32 $_tile_overlayer_lowered  }
0x9b: {  	s22 =	simm.s32 $0x1BFF;
	s21 =	sshll.u32 s6, $0x1;
	s3 =	sadd.s32 s4, s19  }
0x9c: {  	s7 =	simm.s32 $0x0;
	s20 =	sshll.u32 s5, $0x1;
	s5 =	sadd.s32 s21, s3  }
0x9d: {  	[timem:s7], [sflag:s22] =	dma.local [hbm:s5], s20  }
0x9e: {  	_ =	swait.ge [sflag:s22], s20  }
0x9f: {  	s4 =	ssub.s32 $0x0, s20;
	[sflag:s22] =	ssyncset.done $0x0  }
0xa0: {  	[sflag:s22] =	ssyncadd.s32 s4;
	_ =	sdelay $0x1  }
0xa1: {  	s23 =	simm.s32 $0x1B8B  }
0xa2: {  	_ =	swait.ge [sflag:s23], $0x1  }
0xa3: {  	[sflag:s23] =	ssyncset.done $0x0  }
0xa4: {  	s25 =	simm.s32 $0x1B8E;
	s24 =	sld [smem:$0x3FFE];
	[sflag:s23] =	ssyncadd.s32 $0xFFFFFFFF  }
0xa5: {  	s26 =	simm.s32 $execute0_lowered;
	[smem:$0x3FD2] =	sst s25  }
0xa6: {  	s5 =	sshll.u32 s26, $0x1;
	_ =	strace $0x80000049;
	[dreg:$0x1] =	wrdreg $0xFFFFFFFF  }
0xa7: {  	s28 =	simm.s32 $_size_execute0_lowered;
	s3 =	sadd.s32 s3, s5;
	[dreg:$0x0] =	wrdreg $0x0  }
0xa8: {  	s5 =	sshll.u32 s28, $0x1;
	[dreg:$0x2] =	wrdreg s3  }
0xa9: {  	[dreg:$0x3] =	wrdreg s5  }
0xaa: {  	[dreg:$0x4] =	wrdreg $0xC0  }
0xab: {  	_ =	task [dreg:s7], $0x5FFFF  }
0xac: {  	[dreg:$0x1] =	wrdreg $0xFFFFFFFF  }
0xad: {  	[dreg:$0x0] =	wrdreg $0x60  }
0xae: {  	[dreg:$0x2] =	wrdreg s24  }
0xaf: {  	[dreg:$0x3] =	wrdreg s2  }
0xb0: {  	[dreg:$0x4] =	wrdreg $0x25800  }
0xb1: {  	[dreg:$0x5] =	wrdreg $0x9  }
0xb2: {  	_ =	task.clear_ibuf [dreg:s7], $0x6FFFF;
	_ =	strace $0x90000049  }
0xb3: {  	s29 =	simm.s32 $0x9;
	_ =	strace $0x8000004B  }
0xb4: {  	_ =	swait.ge [sflag:s29], $0x1  }
0xb5: {  	[sflag:s29] =	ssyncadd.s32 $0xFFFFFFFF  }
0xb6: {  	_ =	strace $0x9000004B  }
0xb7: {  	_ =	sfence  }
0xb8: {  	s30 =	sld [smem:$0x0];
	_ =	sdelay $0x2  }
0xb9: {  	s31 =	sshll.u32 s1, $0xD;
	s1 =	sshrl.u32 s1, $0x2  }
0xba: {  	s3 =	sand.u32 $0x4000, s31;
	s1 =	sadd.s32 s1, s30  }
0xbb: {  	s0 =	sor.u32 s3, s0;
	s1 =	sshll.u32 s1, $0x11  }
0xbc: {  	s0 =	sor.u32 s1, s0  }
0xbd: {  	s0 =	sadd.s32 $0x8F2B, s0  }
0xbe: {  	[sflag:s0] =	ssyncadd.remote.s32 $0x1  }
0xbf: {  	_ =	sfence.sel $0xFFFF  }
0xc0: {  	[dreg:$0x0] =	wrdreg $0xFFFFFFFF;
	(pc) =	sbr.abs _section_cstart, $3  }
0xc1: {  	[dreg:$0x1] =	wrdreg $0xFFFFFFFF  }
0xc2: {  	_ =	task.clear_ibuf [dreg:s7], $0x2FFFF;
	_ =	strace $0x9FFFFFFF  }
0xc3: {  	(tm) =	ssettm $0x7FFFFFFF  }
tec
execute0_lowered:
.L_overlay_start_1:
0x0: {  	(tag) =	ssettag $0x1  }
0x1: {  	s0 =	rddreg [dreg:$0x0]  }
0x2: {  	s2 =	rddreg [dreg:$0x1]  }
0x3: {  	s1 =	srdreg.scid;
	s10 =	stileid.u32  }
0x4: {  	s3 =	rddreg [dreg:$0x2];
	s4 =	simm.s32 $0x0;
	s28 =	simm.s32 $0x120  }
0x5: {  	s29 =	simm.s32 $0x1F80;
	s30 =	simm.s32 $0x3;
	s7 =	smul.u32 $0x4F00, s10  }
0x6: {  	s1 =	sand.u32 $0x1, s1;
	[smem:$0x7FF] =	sst s4;
	s9 =	smul.u32 $0x13C00, s10  }
0x7: {  	s31 =	simm.s32 $0x5;
	s5 =	smul.u32 $0x4F000, s1;
	_ =	strace $0x8000004A  }
0x8: {  	s18 =	sshll.u32 s1, $0x4;
	s1 =	ssub.s32 $0x2, s1;
	s9 =	sshrl.u32 s9, $0x2  }
0x9: {  	s19 =	sshrl.u32 s1, $0x1;
	s6 =	sadd.s32 s7, s5;
	s9 =	sadd.s32 s9, s3  }
0xa: {  	s5 =	sadd.s32 $0x15000, s0;
	s1 =	ssub.s32 s1, s19;
	s20 =	sadd.s32 $0xC00, s9  }
0xb: {  	s7 =	sadd.s32 s7, s3;
	s21 =	sadd.s32 $0x1800, s9;
	[dreg:$0x4] =	wrdreg s20  }
0xc: {  	s8 =	sshrl.u32 s6, $0x3;
	s22 =	sadd.s32 $0x2400, s9;
	[dreg:$0x5] =	wrdreg s21  }
0xd: {  	s6 =	sadd.s32 $0xC00, s0;
	s11 =	sadd.s32 $0x3000, s9;
	[dreg:$0x6] =	wrdreg s22  }
0xe: {  	s24 =	sadd.s32 $0x3C00, s9;
	s9 =	sadd.s32 $0x4800, s9;
	[dreg:$0x7] =	wrdreg s11  }
0xf: {  	s26 =	smax.u32 s1, $0x1;
	s1 =	simm.s32 $0x1;
	[dreg:$0x8] =	wrdreg s24  }
0x10: {  	s0 =	sadd.s32 s8, s0;
	s8 =	sor.u32 s10, s18;
	[dreg:$0xa] =	wrdreg s9  }
0x11: {  	[dreg:$0xd] =	wrdreg s26;
	s20 =	simm.s32 $0x180;
	s21 =	simm.s32 $0x7  }
0x12: {  	s22 =	simm.s32 $0x60;
	s24 =	simm.s32 $0xC0;
	s8 =	smul.u32 $0x5100, s8  }
0x13: {  	s26 =	simm.s32 $0xD80;
	s9 =	simm.s32 $0x0;
	s0 =	sadd.s32 $0x1EE00, s0  }
0x14: {  	[dreg:$0xc] =	wrdreg s0;
	s0 =	simm.s32 $0x4;
	s23 =	sshrl.u32 s8, $0x3  }
0x15: {  	s16 =	sadd.s32 $0x180, s8;
	s17 =	sadd.s32 $0x240, s8;
	s10 =	sadd.s32 s6, s23  }
0x16: {  	s8 =	simm.s32 $0x6;
	[dreg:$0x9] =	wrdreg s10;
	s25 =	sadd.s32 $0x18, s10  }
0x17: {  	v0 =	vimm.f32 $0.0e+00;
	vm0 =	vmmov $0x1;
	v1 =	vimm.s32 $0x0;
	s23 =	simm.s32 $0x1980;
	[dreg:$0xb] =	wrdreg s25;
	s25 =	simm.s32 $0x2  }
.LBB2_1:
0x18: {  	s10 =	simm.s32 $0x80;
	s11 =	simm.s32 $0x0  }
.LBB2_2:
0x19: {  	p0 =	sne.s32 s10, $0x2F80;
	[tilespmem:s11+$0x180] =	vst v0;
	s12 =	smov.u32 s10;
	s10 =	sadd.s32 $0x80, s10  }
.Ltmp0:
0x1a: {  	[tilespmem:s11+$0x190] =	vst v0;
	(pc) =	sbr.rel @p0 .LBB2_2-.Ltmp0, $2  }
0x1b: {  	_ =	sdelay $0x2  }
0x1c: {  	s11 =	sshra.s32 s12, $0x2  }
0x1d: {  	[tilespmem:s11+$0x180] =	vst v0  }
0x1e: {  	[tilespmem:s11+$0x190] =	vst v0  }
0x1f: {  	[spmem:s7] =	stream.linear.scatter [tilespmem:s20], [sflag:$0x7], $0xC00, $0x38;
	[tilespmem:$0x7480] =	vst v63  }
0x20: {  	_ =	swait.ge [sflag:s21], $0xC00  }
0x21: {  	[sflag:s21] =	ssyncset.done $0x0  }
0x22: {  	s10 =	rddreg [dreg:$0x4];
	[sflag:s21] =	ssyncadd.s32 $0xFFFFF400  }
0x23: {  	[spmem:s10] =	stream.linear.scatter [tilespmem:s20], [sflag:$0x7], $0xC00, $0x38;
	[tilespmem:$0x7480] =	vst v63  }
0x24: {  	_ =	swait.ge [sflag:s21], $0xC00  }
0x25: {  	[sflag:s21] =	ssyncset.done $0x0  }
0x26: {  	s11 =	rddreg [dreg:$0x5];
	[sflag:s21] =	ssyncadd.s32 $0xFFFFF400  }
0x27: {  	[spmem:s11] =	stream.linear.scatter [tilespmem:s20], [sflag:$0x7], $0xC00, $0x38;
	[tilespmem:$0x7480] =	vst v63  }
0x28: {  	_ =	swait.ge [sflag:s21], $0xC00  }
0x29: {  	[sflag:s21] =	ssyncset.done $0x0  }
0x2a: {  	s12 =	rddreg [dreg:$0x6];
	[sflag:s21] =	ssyncadd.s32 $0xFFFFF400  }
0x2b: {  	[spmem:s12] =	stream.linear.scatter [tilespmem:s20], [sflag:$0x7], $0xC00, $0x38;
	[tilespmem:$0x7480] =	vst v63  }
0x2c: {  	_ =	swait.ge [sflag:s21], $0xC00  }
0x2d: {  	[sflag:s21] =	ssyncset.done $0x0  }
0x2e: {  	s13 =	rddreg [dreg:$0x7];
	[sflag:s21] =	ssyncadd.s32 $0xFFFFF400  }
0x2f: {  	[spmem:s13] =	stream.linear.scatter [tilespmem:s20], [sflag:$0x7], $0xC00, $0x38;
	[tilespmem:$0x7480] =	vst v63  }
0x30: {  	_ =	swait.ge [sflag:s21], $0xC00  }
0x31: {  	[sflag:s21] =	ssyncset.done $0x0  }
0x32: {  	s14 =	rddreg [dreg:$0x8];
	[sflag:s21] =	ssyncadd.s32 $0xFFFFF400  }
0x33: {  	[spmem:s14] =	stream.linear.scatter [tilespmem:s20], [sflag:$0x7], $0xC00, $0x38;
	[tilespmem:$0x7480] =	vst v63  }
0x34: {  	_ =	swait.ge [sflag:s21], $0xC00  }
0x35: {  	[sflag:s21] =	ssyncset.done $0x0  }
0x36: {  	s15 =	rddreg [dreg:$0xa];
	[sflag:s21] =	ssyncadd.s32 $0xFFFFF400  }
0x37: {  	[spmem:s15] =	stream.linear.scatter [tilespmem:s20], [sflag:$0x7], $0x700, $0x38;
	[tilespmem:$0x7480] =	vst v63  }
0x38: {  	_ =	swait.ge [sflag:s21], $0x700  }
0x39: {  	[sflag:s21] =	ssyncset.done $0x0  }
0x3a: {  	[sflag:s21] =	ssyncadd.s32 $0xFFFFF900  }
0x3b: {  	[bflag:$0x0] =	sbarrier.arrive $0xFFFF  }
0x3c: {  	s10 =	simm.s32 $0x0;
	s18 =	rddreg [dreg:$0x9]  }
0x3d: {  	[tilespmem:s10], [sflag:$0x7] =	stream.linear.gather [hbm4b:s18+s10], $0xC0, $0x38;
	[tilespmem:$0x7480] =	vst v63  }
0x3e: {  	_ =	swait.ge [sflag:s21], $0xC0  }
0x3f: {  	[sflag:s21] =	ssyncset.done $0x0  }
0x40: {  	[sflag:s21] =	ssyncadd.s32 $0xFFFFFF40  }
0x41: {  	[tilespmem:s20], [sflag:$0x3] =	stream.indirect.gather [hbm4b:s5+s22], $0x20, s10, s22, $0xb8;
	[tilespmem:$0x7480] =	vst v63  }
0x42: {  	_ = 	snop  }
0x43: {  	[tilespmem:s23], [sflag:$0x5] =	stream.indirect.gather [hbm4b:s2+s22], $0x10, s22, s22, $0xb8;
	[tilespmem:$0x7480] =	vst v63  }
0x44: {  	s19 =	rddreg [dreg:$0xb]  }
0x45: {  	[tilespmem:s24], [sflag:$0x2] =	stream.linear.gather [hbm4b:s19+s10], $0xC0, $0x38;
	[tilespmem:$0x7480] =	vst v63  }
.LBB2_4:
0x46: {  	_ =	swait.ge [sflag:s25], $0xC0  }
0x47: {  	[sflag:s25] =	ssyncset.done $0x0  }
0x48: {  	[sflag:s25] =	ssyncadd.s32 $0xFFFFFF40  }
0x49: {  	[tilespmem:s26], [sflag:$0x4] =	stream.indirect.gather [hbm4b:s5+s22], $0x20, s24, s22, $0xb8;
	[tilespmem:$0x7480] =	vst v63  }
0x4a: {  	_ = 	snop  }
0x4b: {  	[tilespmem:s29], [sflag:$0x6] =	stream.indirect.gather [hbm4b:s2+s22], $0x10, s28, s22, $0xb8;
	[tilespmem:$0x7480] =	vst v63  }
0x4c: {  	_ =	swait.ge [sflag:s30], $0xC00  }
0x4d: {  	[sflag:s30] =	ssyncset.done $0x0  }
0x4e: {  	[sflag:s30] =	ssyncadd.s32 $0xFFFFF400  }
0x4f: {  	_ =	swait.ge [sflag:s31], $0x600  }
0x50: {  	[sflag:s31] =	ssyncset.done $0x0  }
0x51: {  	s12 =	simm.s32 $0x1C0;
	[sflag:s31] =	ssyncadd.s32 $0xFFFFFA00  }
0x52: {  	s11 =	simm.s32 $0x19A0;
	v2 =	vld [tilespmem:s12+$0x30]  }
0x53: {  	v3 =	vld [tilespmem:s11+$0x10]  }
0x54: {  	v4 =	vld [tilespmem:s11+$0xFFFFFFE0]  }
0x55: {  	v5 =	vld [tilespmem:s12+$0xFFFFFFF0]  }
0x56: {  	v7 =	vld [tilespmem:s12+$0x10]  }
0x57: {  	v8 =	vld [tilespmem:s11+$0x0]  }
0x58: {  	v6 =	vld [tilespmem:s11+$0xFFFFFFF0]  }
0x59: {  	v2 =	vadd.f32 v3, v2;
	v3 =	vld [tilespmem:s12+$0xFFFFFFD0];
	_ =	sdelay $0x1  }
0x5a: {  	v10 =	vmul.f32 $2.000000030e-01, v2  }
0x5b: {  	v9 =	vld [tilespmem:s12+$0xFFFFFFC0];
	s11 =	simm.s32 $0x240;
	v7 =	vadd.f32 v8, v7  }
0x5c: {  	s13 =	simm.s32 $0x19E0;
	v5 =	vadd.f32 v6, v5;
	v8 =	vld [tilespmem:s11+$0x30];
	v2 =	vmax.f32 v2, v10  }
0x5d: {  	v11 =	vmul.f32 $2.000000030e-01, v7;
	v10 =	vld [tilespmem:s13+$0x10];
	v2 =	vmul.f32 $1.442695020e+00, v2;
	v3 =	vadd.f32 v4, v3  }
0x5e: {  	v13 =	vld [tilespmem:s13+$0xFFFFFFE0];
	v4 =	vmul.f32 $2.000000030e-01, v5  }
0x5f: {  	v7 =	vmax.f32 v7, v11;
	v11 =	vld [tilespmem:s13+$0xFFFFFFF0];
	(erf) = vpow2.f32 v2;
	v2 =	vmul.f32 $2.000000030e-01, v3  }
0x60: {  	v4 =	vmax.f32 v5, v4;
	v5 =	vld [tilespmem:s11+$0xFFFFFFF0]  }
0x61: {  	v4 =	vmul.f32 $1.442695020e+00, v4;
	v2 =	vmax.f32 v3, v2;
	v3 =	vmul.f32 $1.442695020e+00, v7;
	v7 =	vld [tilespmem:s11+$0x10]  }
0x62: {  	v8 =	vadd.f32 v10, v8;
	v10 =	vld [tilespmem:s11+$0xFFFFFFD0]  }
0x63: {  	(erf) = vpow2.f32 v4;
	v4 =	vld [tilespmem:s13+$0x0]  }
0x64: {  	v12 =	vld [tilespmem:s12+$0xFFFFFFE0];
	v2 =	vmul.f32 $1.442695020e+00, v2  }
0x65: {  	s15 =	simm.s32 $0x1A20;
	v15 =	vld [tilespmem:s12+$0x20];
	(erf) = vpow2.f32 v3;
	v14 =	vmul.f32 $2.000000030e-01, v8  }
0x66: {  	s14 =	simm.s32 $0x2C0;
	v16 =	vld [tilespmem:s15+$0x10];
	(erf) = vpow2.f32 v2;
	v5 =	vadd.f32 v11, v5  }
0x67: {  	v20 =	vld [tilespmem:s14+$0xFFFFFFF0];
	v8 =	vmax.f32 v8, v14  }
0x68: {  	v14 =	vld [tilespmem:s14+$0x30];
	v10 =	vadd.f32 v13, v10;
	v13 =	vmul.f32 $2.000000030e-01, v5;
	v11 =	vadd.f32 v4, v7  }
0x69: {  	v21 =	vld [tilespmem:s14+$0x10];
	v7 =	vmul.f32 $1.442695020e+00, v8  }
0x6a: {  	v6 =	vld [tilespmem:s12+$0x0];
	v8 =	vpop (erf);
	v19 =	vmul.f32 $2.000000030e-01, v10;
	v5 =	vmax.f32 v5, v13;
	v17 =	vmul.f32 $2.000000030e-01, v11  }
0x6b: {  	v3 =	vld [tilespmem:s11+$0xFFFFFFE0];
	v8 =	vnsel vm0, $0x0, v8;
	(erf) = vpow2.f32 v7;
	v5 =	vmul.f32 $1.442695020e+00, v5  }
0x6c: {  	v2 =	vld [tilespmem:s11+$0xFFFFFFC0];
	v18 =	vperm.xlane v8, v1;
	v10 =	vmax.f32 v10, v19;
	v11 =	vmax.f32 v11, v17  }
0x6d: {  	v4 =	vld [tilespmem:s11+$0x0];
	v14 =	vadd.f32 v16, v14;
	v13 =	vpop (erf);
	v10 =	vmul.f32 $1.442695020e+00, v10;
	v11 =	vmul.f32 $1.442695020e+00, v11  }
0x6e: {  	(erf) = vpow2.f32 v5;
	v15 =	vmul.f32 v15, v18;
	v18 =	vld [tilespmem:s15+$0xFFFFFFF0];
	v17 =	vpop (erf)  }
0x6f: {  	v7 =	vld [tilespmem:s15+$0xFFFFFFE0];
	v13 =	vnsel vm0, $0x0, v13;
	v22 =	vmul.f32 $2.000000030e-01, v14;
	v19 =	vpop (erf);
	(erf) = vpow2.f32 v11  }
0x70: {  	[tilespmem:s12+$0x30] =	vst v8;
	v16 =	vnsel vm0, $0x0, v17;
	v17 =	vperm.xlane v13, v1;
	v5 =	vnsel vm0, $0x0, v19;
	v19 =	vld [tilespmem:s15+$0x0]  }
0x71: {  	[tilespmem:s12+$0x20] =	vst v15;
	v11 =	vld [tilespmem:s14+$0xFFFFFFD0];
	(erf) = vpow2.f32 v10;
	v15 =	vperm.xlane v5, v1  }
0x72: {  	v8 =	vld [tilespmem:s14+$0xFFFFFFC0];
	[tilespmem:s12+$0xFFFFFFF0] =	vst v13;
	v14 =	vmax.f32 v14, v22  }
0x73: {  	v23 =	vperm.xlane v16, v1;
	[tilespmem:s12+$0x10] =	vst v16;
	v10 =	vadd.f32 v18, v20;
	v18 =	vmul.f32 v9, v15;
	v9 =	vld [tilespmem:s11+$0x20]  }
0x74: {  	v16 =	vmul.f32 $1.442695020e+00, v14;
	[tilespmem:s12+$0xFFFFFFD0] =	vst v5;
	v13 =	vmul.f32 v12, v17;
	v5 =	vld [tilespmem:s14+$0xFFFFFFE0];
	v17 =	vpop (erf)  }
0x75: {  	s18 =	simm.s32 $0x8;
	s19 =	simm.s32 $0x340;
	v12 =	vmul.f32 v6, v23;
	v6 =	vld [tilespmem:s14+$0x0];
	v14 =	vnsel vm0, $0x0, v17;
	v15 =	vadd.f32 v19, v21;
	[tilespmem:s12+$0xFFFFFFC0] =	vst v18  }
.LBB2_5:
0x76: {  	v17 =	vld [tilespmem:s19+$0x30];
	v11 =	vadd.f32 v7, v11;
	v21 =	vmul.f32 $2.000000030e-01, v10;
	s15 =	sadd.s32 $0x40, s15;
	v19 =	vperm.xlane v14, v1;
	[tilespmem:s12+$0xFFFFFFE0] =	vst v13  }
0x77: {  	s18 =	sadd.s32 $0x4, s18;
	v13 =	vld [tilespmem:s15+$0x10];
	v20 =	vmul.f32 $2.000000030e-01, v15;
	(erf) = vpow2.f32 v16;
	[tilespmem:s12+$0x0] =	vst v12;
	v12 =	vmov v8;
	s12 =	smov.u32 s11;
	s11 =	smov.u32 s14  }
0x78: {  	p0 =	slt.u32 s18, $0x5C;
	s14 =	smov.u32 s19;
	v7 =	vld [tilespmem:s15+$0xFFFFFFE0];
	v8 =	vmul.f32 $2.000000030e-01, v11;
	v10 =	vmax.f32 v10, v21;
	[tilespmem:s12+$0x30] =	vst v14;
	v21 =	vmul.f32 v9, v19;
	v14 =	vpop (erf)  }
0x79: {  	v16 =	vld [tilespmem:s19+$0xFFFFFFF0];
	v10 =	vmul.f32 $1.442695020e+00, v10;
	v15 =	vmax.f32 v15, v20;
	v14 =	vnsel vm0, $0x0, v14;
	v18 =	vpop (erf)  }
0x7a: {  	v19 =	vld [tilespmem:s15+$0xFFFFFFF0];
	v8 =	vmax.f32 v11, v8;
	v11 =	vmul.f32 $1.442695020e+00, v15;
	v15 =	vnsel vm0, $0x0, v18;
	[tilespmem:s12+$0x20] =	vst v21;
	v9 =	vpop (erf)  }
0x7b: {  	v18 =	vld [tilespmem:s19+$0x10];
	v8 =	vmul.f32 $1.442695020e+00, v8;
	(erf) = vpow2.f32 v10;
	v9 =	vnsel vm0, $0x0, v9;
	[tilespmem:s12+$0xFFFFFFF0] =	vst v14  }
0x7c: {  	v20 =	vld [tilespmem:s15+$0x0];
	v17 =	vadd.f32 v13, v17;
	(erf) = vpow2.f32 v11;
	[tilespmem:s12+$0xFFFFFFD0] =	vst v9;
	v13 =	vperm.xlane v9, v1  }
.Ltmp1:
0x7d: {  	v14 =	vperm.xlane v14, v1;
	v11 =	vld [tilespmem:s19+$0xFFFFFFD0];
	(erf) = vpow2.f32 v8;
	[tilespmem:s12+$0x10] =	vst v15;
	(pc) =	sbr.rel @p0 .LBB2_5-.Ltmp1, $4  }
0x7e: {  	v15 =	vperm.xlane v15, v1;
	v8 =	vld [tilespmem:s19+$0xFFFFFFC0];
	v21 =	vmul.f32 $2.000000030e-01, v17  }
0x7f: {  	v10 =	vadd.f32 v19, v16;
	v9 =	vld [tilespmem:s11+$0x20];
	v19 =	vmul.f32 v2, v13;
	v13 =	vmul.f32 v3, v14;
	v2 =	vmovc v12  }
0x80: {  	v12 =	vmul.f32 v4, v15;
	v3 =	vmov v5;
	v14 =	vmax.f32 v17, v21;
	v17 =	vpop (erf);
	v5 =	vld [tilespmem:s19+$0xFFFFFFE0]  }
0x81: {  	v4 =	vmovc v6;
	s19 =	sadd.s32 $0x80, s19;
	v15 =	vadd.f32 v20, v18;
	v16 =	vmul.f32 $1.442695020e+00, v14;
	v14 =	vnsel vm0, $0x0, v17;
	[tilespmem:s12+$0xFFFFFFC0] =	vst v19;
	v6 =	vld [tilespmem:s14+$0x0]  }
0x82: {  	v7 =	vadd.f32 v7, v11  }
0x83: {  	v11 =	vmul.f32 $2.000000030e-01, v10;
	v17 =	vmul.f32 $2.000000030e-01, v15  }
0x84: {  	v18 =	vmul.f32 $2.000000030e-01, v7  }
0x85: {  	v10 =	vmax.f32 v10, v11;
	v11 =	vmax.f32 v15, v17  }
0x86: {  	v7 =	vmax.f32 v7, v18;
	v11 =	vmul.f32 $1.442695020e+00, v11  }
0x87: {  	v10 =	vmul.f32 $1.442695020e+00, v10;
	v7 =	vmul.f32 $1.442695020e+00, v7  }
0x88: {  	(erf) = vpow2.f32 v16  }
0x89: {  	v15 =	vpop (erf);
	(erf) = vpow2.f32 v10;
	v10 =	vperm.xlane v14, v1  }
0x8a: {  	(erf) = vpow2.f32 v11;
	v11 =	vpop (erf)  }
0x8b: {  	[tilespmem:s12+$0xFFFFFFE0] =	vst v13;
	v9 =	vmul.f32 v9, v10;
	(erf) = vpow2.f32 v7;
	v7 =	vpop (erf)  }
0x8c: {  	[tilespmem:s12+$0x0] =	vst v12;
	v7 =	vnsel vm0, $0x0, v7  }
0x8d: {  	v10 =	vnsel vm0, $0x0, v15;
	[tilespmem:s11+$0x20] =	vst v9;
	v9 =	vperm.xlane v7, v1  }
0x8e: {  	[tilespmem:s11+$0xFFFFFFF0] =	vst v10;
	v10 =	vperm.xlane v10, v1;
	v11 =	vnsel vm0, $0x0, v11  }
0x8f: {  	[tilespmem:s11+$0xFFFFFFD0] =	vst v7;
	v7 =	vperm.xlane v11, v1  }
0x90: {  	[tilespmem:s11+$0x30] =	vst v14;
	v12 =	vld [tilespmem:s14+$0x20];
	v3 =	vmul.f32 v3, v10  }
0x91: {  	[tilespmem:s11+$0x10] =	vst v11;
	v2 =	vmul.f32 v2, v9;
	v4 =	vmul.f32 v4, v7;
	v9 =	vpop (erf)  }
0x92: {  	[tilespmem:s11+$0xFFFFFFE0] =	vst v3;
	v9 =	vnsel vm0, $0x0, v9  }
0x93: {  	[tilespmem:s11+$0xFFFFFFC0] =	vst v2;
	v7 =	vpop (erf);
	v2 =	vperm.xlane v9, v1  }
0x94: {  	[tilespmem:s11+$0x0] =	vst v4;
	v3 =	vpop (erf);
	v7 =	vnsel vm0, $0x0, v7  }
0x95: {  	v4 =	vpop (erf);
	v3 =	vnsel vm0, $0x0, v3;
	[tilespmem:s14+$0xFFFFFFF0] =	vst v7;
	v2 =	vmul.f32 v12, v2  }
0x96: {  	v7 =	vperm.xlane v7, v1;
	v4 =	vnsel vm0, $0x0, v4;
	[tilespmem:s14+$0x10] =	vst v3  }
0x97: {  	[tilespmem:s14+$0x20] =	vst v2;
	v2 =	vperm.xlane v4, v1  }
0x98: {  	[tilespmem:s14+$0xFFFFFFD0] =	vst v4;
	v4 =	vperm.xlane v3, v1;
	v3 =	vmul.f32 v5, v7  }
0x99: {  	[tilespmem:s14+$0x30] =	vst v9;
	v2 =	vmul.f32 v8, v2  }
0x9a: {  	s11 =	sshll.u32 s10, $0x1;
	v4 =	vmul.f32 v6, v4;
	[tilespmem:s14+$0xFFFFFFE0] =	vst v3  }
0x9b: {  	s18 =	smin.u32 s11, $0x69;
	[tilespmem:s14+$0xFFFFFFC0] =	vst v2  }
0x9c: {  	s12 =	smul.u32 $0xC0, s18;
	[tilespmem:s14+$0x0] =	vst v4  }
0x9d: {  	[spmem:s3] =	stream.indirect.scatter.add.f32 [tilespmem:s20], [sflag:$0x7], $0x20, s22, s22, $0xb8;
	[tilespmem:$0x7480] =	vst v63  }
0x9e: {  	s12 =	sadd.s32 s12, s16;
	_ =	swait.ge [sflag:s21], $0xC00  }
0x9f: {  	s12 =	sshrl.u32 s12, $0x3;
	[sflag:s21] =	ssyncset.done $0x0  }
0xa0: {  	s12 =	sadd.s32 s6, s12;
	[sflag:s21] =	ssyncadd.s32 $0xFFFFF400  }
0xa1: {  	[tilespmem:s4], [sflag:$0x1] =	stream.linear.gather [hbm4b:s12+s4], $0xC0, $0x38;
	[tilespmem:$0x7480] =	vst v63  }
0xa2: {  	_ =	swait.ge [sflag:s1], $0xC0  }
0xa3: {  	[sflag:s1] =	ssyncset.done $0x0  }
0xa4: {  	[sflag:s1] =	ssyncadd.s32 $0xFFFFFF40  }
0xa5: {  	[tilespmem:s20], [sflag:$0x3] =	stream.indirect.gather [hbm4b:s5+s22], $0x20, s4, s22, $0xb8;
	[tilespmem:$0x7480] =	vst v63  }
0xa6: {  	_ = 	snop  }
0xa7: {  	[tilespmem:s23], [sflag:$0x5] =	stream.indirect.gather [hbm4b:s2+s22], $0x10, s22, s22, $0xb8;
	[tilespmem:$0x7480] =	vst v63  }
0xa8: {  	_ =	swait.ge [sflag:s0], $0xC00  }
0xa9: {  	[sflag:s0] =	ssyncset.done $0x0  }
0xaa: {  	[sflag:s0] =	ssyncadd.s32 $0xFFFFF400  }
0xab: {  	_ =	swait.ge [sflag:s8], $0x600  }
0xac: {  	[sflag:s8] =	ssyncset.done $0x0  }
0xad: {  	s14 =	simm.s32 $0xDC0;
	[sflag:s8] =	ssyncadd.s32 $0xFFFFFA00  }
0xae: {  	s19 =	simm.s32 $0x1FA0;
	v2 =	vld [tilespmem:s14+$0x30]  }
0xaf: {  	v3 =	vld [tilespmem:s19+$0x10]  }
0xb0: {  	v4 =	vld [tilespmem:s19+$0xFFFFFFE0]  }
0xb1: {  	v5 =	vld [tilespmem:s14+$0xFFFFFFF0]  }
0xb2: {  	v7 =	vld [tilespmem:s14+$0x10]  }
0xb3: {  	v8 =	vld [tilespmem:s19+$0x0]  }
0xb4: {  	v6 =	vld [tilespmem:s19+$0xFFFFFFF0]  }
0xb5: {  	v2 =	vadd.f32 v3, v2;
	v3 =	vld [tilespmem:s14+$0xFFFFFFD0];
	_ =	sdelay $0x1  }
0xb6: {  	v10 =	vmul.f32 $2.000000030e-01, v2  }
0xb7: {  	s12 =	simm.s32 $0xE40;
	v9 =	vld [tilespmem:s14+$0xFFFFFFC0];
	v7 =	vadd.f32 v8, v7  }
0xb8: {  	s13 =	simm.s32 $0x1FE0;
	v5 =	vadd.f32 v6, v5;
	v8 =	vld [tilespmem:s12+$0x30];
	v2 =	vmax.f32 v2, v10  }
0xb9: {  	v11 =	vmul.f32 $2.000000030e-01, v7;
	v10 =	vld [tilespmem:s13+$0x10];
	v2 =	vmul.f32 $1.442695020e+00, v2;
	v3 =	vadd.f32 v4, v3  }
0xba: {  	v13 =	vld [tilespmem:s13+$0xFFFFFFE0];
	v4 =	vmul.f32 $2.000000030e-01, v5  }
0xbb: {  	v7 =	vmax.f32 v7, v11;
	v11 =	vld [tilespmem:s13+$0xFFFFFFF0];
	(erf) = vpow2.f32 v2;
	v2 =	vmul.f32 $2.000000030e-01, v3  }
0xbc: {  	v4 =	vmax.f32 v5, v4;
	v5 =	vld [tilespmem:s12+$0xFFFFFFF0]  }
0xbd: {  	v4 =	vmul.f32 $1.442695020e+00, v4;
	v2 =	vmax.f32 v3, v2;
	v3 =	vmul.f32 $1.442695020e+00, v7;
	v7 =	vld [tilespmem:s12+$0x10]  }
0xbe: {  	v8 =	vadd.f32 v10, v8;
	v10 =	vld [tilespmem:s12+$0xFFFFFFD0]  }
0xbf: {  	(erf) = vpow2.f32 v4;
	v4 =	vld [tilespmem:s13+$0x0]  }
0xc0: {  	v12 =	vld [tilespmem:s14+$0xFFFFFFE0];
	v2 =	vmul.f32 $1.442695020e+00, v2  }
0xc1: {  	s18 =	simm.s32 $0x2020;
	v15 =	vld [tilespmem:s14+$0x20];
	(erf) = vpow2.f32 v3;
	v14 =	vmul.f32 $2.000000030e-01, v8  }
0xc2: {  	s15 =	simm.s32 $0xEC0;
	v16 =	vld [tilespmem:s18+$0x10];
	(erf) = vpow2.f32 v2;
	v5 =	vadd.f32 v11, v5  }
0xc3: {  	v20 =	vld [tilespmem:s15+$0xFFFFFFF0];
	v8 =	vmax.f32 v8, v14  }
0xc4: {  	v14 =	vld [tilespmem:s15+$0x30];
	v10 =	vadd.f32 v13, v10;
	v13 =	vmul.f32 $2.000000030e-01, v5;
	v11 =	vadd.f32 v4, v7  }
0xc5: {  	v21 =	vld [tilespmem:s15+$0x10];
	v7 =	vmul.f32 $1.442695020e+00, v8  }
0xc6: {  	v6 =	vld [tilespmem:s14+$0x0];
	v8 =	vpop (erf);
	v19 =	vmul.f32 $2.000000030e-01, v10;
	v5 =	vmax.f32 v5, v13;
	v17 =	vmul.f32 $2.000000030e-01, v11  }
0xc7: {  	v3 =	vld [tilespmem:s12+$0xFFFFFFE0];
	v8 =	vnsel vm0, $0x0, v8;
	(erf) = vpow2.f32 v7;
	v5 =	vmul.f32 $1.442695020e+00, v5  }
0xc8: {  	v2 =	vld [tilespmem:s12+$0xFFFFFFC0];
	v18 =	vperm.xlane v8, v1;
	v10 =	vmax.f32 v10, v19;
	v11 =	vmax.f32 v11, v17  }
0xc9: {  	v4 =	vld [tilespmem:s12+$0x0];
	v14 =	vadd.f32 v16, v14;
	v13 =	vpop (erf);
	v10 =	vmul.f32 $1.442695020e+00, v10;
	v11 =	vmul.f32 $1.442695020e+00, v11  }
0xca: {  	(erf) = vpow2.f32 v5;
	v15 =	vmul.f32 v15, v18;
	v18 =	vld [tilespmem:s18+$0xFFFFFFF0];
	v17 =	vpop (erf)  }
0xcb: {  	v7 =	vld [tilespmem:s18+$0xFFFFFFE0];
	v13 =	vnsel vm0, $0x0, v13;
	v22 =	vmul.f32 $2.000000030e-01, v14;
	v19 =	vpop (erf);
	(erf) = vpow2.f32 v11  }
0xcc: {  	[tilespmem:s14+$0x30] =	vst v8;
	v16 =	vnsel vm0, $0x0, v17;
	v17 =	vperm.xlane v13, v1;
	v5 =	vnsel vm0, $0x0, v19;
	v19 =	vld [tilespmem:s18+$0x0]  }
0xcd: {  	[tilespmem:s14+$0x20] =	vst v15;
	v11 =	vld [tilespmem:s15+$0xFFFFFFD0];
	(erf) = vpow2.f32 v10;
	v15 =	vperm.xlane v5, v1  }
0xce: {  	v8 =	vld [tilespmem:s15+$0xFFFFFFC0];
	[tilespmem:s14+$0xFFFFFFF0] =	vst v13;
	v14 =	vmax.f32 v14, v22  }
0xcf: {  	v23 =	vperm.xlane v16, v1;
	[tilespmem:s14+$0x10] =	vst v16;
	v10 =	vadd.f32 v18, v20;
	v18 =	vmul.f32 v9, v15;
	v9 =	vld [tilespmem:s12+$0x20]  }
0xd0: {  	v16 =	vmul.f32 $1.442695020e+00, v14;
	[tilespmem:s14+$0xFFFFFFD0] =	vst v5;
	v13 =	vmul.f32 v12, v17;
	v5 =	vld [tilespmem:s15+$0xFFFFFFE0];
	v17 =	vpop (erf)  }
0xd1: {  	s19 =	simm.s32 $0x8;
	s13 =	simm.s32 $0xF40;
	v12 =	vmul.f32 v6, v23;
	v6 =	vld [tilespmem:s15+$0x0];
	v14 =	vnsel vm0, $0x0, v17;
	v15 =	vadd.f32 v19, v21;
	[tilespmem:s14+$0xFFFFFFC0] =	vst v18  }
.LBB2_7:
0xd2: {  	v17 =	vld [tilespmem:s13+$0x30];
	v11 =	vadd.f32 v7, v11;
	v21 =	vmul.f32 $2.000000030e-01, v10;
	s18 =	sadd.s32 $0x40, s18;
	v19 =	vperm.xlane v14, v1;
	[tilespmem:s14+$0xFFFFFFE0] =	vst v13  }
0xd3: {  	s19 =	sadd.s32 $0x4, s19;
	v13 =	vld [tilespmem:s18+$0x10];
	v20 =	vmul.f32 $2.000000030e-01, v15;
	(erf) = vpow2.f32 v16;
	[tilespmem:s14+$0x0] =	vst v12;
	v12 =	vmov v8;
	s14 =	smov.u32 s12;
	s12 =	smov.u32 s15  }
0xd4: {  	p0 =	slt.u32 s19, $0x5C;
	s15 =	smov.u32 s13;
	v7 =	vld [tilespmem:s18+$0xFFFFFFE0];
	v8 =	vmul.f32 $2.000000030e-01, v11;
	v10 =	vmax.f32 v10, v21;
	[tilespmem:s14+$0x30] =	vst v14;
	v21 =	vmul.f32 v9, v19;
	v14 =	vpop (erf)  }
0xd5: {  	v16 =	vld [tilespmem:s13+$0xFFFFFFF0];
	v10 =	vmul.f32 $1.442695020e+00, v10;
	v15 =	vmax.f32 v15, v20;
	v14 =	vnsel vm0, $0x0, v14;
	v18 =	vpop (erf)  }
0xd6: {  	v19 =	vld [tilespmem:s18+$0xFFFFFFF0];
	v8 =	vmax.f32 v11, v8;
	v11 =	vmul.f32 $1.442695020e+00, v15;
	v15 =	vnsel vm0, $0x0, v18;
	[tilespmem:s14+$0x20] =	vst v21;
	v9 =	vpop (erf)  }
0xd7: {  	v18 =	vld [tilespmem:s13+$0x10];
	v8 =	vmul.f32 $1.442695020e+00, v8;
	(erf) = vpow2.f32 v10;
	v9 =	vnsel vm0, $0x0, v9;
	[tilespmem:s14+$0xFFFFFFF0] =	vst v14  }
0xd8: {  	v20 =	vld [tilespmem:s18+$0x0];
	v17 =	vadd.f32 v13, v17;
	(erf) = vpow2.f32 v11;
	[tilespmem:s14+$0xFFFFFFD0] =	vst v9;
	v13 =	vperm.xlane v9, v1  }
.Ltmp2:
0xd9: {  	v14 =	vperm.xlane v14, v1;
	v11 =	vld [tilespmem:s13+$0xFFFFFFD0];
	(erf) = vpow2.f32 v8;
	[tilespmem:s14+$0x10] =	vst v15;
	(pc) =	sbr.rel @p0 .LBB2_7-.Ltmp2, $4  }
0xda: {  	v15 =	vperm.xlane v15, v1;
	v8 =	vld [tilespmem:s13+$0xFFFFFFC0];
	v21 =	vmul.f32 $2.000000030e-01, v17  }
0xdb: {  	v10 =	vadd.f32 v19, v16;
	v9 =	vld [tilespmem:s12+$0x20];
	v19 =	vmul.f32 v2, v13;
	v13 =	vmul.f32 v3, v14;
	v2 =	vmovc v12  }
0xdc: {  	v12 =	vmul.f32 v4, v15;
	v3 =	vmov v5;
	v14 =	vmax.f32 v17, v21;
	v17 =	vpop (erf);
	v5 =	vld [tilespmem:s13+$0xFFFFFFE0]  }
0xdd: {  	v4 =	vmovc v6;
	s13 =	sadd.s32 $0x80, s13;
	v15 =	vadd.f32 v20, v18;
	v16 =	vmul.f32 $1.442695020e+00, v14;
	v14 =	vnsel vm0, $0x0, v17;
	[tilespmem:s14+$0xFFFFFFC0] =	vst v19;
	v6 =	vld [tilespmem:s15+$0x0]  }
0xde: {  	v7 =	vadd.f32 v7, v11;
	v49 =	vmul.f32 $2.000000030e-01, v10  }
0xdf: {  	v17 =	vmul.f32 $2.000000030e-01, v15  }
0xe0: {  	(erf) = vpow2.f32 v16;
	v10 =	vmax.f32 v10, v49;
	v50 =	vmul.f32 $2.000000030e-01, v7  }
0xe1: {  	v10 =	vmul.f32 $1.442695020e+00, v10;
	v15 =	vmax.f32 v15, v17  }
0xe2: {  	v52 =	vperm.xlane v14, v1;
	v7 =	vmax.f32 v7, v50;
	v51 =	vmul.f32 $1.442695020e+00, v15  }
0xe3: {  	[tilespmem:s14+$0xFFFFFFE0] =	vst v13;
	v53 =	vpop (erf);
	v7 =	vmul.f32 $1.442695020e+00, v7;
	(erf) = vpow2.f32 v10  }
0xe4: {  	[tilespmem:s14+$0x0] =	vst v12;
	v9 =	vmul.f32 v9, v52;
	v54 =	vpop (erf);
	(erf) = vpow2.f32 v51  }
0xe5: {  	[tilespmem:s12+$0x30] =	vst v14;
	v56 =	vnsel vm0, $0x0, v53;
	v55 =	vpop (erf);
	(erf) = vpow2.f32 v7  }
0xe6: {  	[tilespmem:s12+$0x20] =	vst v9;
	v10 =	vperm.xlane v56, v1;
	v7 =	vnsel vm0, $0x0, v55  }
0xe7: {  	v11 =	vnsel vm0, $0x0, v54;
	[tilespmem:s12+$0xFFFFFFF0] =	vst v56;
	v57 =	vperm.xlane v7, v1  }
0xe8: {  	v58 =	vld [tilespmem:s15+$0x20];
	v59 =	vperm.xlane v11, v1;
	[tilespmem:s12+$0x10] =	vst v11;
	v3 =	vmul.f32 v3, v10  }
0xe9: {  	[tilespmem:s12+$0xFFFFFFD0] =	vst v7;
	v2 =	vmul.f32 v2, v57;
	v60 =	vpop (erf)  }
0xea: {  	v4 =	vmul.f32 v4, v59;
	[tilespmem:s12+$0xFFFFFFE0] =	vst v3;
	v9 =	vnsel vm0, $0x0, v60  }
0xeb: {  	[tilespmem:s12+$0xFFFFFFC0] =	vst v2;
	v2 =	vperm.xlane v9, v1  }
0xec: {  	[tilespmem:s12+$0x0] =	vst v4;
	v61 =	vpop (erf)  }
0xed: {  	[tilespmem:s15+$0x30] =	vst v9;
	v2 =	vmul.f32 v58, v2;
	v3 =	vpop (erf);
	v7 =	vnsel vm0, $0x0, v61  }
0xee: {  	v62 =	vpop (erf);
	v3 =	vnsel vm0, $0x0, v3;
	[tilespmem:s15+$0xFFFFFFF0] =	vst v7;
	v7 =	vperm.xlane v7, v1  }
0xef: {  	[tilespmem:s15+$0x20] =	vst v2;
	v4 =	vnsel vm0, $0x0, v62;
	v63 =	vperm.xlane v3, v1  }
0xf0: {  	[tilespmem:s15+$0x10] =	vst v3;
	v2 =	vperm.xlane v4, v1;
	v3 =	vmul.f32 v5, v7  }
0xf1: {  	[tilespmem:s15+$0xFFFFFFD0] =	vst v4;
	v4 =	vmul.f32 v6, v63  }
0xf2: {  	v2 =	vmul.f32 v8, v2;
	[tilespmem:s15+$0xFFFFFFE0] =	vst v3  }
0xf3: {  	s11 =	smin.u32 s11, $0x68;
	s10 =	sadd.s32 $0x1, s10;
	[tilespmem:s15+$0x0] =	vst v4  }
0xf4: {  	s11 =	smul.u32 $0xC0, s11;
	p0 =	sne.s32 s10, $0x36;
	[tilespmem:s15+$0xFFFFFFC0] =	vst v2  }
0xf5: {  	[spmem:s3] =	stream.indirect.scatter.add.f32 [tilespmem:s26], [sflag:$0x7], $0x20, s28, s22, $0xb8;
	[tilespmem:$0x7480] =	vst v63  }
.Ltmp3:
0xf6: {  	_ = 	snop;
	(pc) =	sbr.rel @p0 .LBB2_4-.Ltmp3, $4  }
0xf7: {  	s11 =	sadd.s32 s11, s17;
	_ =	swait.ge [sflag:s21], $0xC00  }
0xf8: {  	s11 =	sshrl.u32 s11, $0x3;
	[sflag:s21] =	ssyncset.done $0x0  }
0xf9: {  	s11 =	sadd.s32 s6, s11;
	[sflag:s21] =	ssyncadd.s32 $0xFFFFF400  }
0xfa: {  	[tilespmem:s24], [sflag:$0x2] =	stream.linear.gather [hbm4b:s11+s4], $0xC0, $0x38;
	[tilespmem:$0x7480] =	vst v63  }
0xfb: {  	_ =	swait.ge [sflag:s30], $0xC00  }
0xfc: {  	[sflag:s30] =	ssyncset.done $0x0  }
0xfd: {  	[sflag:s30] =	ssyncadd.s32 $0xFFFFF400  }
0xfe: {  	_ =	swait.ge [sflag:s31], $0x600  }
0xff: {  	[sflag:s31] =	ssyncset.done $0x0  }
0x100: {  	[sflag:s31] =	ssyncadd.s32 $0xFFFFFA00  }
0x101: {  	_ =	swait.ge [sflag:s25], $0xC0  }
0x102: {  	[sflag:s25] =	ssyncset.done $0x0  }
0x103: {  	s10 =	stileid.u32;
	[sflag:s25] =	ssyncadd.s32 $0xFFFFFF40  }
0x104: {  	s10 =	sshll.u32 s10, $0x6;
	[bflag:$0x0] =	sbarrier.arrive $0xFFFF  }
0x105: {  	s11 =	sshrl.u32 s7, $0x3;
	s10 =	sor.u32 $0x1C07, s10;
	s12 =	rddreg [dreg:$0xc]  }
0x106: {  	[hbm:s12], [sflag:s10] =	dma.local [spmem:s11], $0x9E0  }
0x107: {  	_ =	swait.ge [sflag:s21], $0x9E0  }
0x108: {  	s9 =	sadd.s32 $0x1, s9;
	s19 =	rddreg [dreg:$0xd]  }
0x109: {  	p0 =	sne.s32 s9, s19  }
.Ltmp4:
0x10a: {  	_ = 	snop;
	(pc) =	sbr.rel @p0 .LBB2_1-.Ltmp4, $3  }
0x10b: {  	_ =	sdelay $0x1  }
0x10c: {  	[sflag:s21] =	ssyncset.done $0x0  }
0x10d: {  	[sflag:s21] =	ssyncadd.s32 $0xFFFFF620  }
0x10e: {  	_ =	sfence.sel $0x180000  }
0x10f: {  	[bflag:$0x0] =	sbarrier.arrive $0xFFFF  }
0x110: {  	_ =	strace $0x9000004A  }
0x111: {  	s0 =	stileid.u32;
	[bflag:$0x2] =	sbarrier.arrive $0xFFFF  }
0x112: {  	p0 =	sne.s32 s0, $0x0;
	s0 =	rddreg [dreg:$0x3]  }
0x113: {  	s0 =	sadd.s32 @!p0 $0x100000, s0  }
0x114: {  	[sflag:s0] =	ssyncadd.tile.s32 @!p0 $0x1;
	_ =	shalt  }
.Lfunc_end2:
_tile_overlayer_lowered:
.L_overlay_start_2:
0x115: {  	(tag) =	ssettag $0x2  }
0x116: {  	s0 =	rddreg [dreg:$0x0];
	s2 =	stileid.u32  }
0x117: {  	s1 =	rddreg [dreg:$0x1];
	p0 =	sne.s32 s2, $0x0  }
0x118: {  	s3 =	rddreg [dreg:$0x2];
	[bflag:$0x3] =	sbarrier.arrive $0xFFFF;
	s2 =	simm.s32 @!p0 $0x1C07  }
0x119: {  	[timem:s3], [sflag:s2] =	dma.local @!p0 [hbm:s0], s1  }
0x11a: {  	s0 =	simm.s32 @!p0 $0x7  }
0x11b: {  	_ =	swait.ge @!p0 [sflag:s0], s1  }
0x11c: {  	s1 =	ssub.s32 @!p0 $0x0, s1;
	[sflag:s0] =	ssyncset.done @!p0 $0x0  }
0x11d: {  	[sflag:s0] =	ssyncadd.s32 @!p0 s1  }
0x11e: {  	[bflag:$0x3] =	sbarrier.arrive $0xFFFF  }
0x11f: {  	_ =	shalt  }

// kernel: kernel.7.cloned.1.call-start
scs
__scs_entry_jumppad:
0x0: {  	(pc) =	sbr.rel $0x88, $3  }
0x1: {  	(tag) =	ssettag $0x0;
	lr =	simm.s32 $0x1  }
0x2: {  	[smem:$0x3F97] =	sst lr;
	_ =	strace $0xD0000000  }
0x3: {  	_ = 	snop  }
0x4: {  	_ = 	snop  }
0x5: {  	_ = 	snop  }
0x6: {  	_ = 	snop  }
0x7: {  	_ = 	snop  }
__scs_overlays_trampoline_lowered:
0x8: {  	[smem:$0x3FA6] =	sst s0  }
0x9: {  	[smem:$0x3FA7] =	sst s1  }
0xa: {  	[smem:$0x3FA8] =	sst s2  }
0xb: {  	[smem:$0x3FA9] =	sst s3  }
0xc: {  	[smem:$0x3FAA] =	sst s4  }
0xd: {  	[smem:$0x3FAB] =	sst s5  }
0xe: {  	[smem:$0x3FAC] =	sst s6  }
0xf: {  	[smem:$0x3FAD] =	sst s7  }
0x10: {  	[smem:$0x3FAE] =	sst s8  }
0x11: {  	[smem:$0x3FAF] =	sst s9;
	s0 =	simm.s32 @!p0 $0x0  }
0x12: {  	s1 =	sld [smem:$0x3F95];
	s0 =	simm.s32 @p0 $0x1  }
0x13: {  	[smem:$0x3FB0] =	sst s0;
	s0 =	simm.s32 @!p1 $0x0  }
0x14: {  	s2 =	sld [smem:$0x3F94];
	s0 =	simm.s32 @p1 $0x1  }
0x15: {  	[smem:$0x3FB1] =	sst s0;
	s0 =	simm.s32 @!p2 $0x0  }
0x16: {  	s3 =	sld [smem:$0x3FDB];
	s0 =	simm.s32 @p2 $0x1  }
0x17: {  	s4 =	simm.s32 $0x1BF5;
	[smem:$0x3FB3] =	sst s0  }
0x18: {  	s0 =	sld [smem:$0x3F96];
	_ =	swait.ge [sflag:s4], $0x0  }
0x19: {  	s7 =	sld [smem:$0x3F97]  }
0x1a: {  	s8 =	sadd.s32 $0xFFFFE003, lr  }
0x1b: {  	s9 =	sadd.s32 $0xFFFFFEF7, lr;
	s5 =	simm.s32 $0xFFFFFFFF;
	p2 =	slt.u32 s8, $0xFFFFF086  }
0x1c: {  	p1 =	slt.u32 s9, $0xF7A;
	s5 =	simm.s32 @!p2 $0x0  }
0x1d: {  	s5 =	simm.s32 @p1 $0x1;
	p0 =	seq.s32 s7, s2  }
0x1e: {  	s7 =	smul.u32 @!p0 $0xF7A, s2;
	p2 =	seq.s32 @!p0 s5, $0x0  }
0x1f: {  	s9 =	smul.u32 $0xF7A, s1;
	s8 =	simm.s32 @!p0 $0x1BF5;
	p2 =	por !p2, p0  }
0x20: {  	[sflag:s8] =	ssyncset.s32 @!p0 $0xFFFFF086;
	s6 =	sadd.s32 @!p0 s3, s7;
	s7 =	simm.s32 @!p0 $0x108  }
0x21: {  	s3 =	sadd.s32 s3, s9;
	s6 =	sadd.s32 @!p0 $0x88, s6;
	s7 =	simm.s32 @p2 $0x1082  }
0x22: {  	[simem:s7], [sflag:s8] =	dma.local @!p0 [hbm:s6], $0xF7A  }
0x23: {  	s9 =	sor.u32 $0xD0000000, s2;
	s6 =	simm.s32 $0x108;
	_ =	swait.ge @!p0 [sflag:s8], $0x0  }
0x24: {  	s3 =	sadd.s32 $0x88, s3;
	s6 =	simm.s32 @!p1 $0x1082;
	[sflag:s4] =	ssyncset.s32 $0xFFFFF086  }
0x25: {  	[simem:s6], [sflag:s4] =	dma.local [hbm:s3], $0xF7A  }
0x26: {  	[smem:$0x3F97] =	sst s1;
	(tag) =	ssettag s2;
	_ =	strace s9  }
0x27: {  	s1 =	sld [smem:$0x3FA7]  }
0x28: {  	s2 =	sld [smem:$0x3FA8]  }
0x29: {  	s4 =	sld [smem:$0x3FAA]  }
0x2a: {  	p0 =	seq.s32 s5, $0x0;
	s5 =	sld [smem:$0x3FAB]  }
0x2b: {  	s6 =	sld [smem:$0x3FAC]  }
0x2c: {  	s7 =	sld [smem:$0x3FAD]  }
0x2d: {  	s3 =	simm.s32 $0x108;
	s8 =	sld [smem:$0x3FAE]  }
0x2e: {  	s3 =	simm.s32 @!p0 $0x1082;
	s9 =	sld [smem:$0x3FAF]  }
0x2f: {  	lr =	sadd.s32 s0, s3;
	s0 =	sld [smem:$0x3FA6]  }
0x30: {  	s3 =	sld [smem:$0x3FA9]  }
0x31: {  	[smem:$0x3FB2] =	sst s10  }
0x32: {  	s10 =	sld [smem:$0x3FB0];
	_ =	sdelay $0x3  }
0x33: {  	p0 =	seq.s32 s10, $0x1;
	s10 =	sld [smem:$0x3FB2];
	_ =	sdelay $0x3  }
0x34: {  	[smem:$0x3FB2] =	sst s10  }
0x35: {  	s10 =	sld [smem:$0x3FB1];
	_ =	sdelay $0x3  }
0x36: {  	p1 =	seq.s32 s10, $0x1;
	s10 =	sld [smem:$0x3FB2];
	_ =	sdelay $0x3  }
0x37: {  	[smem:$0x3FB2] =	sst s10  }
0x38: {  	s10 =	sld [smem:$0x3FB3]  }
0x39: {  	_ = 	snop;
	(pc) =	sbr.ind lr, $3  }
0x3a: {  	_ = 	snop  }
0x3b: {  	_ = 	snop  }
0x3c: {  	p2 =	seq.s32 s10, $0x1;
	s10 =	sld [smem:$0x3FB2]  }
0x3d: {  	_ =	shalt  }
0x3e: {  	_ =	shalt  }
0x3f: {  	_ =	shalt  }
0x40: {  	_ =	shalt  }
0x41: {  	_ =	shalt  }
0x42: {  	_ =	shalt  }
0x43: {  	_ =	shalt  }
0x44: {  	_ =	shalt  }
0x45: {  	_ =	shalt  }
0x46: {  	_ =	shalt  }
0x47: {  	_ =	shalt  }
0x48: {  	_ =	shalt  }
0x49: {  	_ =	shalt  }
0x4a: {  	_ =	shalt  }
0x4b: {  	_ =	shalt  }
0x4c: {  	_ =	shalt  }
0x4d: {  	_ =	shalt  }
0x4e: {  	_ =	shalt  }
0x4f: {  	_ =	shalt  }
0x50: {  	_ =	shalt  }
0x51: {  	_ =	shalt  }
0x52: {  	_ =	shalt  }
0x53: {  	_ =	shalt  }
0x54: {  	_ =	shalt  }
0x55: {  	_ =	shalt  }
0x56: {  	_ =	shalt  }
0x57: {  	_ =	shalt  }
0x58: {  	_ =	shalt  }
0x59: {  	_ =	shalt  }
0x5a: {  	_ =	shalt  }
0x5b: {  	_ =	shalt  }
0x5c: {  	_ =	shalt  }
0x5d: {  	_ =	shalt  }
0x5e: {  	_ =	shalt  }
0x5f: {  	_ =	shalt  }
0x60: {  	_ =	shalt  }
0x61: {  	_ =	shalt  }
0x62: {  	_ =	shalt  }
0x63: {  	_ =	shalt  }
0x64: {  	_ =	shalt  }
0x65: {  	_ =	shalt  }
0x66: {  	_ =	shalt  }
0x67: {  	_ =	shalt  }
0x68: {  	_ =	shalt  }
0x69: {  	_ =	shalt  }
0x6a: {  	_ =	shalt  }
0x6b: {  	_ =	shalt  }
0x6c: {  	_ =	shalt  }
0x6d: {  	_ =	shalt  }
0x6e: {  	_ =	shalt  }
0x6f: {  	_ =	shalt  }
0x70: {  	_ =	shalt  }
0x71: {  	_ =	shalt  }
0x72: {  	_ =	shalt  }
0x73: {  	_ =	shalt  }
0x74: {  	_ =	shalt  }
0x75: {  	_ =	shalt  }
0x76: {  	_ =	shalt  }
0x77: {  	_ =	shalt  }
0x78: {  	_ =	shalt  }
0x79: {  	_ =	shalt  }
0x7a: {  	_ =	shalt  }
0x7b: {  	_ =	shalt  }
0x7c: {  	_ =	shalt  }
0x7d: {  	_ =	shalt  }
0x7e: {  	_ =	shalt  }
0x7f: {  	_ =	shalt  }
0x80: {  	_ =	shalt  }
0x81: {  	_ =	shalt  }
0x82: {  	_ =	shalt  }
0x83: {  	_ =	shalt  }
0x84: {  	_ =	shalt  }
0x85: {  	_ =	shalt  }
0x86: {  	_ =	shalt  }
0x87: {  	_ =	shalt  }
.Lfunc_end0:
.L_simem_size_0:
called_computation_lowered:
.L_overlay_start_0:
0x88: {  	s2 =	sld [smem:$0x3FD9]  }
0x89: {  	s3 =	sld [smem:$0x3FFE];
	_ =	sdelay $0x1  }
0x8a: {  	s1 =	srdreg.scid  }
0x8b: {  	s0 =	sand.u32 $0x1, s1  }
0x8c: {  	s17 =	sshll.u32 s0, $0xA;
	s2 =	sadd.s32 s3, s2  }
0x8d: {  	s2 =	sadd.s32 s2, s17  }
0x8e: {  	[smem:$0x3FBE] =	sst s2  }
0x8f: {  	_ = 	snop  }
0x90: {  	s2 =	sld [smem:$0x3FD0];
	(tm) =	ssettm $0x1  }
0x91: {  	s18 =	sld [smem:$0x3FFB];
	_ =	sdelay $0x3  }
0x92: {  	_ =	strace s18  }
0x93: {  	s3 =	sld [smem:$0x3FFC];
	_ =	sdelay $0x3  }
0x94: {  	_ =	strace s3  }
0x95: {  	s3 =	sld [smem:$0x3FFD];
	_ =	sdelay $0x3  }
0x96: {  	_ =	strace s3  }
0x97: {  	_ =	strace $0x8FFFFFFF  }
0x98: {  	s19 =	sld [smem:$0x3FDB];
	_ =	sdelay $0x1  }
0x99: {  	s4 =	simm.s32 $_scs_section_size  }
0x9a: {  	s5 =	simm.s32 $_size__tile_overlayer_lowered;
	s6 =	simm.s32 $_tile_overlayer_lowered  }
0x9b: {  	s22 =	simm.s32 $0x1BFF;
	s21 =	sshll.u32 s6, $0x1;
	s3 =	sadd.s32 s4, s19  }
0x9c: {  	s7 =	simm.s32 $0x0;
	s20 =	sshll.u32 s5, $0x1;
	s5 =	sadd.s32 s21, s3  }
0x9d: {  	[timem:s7], [sflag:s22] =	dma.local [hbm:s5], s20  }
0x9e: {  	_ =	swait.ge [sflag:s22], s20  }
0x9f: {  	s4 =	ssub.s32 $0x0, s20;
	[sflag:s22] =	ssyncset.done $0x0  }
0xa0: {  	[sflag:s22] =	ssyncadd.s32 s4;
	_ =	sdelay $0x1  }
0xa1: {  	s23 =	simm.s32 $0x1B8B  }
0xa2: {  	_ =	swait.ge [sflag:s23], $0x1  }
0xa3: {  	[sflag:s23] =	ssyncset.done $0x0  }
0xa4: {  	s25 =	simm.s32 $0x1B8E;
	s24 =	sld [smem:$0x3FFE];
	[sflag:s23] =	ssyncadd.s32 $0xFFFFFFFF  }
0xa5: {  	s26 =	simm.s32 $execute0_lowered;
	[smem:$0x3FD2] =	sst s25  }
0xa6: {  	s5 =	sshll.u32 s26, $0x1;
	_ =	strace $0x80000046;
	[dreg:$0x1] =	wrdreg $0xFFFFFFFF  }
0xa7: {  	s28 =	simm.s32 $_size_execute0_lowered;
	s3 =	sadd.s32 s3, s5;
	[dreg:$0x0] =	wrdreg $0x0  }
0xa8: {  	s5 =	sshll.u32 s28, $0x1;
	[dreg:$0x2] =	wrdreg s3  }
0xa9: {  	[dreg:$0x3] =	wrdreg s5  }
0xaa: {  	[dreg:$0x4] =	wrdreg $0xC0  }
0xab: {  	_ =	task [dreg:s7], $0x5FFFF  }
0xac: {  	[dreg:$0x1] =	wrdreg $0xFFFFFFFF  }
0xad: {  	[dreg:$0x0] =	wrdreg $0x60  }
0xae: {  	[dreg:$0x2] =	wrdreg s24  }
0xaf: {  	[dreg:$0x3] =	wrdreg s2  }
0xb0: {  	[dreg:$0x4] =	wrdreg $0x79800  }
0xb1: {  	[dreg:$0x5] =	wrdreg $0x9  }
0xb2: {  	_ =	task.clear_ibuf [dreg:s7], $0x6FFFF;
	_ =	strace $0x90000046  }
0xb3: {  	s29 =	simm.s32 $0x9;
	_ =	strace $0x80000048  }
0xb4: {  	_ =	swait.ge [sflag:s29], $0x1  }
0xb5: {  	[sflag:s29] =	ssyncadd.s32 $0xFFFFFFFF  }
0xb6: {  	_ =	strace $0x90000048  }
0xb7: {  	_ =	sfence  }
0xb8: {  	s30 =	sld [smem:$0x0];
	_ =	sdelay $0x2  }
0xb9: {  	s31 =	sshll.u32 s1, $0xD;
	s1 =	sshrl.u32 s1, $0x2  }
0xba: {  	s3 =	sand.u32 $0x4000, s31;
	s1 =	sadd.s32 s1, s30  }
0xbb: {  	s0 =	sor.u32 s3, s0;
	s1 =	sshll.u32 s1, $0x11  }
0xbc: {  	s0 =	sor.u32 s1, s0  }
0xbd: {  	s0 =	sadd.s32 $0x8F2B, s0  }
0xbe: {  	[sflag:s0] =	ssyncadd.remote.s32 $0x1  }
0xbf: {  	_ =	sfence.sel $0xFFFF  }
0xc0: {  	[dreg:$0x0] =	wrdreg $0xFFFFFFFF;
	(pc) =	sbr.abs _section_cstart, $3  }
0xc1: {  	[dreg:$0x1] =	wrdreg $0xFFFFFFFF  }
0xc2: {  	_ =	task.clear_ibuf [dreg:s7], $0x2FFFF;
	_ =	strace $0x9FFFFFFF  }
0xc3: {  	(tm) =	ssettm $0x7FFFFFFF  }
tec
execute0_lowered:
.L_overlay_start_1:
0x0: {  	(tag) =	ssettag $0x1  }
0x1: {  	s0 =	rddreg [dreg:$0x0]  }
0x2: {  	s2 =	rddreg [dreg:$0x1];
	s1 =	srdreg.scid  }
0x3: {  	s10 =	stileid.u32;
	s3 =	rddreg [dreg:$0x2]  }
0x4: {  	s4 =	simm.s32 $0x0;
	s28 =	simm.s32 $0x120;
	s29 =	simm.s32 $0x7380  }
0x5: {  	s30 =	simm.s32 $0x3;
	s31 =	simm.s32 $0x5;
	s7 =	smul.u32 $0x16380, s10  }
0x6: {  	s1 =	sand.u32 $0x1, s1;
	[smem:$0x7FF] =	sst s4;
	s9 =	smul.u32 $0x58E00, s10  }
0x7: {  	s5 =	smul.u32 $0x163800, s1;
	s19 =	sshll.u32 s1, $0x4;
	s1 =	ssub.s32 $0x2, s1  }
0x8: {  	_ =	strace $0x80000047;
	s9 =	sshrl.u32 s9, $0x2;
	s20 =	sshrl.u32 s1, $0x1  }
0x9: {  	s6 =	sadd.s32 s7, s5;
	s5 =	sadd.s32 $0x15000, s0;
	s9 =	sadd.s32 s9, s3  }
0xa: {  	s1 =	ssub.s32 s1, s20;
	s7 =	sadd.s32 s7, s3;
	s21 =	sadd.s32 $0x3600, s9  }
0xb: {  	s20 =	simm.s32 $0x180;
	s22 =	sadd.s32 $0x6C00, s9;
	[dreg:$0x4] =	wrdreg s21  }
0xc: {  	s8 =	sshrl.u32 s6, $0x3;
	s23 =	sadd.s32 $0xA200, s9;
	[dreg:$0x5] =	wrdreg s22  }
0xd: {  	s6 =	sadd.s32 $0xC00, s0;
	s11 =	sadd.s32 $0xD800, s9;
	[dreg:$0x6] =	wrdreg s23  }
0xe: {  	s25 =	sadd.s32 $0x10E00, s9;
	s9 =	sadd.s32 $0x14400, s9;
	[dreg:$0x7] =	wrdreg s11  }
0xf: {  	s0 =	sadd.s32 s8, s0;
	s8 =	sor.u32 s10, s19;
	[dreg:$0x8] =	wrdreg s25  }
0x10: {  	[dreg:$0x9] =	wrdreg s9;
	s19 =	smax.u32 s1, $0x1;
	s21 =	simm.s32 $0x7  }
0x11: {  	s22 =	simm.s32 $0x60;
	s23 =	simm.s32 $0x6D80;
	s8 =	smul.u32 $0x5100, s8  }
0x12: {  	s25 =	simm.s32 $0x2;
	s1 =	simm.s32 $0x1;
	s0 =	sadd.s32 $0x41800, s0  }
0x13: {  	v0 =	vimm.f32 $0.0e+00;
	s9 =	simm.s32 $0x0;
	[dreg:$0xb] =	wrdreg s0;
	s24 =	sshrl.u32 s8, $0x3  }
0x14: {  	vm0 =	vmmov $0xff;
	v38 =	vimm.s32 $0x0;
	v43 =	vimm.s32 $0x1;
	s0 =	simm.s32 $0x4;
	s16 =	sadd.s32 $0x180, s8;
	s13 =	sadd.s32 s6, s24  }
0x15: {  	v45 =	vimm.s32 $0x2;
	v46 =	vimm.s32 $0x3;
	v33 =	vimm.s32 $0x4;
	s17 =	sadd.s32 $0x240, s8;
	s8 =	simm.s32 $0x6;
	s26 =	sadd.s32 $0x18, s13  }
0x16: {  	v34 =	vimm.s32 $0x5;
	v54 =	vimm.s32 $0x6;
	v11 =	vimm.s32 $0x7;
	s24 =	simm.s32 $0xC0;
	[dreg:$0xa] =	wrdreg s26;
	s26 =	simm.s32 $0x3780  }
.LBB2_1:
0x17: {  	s10 =	simm.s32 $0x0;
	s11 =	simm.s32 $0x240  }
.LBB2_2:
0x18: {  	p0 =	sne.s32 s11, $0xD5C0;
	[tilespmem:s10+$0x200] =	vst v0  }
0x19: {  	[tilespmem:s10+$0x180] =	vst v0  }
0x1a: {  	[tilespmem:s10+$0x190] =	vst v0  }
0x1b: {  	[tilespmem:s10+$0x1A0] =	vst v0  }
.Ltmp0:
0x1c: {  	[tilespmem:s10+$0x1B0] =	vst v0;
	(pc) =	sbr.rel @p0 .LBB2_2-.Ltmp0, $4  }
0x1d: {  	[tilespmem:s10+$0x1C0] =	vst v0  }
0x1e: {  	[tilespmem:s10+$0x1D0] =	vst v0  }
0x1f: {  	[tilespmem:s10+$0x1E0] =	vst v0  }
0x20: {  	[tilespmem:s10+$0x1F0] =	vst v0;
	s10 =	sshra.s32 s11, $0x2;
	s11 =	sadd.s32 $0x240, s11  }
0x21: {  	[tilespmem:s10+$0x200] =	vst v0  }
0x22: {  	[tilespmem:s10+$0x180] =	vst v0  }
0x23: {  	[tilespmem:s10+$0x190] =	vst v0  }
0x24: {  	[tilespmem:s10+$0x1A0] =	vst v0  }
0x25: {  	[tilespmem:s10+$0x1B0] =	vst v0  }
0x26: {  	[tilespmem:s10+$0x1C0] =	vst v0  }
0x27: {  	[tilespmem:s10+$0x1D0] =	vst v0  }
0x28: {  	[tilespmem:s10+$0x1E0] =	vst v0  }
0x29: {  	[tilespmem:s10+$0x1F0] =	vst v0  }
0x2a: {  	[spmem:s7] =	stream.linear.scatter [tilespmem:s20], [sflag:$0x7], $0x3600, $0x38;
	[tilespmem:$0x1DD00] =	vst v63  }
0x2b: {  	_ =	swait.ge [sflag:s21], $0x3600  }
0x2c: {  	[sflag:s21] =	ssyncset.done $0x0  }
0x2d: {  	s18 =	rddreg [dreg:$0x4];
	[sflag:s21] =	ssyncadd.s32 $0xFFFFCA00  }
0x2e: {  	[spmem:s18] =	stream.linear.scatter [tilespmem:s20], [sflag:$0x7], $0x3600, $0x38;
	[tilespmem:$0x1DD00] =	vst v63  }
0x2f: {  	_ =	swait.ge [sflag:s21], $0x3600  }
0x30: {  	[sflag:s21] =	ssyncset.done $0x0  }
0x31: {  	s11 =	rddreg [dreg:$0x5];
	[sflag:s21] =	ssyncadd.s32 $0xFFFFCA00  }
0x32: {  	[spmem:s11] =	stream.linear.scatter [tilespmem:s20], [sflag:$0x7], $0x3600, $0x38;
	[tilespmem:$0x1DD00] =	vst v63  }
0x33: {  	_ =	swait.ge [sflag:s21], $0x3600  }
0x34: {  	[sflag:s21] =	ssyncset.done $0x0  }
0x35: {  	s12 =	rddreg [dreg:$0x6];
	[sflag:s21] =	ssyncadd.s32 $0xFFFFCA00  }
0x36: {  	[spmem:s12] =	stream.linear.scatter [tilespmem:s20], [sflag:$0x7], $0x3600, $0x38;
	[tilespmem:$0x1DD00] =	vst v63  }
0x37: {  	_ =	swait.ge [sflag:s21], $0x3600  }
0x38: {  	[sflag:s21] =	ssyncset.done $0x0  }
0x39: {  	s14 =	rddreg [dreg:$0x7];
	[sflag:s21] =	ssyncadd.s32 $0xFFFFCA00  }
0x3a: {  	[spmem:s14] =	stream.linear.scatter [tilespmem:s20], [sflag:$0x7], $0x3600, $0x38;
	[tilespmem:$0x1DD00] =	vst v63  }
0x3b: {  	_ =	swait.ge [sflag:s21], $0x3600  }
0x3c: {  	[sflag:s21] =	ssyncset.done $0x0  }
0x3d: {  	s15 =	rddreg [dreg:$0x8];
	[sflag:s21] =	ssyncadd.s32 $0xFFFFCA00  }
0x3e: {  	[spmem:s15] =	stream.linear.scatter [tilespmem:s20], [sflag:$0x7], $0x3600, $0x38;
	[tilespmem:$0x1DD00] =	vst v63  }
0x3f: {  	_ =	swait.ge [sflag:s21], $0x3600  }
0x40: {  	[sflag:s21] =	ssyncset.done $0x0  }
0x41: {  	s18 =	rddreg [dreg:$0x9];
	[sflag:s21] =	ssyncadd.s32 $0xFFFFCA00  }
0x42: {  	[spmem:s18] =	stream.linear.scatter [tilespmem:s20], [sflag:$0x7], $0x1F80, $0x38;
	[tilespmem:$0x1DD00] =	vst v63  }
0x43: {  	_ =	swait.ge [sflag:s21], $0x1F80  }
0x44: {  	[sflag:s21] =	ssyncset.done $0x0  }
0x45: {  	[sflag:s21] =	ssyncadd.s32 $0xFFFFE080  }
0x46: {  	s10 =	simm.s32 $0x0;
	[bflag:$0x0] =	sbarrier.arrive $0xFFFF  }
0x47: {  	[tilespmem:s10], [sflag:$0x7] =	stream.linear.gather [hbm4b:s13+s10], $0xC0, $0x38;
	[tilespmem:$0x1DD00] =	vst v63  }
0x48: {  	_ =	swait.ge [sflag:s21], $0xC0  }
0x49: {  	[sflag:s21] =	ssyncset.done $0x0  }
0x4a: {  	[sflag:s21] =	ssyncadd.s32 $0xFFFFFF40  }
0x4b: {  	[tilespmem:s20], [sflag:$0x3] =	stream.indirect.gather [hbm4b:s5+s22], $0x90, s10, s22, $0xb8;
	[tilespmem:$0x1DD00] =	vst v63  }
0x4c: {  	_ = 	snop  }
0x4d: {  	[tilespmem:s23], [sflag:$0x5] =	stream.indirect.gather [hbm4b:s2+s22], $0x10, s22, s22, $0xb8;
	[tilespmem:$0x1DD00] =	vst v63  }
0x4e: {  	s11 =	rddreg [dreg:$0xa]  }
0x4f: {  	[tilespmem:s24], [sflag:$0x2] =	stream.linear.gather [hbm4b:s11+s10], $0xC0, $0x38;
	[tilespmem:$0x1DD00] =	vst v63  }
.LBB2_4:
0x50: {  	_ =	swait.ge [sflag:s25], $0xC0  }
0x51: {  	[sflag:s25] =	ssyncset.done $0x0  }
0x52: {  	[sflag:s25] =	ssyncadd.s32 $0xFFFFFF40  }
0x53: {  	[tilespmem:s26], [sflag:$0x4] =	stream.indirect.gather [hbm4b:s5+s22], $0x90, s24, s22, $0xb8;
	[tilespmem:$0x1DD00] =	vst v63  }
0x54: {  	_ = 	snop  }
0x55: {  	[tilespmem:s29], [sflag:$0x6] =	stream.indirect.gather [hbm4b:s2+s22], $0x10, s28, s22, $0xb8;
	[tilespmem:$0x1DD00] =	vst v63  }
0x56: {  	_ =	swait.ge [sflag:s30], $0x3600  }
0x57: {  	[sflag:s30] =	ssyncset.done $0x0  }
0x58: {  	[sflag:s30] =	ssyncadd.s32 $0xFFFFCA00  }
0x59: {  	_ =	swait.ge [sflag:s31], $0x600  }
0x5a: {  	[sflag:s31] =	ssyncset.done $0x0  }
0x5b: {  	s12 =	simm.s32 $0x2A0;
	[sflag:s31] =	ssyncadd.s32 $0xFFFFFA00  }
0x5c: {  	s11 =	simm.s32 $0x6DA0;
	v0 =	vld [tilespmem:s12+$0x110]  }
0x5d: {  	v1 =	vld [tilespmem:s11+$0x10]  }
0x5e: {  	v3 =	vld [tilespmem:s12+$0xFFFFFFF0]  }
0x5f: {  	v4 =	vld [tilespmem:s11+$0xFFFFFFF0]  }
0x60: {  	v2 =	vld [tilespmem:s11+$0xFFFFFFE0]  }
0x61: {  	v5 =	vld [tilespmem:s12+$0x80]  }
0x62: {  	v6 =	vld [tilespmem:s11+$0x0];
	v0 =	vadd.f32 v1, v0  }
0x63: {  	v1 =	vld [tilespmem:s12+$0xFFFFFF60]  }
0x64: {  	v13 =	vld [tilespmem:s12+$0xFFFFFEE0];
	v3 =	vadd.f32 v4, v3;
	v9 =	vmul.f32 $2.000000030e-01, v0  }
0x65: {  	v14 =	vld [tilespmem:s12+$0xFFFFFEF0]  }
0x66: {  	v15 =	vld [tilespmem:s12+$0xFFFFFF00];
	v4 =	vmul.f32 $2.000000030e-01, v3;
	v0 =	vmax.f32 v0, v9  }
0x67: {  	v16 =	vld [tilespmem:s12+$0xFFFFFF10];
	v0 =	vmul.f32 $1.442695020e+00, v0  }
0x68: {  	v17 =	vld [tilespmem:s12+$0xFFFFFF20];
	v1 =	vadd.f32 v2, v1;
	v2 =	vmax.f32 v3, v4  }
0x69: {  	v18 =	vld [tilespmem:s12+$0xFFFFFF30];
	v5 =	vadd.f32 v6, v5;
	v2 =	vmul.f32 $1.442695020e+00, v2;
	(erf) = vpow2.f32 v0  }
0x6a: {  	v19 =	vld [tilespmem:s12+$0xFFFFFF40]  }
0x6b: {  	v20 =	vld [tilespmem:s12+$0xFFFFFF50];
	v3 =	vmul.f32 $2.000000030e-01, v5;
	(erf) = vpow2.f32 v2  }
0x6c: {  	v21 =	vld [tilespmem:s12+$0xFFFFFF70];
	v0 =	vmul.f32 $2.000000030e-01, v1  }
0x6d: {  	v22 =	vld [tilespmem:s12+$0xFFFFFF80];
	v3 =	vmax.f32 v5, v3  }
0x6e: {  	v23 =	vld [tilespmem:s12+$0xFFFFFF90];
	v0 =	vmax.f32 v1, v0;
	v1 =	vmul.f32 $1.442695020e+00, v3  }
0x6f: {  	v24 =	vld [tilespmem:s12+$0xFFFFFFA0]  }
0x70: {  	v25 =	vld [tilespmem:s12+$0xFFFFFFB0];
	(erf) = vpow2.f32 v1  }
0x71: {  	v26 =	vld [tilespmem:s12+$0xFFFFFFC0];
	v0 =	vmul.f32 $1.442695020e+00, v0  }
0x72: {  	v28 =	vld [tilespmem:s12+$0xFFFFFFD0];
	v1 =	vpop (erf)  }
0x73: {  	v27 =	vld [tilespmem:s12+$0xFFFFFFE0];
	(erf) = vpow2.f32 v0;
	v31 =	vnsel vm0, $0x0, v1  }
0x74: {  	v29 =	vld [tilespmem:s12+$0x0];
	v2 =	vpop (erf);
	v10 =	vperm.xlane v31, v38;
	v1 =	vperm.xlane v31, v11  }
0x75: {  	v0 =	vld [tilespmem:s12+$0x100];
	v12 =	vperm.xlane v31, v43;
	v9 =	vperm.xlane v31, v45;
	v42 =	vnsel vm0, $0x0, v2  }
0x76: {  	v30 =	vld [tilespmem:s12+$0x10];
	v11 =	vperm.xlane v31, v46;
	v49 =	vperm.xlane v42, v38  }
0x77: {  	v32 =	vld [tilespmem:s12+$0x20];
	v47 =	vperm.xlane v42, v43;
	v51 =	vperm.xlane v42, v45  }
0x78: {  	v39 =	vld [tilespmem:s12+$0x30];
	v48 =	vperm.xlane v42, v46;
	v52 =	vperm.xlane v42, v33  }
0x79: {  	v53 =	vimm.s32 $0x7;
	v37 =	vld [tilespmem:s12+$0x40];
	v50 =	vperm.xlane v42, v34;
	v62 =	vperm.xlane v42, v54;
	v36 =	vpop (erf)  }
0x7a: {  	v40 =	vld [tilespmem:s12+$0x50];
	v61 =	vperm.xlane v42, v53;
	v0 =	vmul.f32 v0, v1;
	v44 =	vnsel vm0, $0x0, v36  }
0x7b: {  	v7 =	vimm.s32 $0x5;
	v35 =	vld [tilespmem:s12+$0xA0];
	v60 =	vperm.xlane v44, v38;
	v58 =	vperm.xlane v44, v43  }
0x7c: {  	v8 =	vimm.s32 $0x4;
	v34 =	vld [tilespmem:s12+$0x60];
	v1 =	vpop (erf);
	v59 =	vperm.xlane v44, v45;
	v57 =	vperm.xlane v44, v46  }
0x7d: {  	[tilespmem:s12+$0xFFFFFFF0] =	vst v42;
	v42 =	vld [tilespmem:s12+$0xE0];
	v56 =	vperm.xlane v44, v8;
	v55 =	vperm.xlane v44, v7;
	v41 =	vnsel vm0, $0x0, v1  }
0x7e: {  	v36 =	vld [tilespmem:s12+$0xB0];
	v5 =	vperm.xlane v41, v38;
	v1 =	vperm.xlane v41, v43  }
0x7f: {  	v6 =	vperm.xlane v41, v45;
	v4 =	vperm.xlane v41, v33;
	v33 =	vld [tilespmem:s12+$0x90]  }
0x80: {  	[tilespmem:s12+$0x100] =	vst v0;
	v2 =	vperm.xlane v41, v46;
	v0 =	vperm.xlane v41, v7;
	v38 =	vld [tilespmem:s12+$0xC0]  }
0x81: {  	[tilespmem:s12+$0x110] =	vst v31;
	v3 =	vperm.xlane v41, v54;
	v63 =	vperm.xlane v41, v53;
	v43 =	vld [tilespmem:s12+$0x70]  }
0x82: {  	[tilespmem:s12+$0xFFFFFF60] =	vst v41;
	v41 =	vld [tilespmem:s12+$0xD0];
	v54 =	vperm.xlane v44, v54;
	v53 =	vperm.xlane v44, v53  }
0x83: {  	s14 =	simm.s32 $0x0;
	s15 =	simm.s32 $0x4E0;
	[tilespmem:s12+$0x80] =	vst v44;
	v46 =	vperm.xlane v31, v8;
	v45 =	vperm.xlane v31, v7;
	v44 =	vld [tilespmem:s12+$0xF0]  }
.LBB2_5:
0x84: {  	v8 =	vimm.s32 $0x6  }
0x85: {  	v7 =	vld [tilespmem:s15+$0x110];
	v5 =	vmul.f32 v13, v5;
	s11 =	sadd.s32 $0x40, s11;
	v31 =	vperm.xlane v31, v8  }
0x86: {  	s14 =	sadd.s32 $0x4, s14;
	v1 =	vmul.f32 v14, v1;
	v6 =	vmul.f32 v15, v6;
	v13 =	vld [tilespmem:s11+$0x10]  }
0x87: {  	v2 =	vmul.f32 v16, v2;
	v4 =	vmul.f32 v17, v4;
	p0 =	slt.u32 s14, $0x5C;
	v8 =	vld [tilespmem:s11+$0xFFFFFFE0];
	[tilespmem:s12+$0xFFFFFEE0] =	vst v5  }
0x88: {  	v0 =	vmul.f32 v18, v0;
	v5 =	vld [tilespmem:s15+$0xFFFFFFF0];
	[tilespmem:s12+$0xFFFFFEF0] =	vst v1;
	v1 =	vmul.f32 v19, v3  }
0x89: {  	v16 =	vmul.f32 v21, v49;
	v3 =	vld [tilespmem:s11+$0xFFFFFFF0];
	[tilespmem:s12+$0xFFFFFF00] =	vst v6;
	v6 =	vmul.f32 v20, v63  }
0x8a: {  	v18 =	vmul.f32 v23, v51;
	v17 =	vld [tilespmem:s15+$0x80];
	[tilespmem:s12+$0xFFFFFF10] =	vst v2;
	v2 =	vmul.f32 v22, v47  }
0x8b: {  	v20 =	vmul.f32 v25, v52;
	v19 =	vld [tilespmem:s11+$0x0];
	v7 =	vadd.f32 v13, v7;
	[tilespmem:s12+$0xFFFFFF20] =	vst v4;
	v4 =	vmul.f32 v24, v48  }
0x8c: {  	v22 =	vmul.f32 v28, v62;
	v21 =	vld [tilespmem:s15+$0xFFFFFF60];
	[tilespmem:s12+$0xFFFFFF30] =	vst v0;
	v0 =	vmul.f32 v26, v50  }
0x8d: {  	v13 =	vld [tilespmem:s15+$0xFFFFFEE0];
	v23 =	vmul.f32 $2.000000030e-01, v7;
	[tilespmem:s12+$0xFFFFFF40] =	vst v1;
	v1 =	vmul.f32 v27, v61  }
0x8e: {  	v14 =	vld [tilespmem:s15+$0xFFFFFEF0];
	v3 =	vadd.f32 v3, v5;
	[tilespmem:s12+$0xFFFFFF50] =	vst v6;
	v5 =	vmul.f32 v29, v60;
	v6 =	vmul.f32 v30, v58  }
0x8f: {  	v26 =	vmul.f32 v32, v59;
	v27 =	vmul.f32 v39, v57;
	v15 =	vld [tilespmem:s15+$0xFFFFFF00];
	v7 =	vmax.f32 v7, v23;
	[tilespmem:s12+$0xFFFFFF70] =	vst v16  }
0x90: {  	v16 =	vld [tilespmem:s15+$0xFFFFFF10];
	v23 =	vmul.f32 $2.000000030e-01, v3;
	v24 =	vadd.f32 v19, v17;
	v7 =	vmul.f32 $1.442695020e+00, v7;
	[tilespmem:s12+$0xFFFFFF80] =	vst v2  }
0x91: {  	v29 =	vmul.f32 v40, v55;
	v2 =	vadd.f32 v8, v21;
	v17 =	vld [tilespmem:s15+$0xFFFFFF20];
	[tilespmem:s12+$0xFFFFFF90] =	vst v18;
	v8 =	vmul.f32 v37, v56  }
0x92: {  	v18 =	vld [tilespmem:s15+$0xFFFFFF30];
	v3 =	vmax.f32 v3, v23;
	v21 =	vmul.f32 $2.000000030e-01, v24;
	(erf) = vpow2.f32 v7;
	[tilespmem:s12+$0xFFFFFFA0] =	vst v4  }
0x93: {  	v4 =	vmul.f32 $2.000000030e-01, v2;
	v19 =	vld [tilespmem:s15+$0xFFFFFF40];
	v3 =	vmul.f32 $1.442695020e+00, v3;
	[tilespmem:s12+$0xFFFFFFB0] =	vst v20  }
0x94: {  	v30 =	vmul.f32 v43, v53;
	v20 =	vld [tilespmem:s15+$0xFFFFFF50];
	v7 =	vmax.f32 v24, v21;
	[tilespmem:s12+$0xFFFFFFC0] =	vst v0;
	v0 =	vmul.f32 v34, v54  }
0x95: {  	v2 =	vmax.f32 v2, v4;
	v21 =	vld [tilespmem:s15+$0xFFFFFF70];
	v4 =	vmul.f32 $1.442695020e+00, v7;
	(erf) = vpow2.f32 v3;
	[tilespmem:s12+$0xFFFFFFD0] =	vst v22  }
0x96: {  	v2 =	vmul.f32 $1.442695020e+00, v2;
	v22 =	vld [tilespmem:s15+$0xFFFFFF80];
	[tilespmem:s12+$0xFFFFFFE0] =	vst v1;
	v1 =	vmul.f32 v33, v10  }
0x97: {  	v3 =	vmul.f32 v35, v12;
	v23 =	vld [tilespmem:s15+$0xFFFFFF90];
	(erf) = vpow2.f32 v4;
	[tilespmem:s12+$0x0] =	vst v5  }
0x98: {  	v24 =	vld [tilespmem:s15+$0xFFFFFFA0];
	(erf) = vpow2.f32 v2;
	[tilespmem:s12+$0x10] =	vst v6;
	v2 =	vmul.f32 v36, v9  }
0x99: {  	v7 =	vmul.f32 v41, v46;
	v4 =	vmul.f32 v38, v11;
	v25 =	vld [tilespmem:s15+$0xFFFFFFB0];
	[tilespmem:s12+$0x20] =	vst v26  }
0x9a: {  	v35 =	vmul.f32 v44, v31;
	v33 =	vmul.f32 v42, v45;
	v5 =	vld [tilespmem:s15+$0x100];
	[tilespmem:s12+$0x30] =	vst v27  }
0x9b: {  	v53 =	vimm.s32 $0x3;
	v54 =	vimm.s32 $0x2;
	v26 =	vld [tilespmem:s15+$0xFFFFFFC0];
	v6 =	vpop (erf);
	[tilespmem:s12+$0x40] =	vst v8  }
0x9c: {  	v44 =	vimm.s32 $0x7;
	v38 =	vimm.s32 $0x0;
	v28 =	vld [tilespmem:s15+$0xFFFFFFD0];
	v31 =	vnsel vm0, $0x0, v6;
	[tilespmem:s12+$0x50] =	vst v29  }
0x9d: {  	v41 =	vimm.s32 $0x1;
	v27 =	vld [tilespmem:s15+$0xFFFFFFE0];
	v10 =	vperm.xlane v31, v38;
	v6 =	vperm.xlane v31, v44;
	[tilespmem:s12+$0x60] =	vst v0  }
0x9e: {  	v46 =	vimm.s32 $0x4;
	v12 =	vperm.xlane v31, v41;
	v9 =	vperm.xlane v31, v54;
	v29 =	vld [tilespmem:s15+$0x0];
	v0 =	vpop (erf);
	[tilespmem:s12+$0x70] =	vst v30  }
0x9f: {  	v11 =	vperm.xlane v31, v53;
	v8 =	vnsel vm0, $0x0, v0;
	v30 =	vld [tilespmem:s15+$0x10];
	v5 =	vmul.f32 v5, v6;
	[tilespmem:s12+$0x90] =	vst v1  }
0xa0: {  	v45 =	vimm.s32 $0x5;
	v49 =	vperm.xlane v8, v38;
	v47 =	vperm.xlane v8, v41;
	v32 =	vld [tilespmem:s15+$0x20];
	v1 =	vpop (erf);
	[tilespmem:s12+$0xA0] =	vst v3  }
0xa1: {  	v51 =	vperm.xlane v8, v54;
	v48 =	vperm.xlane v8, v53;
	v42 =	vnsel vm0, $0x0, v1;
	v39 =	vld [tilespmem:s15+$0x30];
	[tilespmem:s15+$0x100] =	vst v5;
	v0 =	vpop (erf)  }
0xa2: {  	v52 =	vperm.xlane v8, v46;
	v50 =	vperm.xlane v8, v45;
	v36 =	vnsel vm0, $0x0, v0;
	v37 =	vld [tilespmem:s15+$0x40];
	[tilespmem:s12+$0xB0] =	vst v2  }
0xa3: {  	v5 =	vperm.xlane v36, v38;
	v1 =	vperm.xlane v36, v41;
	v40 =	vld [tilespmem:s15+$0x50];
	[tilespmem:s12+$0xC0] =	vst v4  }
0xa4: {  	v6 =	vperm.xlane v36, v54;
	v2 =	vperm.xlane v36, v53;
	v34 =	vld [tilespmem:s15+$0x60];
	[tilespmem:s12+$0xD0] =	vst v7  }
0xa5: {  	v4 =	vperm.xlane v36, v46;
	v0 =	vperm.xlane v36, v45;
	v7 =	vimm.s32 $0x6;
	v43 =	vld [tilespmem:s15+$0x70];
	[tilespmem:s12+$0xE0] =	vst v33  }
0xa6: {  	v63 =	vperm.xlane v36, v44;
	v3 =	vperm.xlane v36, v7;
	v33 =	vld [tilespmem:s15+$0x90];
	[tilespmem:s12+$0xF0] =	vst v35;
	s12 =	smov.u32 s15  }
0xa7: {  	v61 =	vperm.xlane v8, v44;
	v62 =	vperm.xlane v8, v7;
	v7 =	vimm.s32 $0x6;
	[tilespmem:s15+$0xFFFFFF60] =	vst v36;
	v35 =	vld [tilespmem:s15+$0xA0]  }
.Ltmp1:
0xa8: {  	v60 =	vperm.xlane v42, v38;
	v58 =	vperm.xlane v42, v41;
	[tilespmem:s15+$0xFFFFFFF0] =	vst v8;
	v36 =	vld [tilespmem:s15+$0xB0];
	(pc) =	sbr.rel @p0 .LBB2_5-.Ltmp1, $4  }
0xa9: {  	v59 =	vperm.xlane v42, v54;
	v57 =	vperm.xlane v42, v53;
	[tilespmem:s15+$0x80] =	vst v42;
	v38 =	vld [tilespmem:s15+$0xC0]  }
0xaa: {  	v56 =	vperm.xlane v42, v46;
	v55 =	vperm.xlane v42, v45;
	[tilespmem:s15+$0x110] =	vst v31;
	v41 =	vld [tilespmem:s15+$0xD0]  }
0xab: {  	v53 =	vperm.xlane v42, v44;
	v54 =	vperm.xlane v42, v7;
	v42 =	vld [tilespmem:s15+$0xE0]  }
0xac: {  	v46 =	vperm.xlane v31, v46;
	v45 =	vperm.xlane v31, v45;
	s15 =	sadd.s32 $0x240, s15;
	v44 =	vld [tilespmem:s12+$0xF0]  }
0xad: {  	v5 =	vmul.f32 v13, v5  }
0xae: {  	v1 =	vmul.f32 v14, v1  }
0xaf: {  	v6 =	vmul.f32 v15, v6;
	[tilespmem:s12+$0xFFFFFEE0] =	vst v5  }
0xb0: {  	v2 =	vmul.f32 v16, v2;
	[tilespmem:s12+$0xFFFFFEF0] =	vst v1  }
0xb1: {  	v0 =	vmul.f32 v18, v0;
	[tilespmem:s12+$0xFFFFFF00] =	vst v6  }
0xb2: {  	v1 =	vmul.f32 v17, v4;
	[tilespmem:s12+$0xFFFFFF10] =	vst v2  }
0xb3: {  	v2 =	vmul.f32 v19, v3;
	[tilespmem:s12+$0xFFFFFF30] =	vst v0  }
0xb4: {  	v0 =	vmul.f32 v21, v49;
	[tilespmem:s12+$0xFFFFFF20] =	vst v1  }
0xb5: {  	v3 =	vmul.f32 v41, v46;
	[tilespmem:s12+$0xFFFFFF40] =	vst v2  }
0xb6: {  	v1 =	vmul.f32 v20, v63;
	[tilespmem:s12+$0xFFFFFF70] =	vst v0  }
0xb7: {  	v2 =	vmul.f32 v22, v47;
	[tilespmem:s12+$0xD0] =	vst v3  }
0xb8: {  	v0 =	vmul.f32 v24, v48;
	[tilespmem:s12+$0xFFFFFF50] =	vst v1  }
0xb9: {  	v1 =	vmul.f32 v23, v51;
	[tilespmem:s12+$0xFFFFFF80] =	vst v2  }
0xba: {  	v2 =	vmul.f32 v25, v52;
	[tilespmem:s12+$0xFFFFFFA0] =	vst v0  }
0xbb: {  	v0 =	vmul.f32 v28, v62;
	[tilespmem:s12+$0xFFFFFF90] =	vst v1  }
0xbc: {  	v1 =	vmul.f32 v26, v50;
	[tilespmem:s12+$0xFFFFFFB0] =	vst v2  }
0xbd: {  	v2 =	vmul.f32 v27, v61;
	[tilespmem:s12+$0xFFFFFFD0] =	vst v0  }
0xbe: {  	v0 =	vmul.f32 v30, v58;
	[tilespmem:s12+$0xFFFFFFC0] =	vst v1  }
0xbf: {  	v1 =	vmul.f32 v29, v60;
	[tilespmem:s12+$0xFFFFFFE0] =	vst v2  }
0xc0: {  	v2 =	vmul.f32 v32, v59;
	[tilespmem:s12+$0x10] =	vst v0  }
0xc1: {  	v0 =	vmul.f32 v37, v56;
	[tilespmem:s12+$0x0] =	vst v1  }
0xc2: {  	v1 =	vmul.f32 v39, v57;
	[tilespmem:s12+$0x20] =	vst v2  }
0xc3: {  	v2 =	vmul.f32 v40, v55;
	[tilespmem:s12+$0x40] =	vst v0  }
0xc4: {  	v0 =	vmul.f32 v43, v53;
	[tilespmem:s12+$0x30] =	vst v1  }
0xc5: {  	v1 =	vmul.f32 v34, v54;
	[tilespmem:s12+$0x50] =	vst v2  }
0xc6: {  	v2 =	vmul.f32 v33, v10;
	[tilespmem:s12+$0x70] =	vst v0  }
0xc7: {  	[tilespmem:s12+$0x60] =	vst v1;
	v1 =	vmul.f32 v35, v12  }
0xc8: {  	v53 =	vimm.s32 $0x6;
	v0 =	vmul.f32 v36, v9;
	[tilespmem:s12+$0x90] =	vst v2  }
0xc9: {  	v2 =	vmul.f32 v38, v11;
	[tilespmem:s12+$0xA0] =	vst v1;
	v1 =	vperm.xlane v31, v53  }
0xca: {  	[tilespmem:s12+$0xB0] =	vst v0;
	v0 =	vmul.f32 v42, v45  }
0xcb: {  	s11 =	sshll.u32 s10, $0x1;
	[tilespmem:s12+$0xC0] =	vst v2;
	v1 =	vmul.f32 v44, v1  }
0xcc: {  	s14 =	smin.u32 s11, $0x69;
	[tilespmem:s12+$0xE0] =	vst v0  }
0xcd: {  	s18 =	smul.u32 $0xC0, s14;
	[tilespmem:s12+$0xF0] =	vst v1  }
0xce: {  	[spmem:s3] =	stream.indirect.scatter.add.f32 [tilespmem:s20], [sflag:$0x7], $0x90, s22, s22, $0xb8;
	[tilespmem:$0x1DD00] =	vst v63  }
0xcf: {  	s12 =	sadd.s32 s18, s16;
	_ =	swait.ge [sflag:s21], $0x3600  }
0xd0: {  	s12 =	sshrl.u32 s12, $0x3;
	[sflag:s21] =	ssyncset.done $0x0  }
0xd1: {  	s12 =	sadd.s32 s6, s12;
	[sflag:s21] =	ssyncadd.s32 $0xFFFFCA00  }
0xd2: {  	[tilespmem:s4], [sflag:$0x1] =	stream.linear.gather [hbm4b:s12+s4], $0xC0, $0x38;
	[tilespmem:$0x1DD00] =	vst v63  }
0xd3: {  	_ =	swait.ge [sflag:s1], $0xC0  }
0xd4: {  	[sflag:s1] =	ssyncset.done $0x0  }
0xd5: {  	[sflag:s1] =	ssyncadd.s32 $0xFFFFFF40  }
0xd6: {  	[tilespmem:s20], [sflag:$0x3] =	stream.indirect.gather [hbm4b:s5+s22], $0x90, s4, s22, $0xb8;
	[tilespmem:$0x1DD00] =	vst v63  }
0xd7: {  	_ = 	snop  }
0xd8: {  	[tilespmem:s23], [sflag:$0x5] =	stream.indirect.gather [hbm4b:s2+s22], $0x10, s22, s22, $0xb8;
	[tilespmem:$0x1DD00] =	vst v63  }
0xd9: {  	_ =	swait.ge [sflag:s0], $0x3600  }
0xda: {  	[sflag:s0] =	ssyncset.done $0x0  }
0xdb: {  	[sflag:s0] =	ssyncadd.s32 $0xFFFFCA00  }
0xdc: {  	_ =	swait.ge [sflag:s8], $0x600  }
0xdd: {  	[sflag:s8] =	ssyncset.done $0x0  }
0xde: {  	s12 =	simm.s32 $0x38A0;
	[sflag:s8] =	ssyncadd.s32 $0xFFFFFA00  }
0xdf: {  	s14 =	simm.s32 $0x73A0;
	v0 =	vld [tilespmem:s12+$0x110]  }
0xe0: {  	v1 =	vld [tilespmem:s14+$0x10]  }
0xe1: {  	v3 =	vld [tilespmem:s12+$0xFFFFFFF0]  }
0xe2: {  	v4 =	vld [tilespmem:s14+$0xFFFFFFF0]  }
0xe3: {  	v2 =	vld [tilespmem:s14+$0xFFFFFFE0]  }
0xe4: {  	v5 =	vld [tilespmem:s12+$0x80]  }
0xe5: {  	v6 =	vld [tilespmem:s14+$0x0];
	v0 =	vadd.f32 v1, v0  }
0xe6: {  	v1 =	vld [tilespmem:s12+$0xFFFFFF60]  }
0xe7: {  	v13 =	vld [tilespmem:s12+$0xFFFFFEE0];
	v3 =	vadd.f32 v4, v3;
	v7 =	vmul.f32 $2.000000030e-01, v0  }
0xe8: {  	v14 =	vld [tilespmem:s12+$0xFFFFFEF0]  }
0xe9: {  	v15 =	vld [tilespmem:s12+$0xFFFFFF00];
	v4 =	vmul.f32 $2.000000030e-01, v3;
	v0 =	vmax.f32 v0, v7  }
0xea: {  	v16 =	vld [tilespmem:s12+$0xFFFFFF10];
	v0 =	vmul.f32 $1.442695020e+00, v0  }
0xeb: {  	v17 =	vld [tilespmem:s12+$0xFFFFFF20];
	v1 =	vadd.f32 v2, v1;
	v2 =	vmax.f32 v3, v4  }
0xec: {  	v18 =	vld [tilespmem:s12+$0xFFFFFF30];
	v5 =	vadd.f32 v6, v5;
	v2 =	vmul.f32 $1.442695020e+00, v2;
	(erf) = vpow2.f32 v0  }
0xed: {  	v19 =	vld [tilespmem:s12+$0xFFFFFF40]  }
0xee: {  	v20 =	vld [tilespmem:s12+$0xFFFFFF50];
	v3 =	vmul.f32 $2.000000030e-01, v5;
	(erf) = vpow2.f32 v2  }
0xef: {  	v21 =	vld [tilespmem:s12+$0xFFFFFF70];
	v0 =	vmul.f32 $2.000000030e-01, v1  }
0xf0: {  	v22 =	vld [tilespmem:s12+$0xFFFFFF80];
	v3 =	vmax.f32 v5, v3  }
0xf1: {  	v23 =	vld [tilespmem:s12+$0xFFFFFF90];
	v0 =	vmax.f32 v1, v0;
	v1 =	vmul.f32 $1.442695020e+00, v3  }
0xf2: {  	v24 =	vld [tilespmem:s12+$0xFFFFFFA0]  }
0xf3: {  	v25 =	vld [tilespmem:s12+$0xFFFFFFB0];
	v0 =	vmul.f32 $1.442695020e+00, v0;
	(erf) = vpow2.f32 v1  }
0xf4: {  	v26 =	vld [tilespmem:s12+$0xFFFFFFC0]  }
0xf5: {  	v46 =	vimm.s32 $0x3;
	v58 =	vimm.s32 $0x0;
	v28 =	vld [tilespmem:s12+$0xFFFFFFD0];
	(erf) = vpow2.f32 v0;
	v1 =	vpop (erf)  }
0xf6: {  	v59 =	vimm.s32 $0x1;
	v42 =	vimm.s32 $0x7;
	v27 =	vld [tilespmem:s12+$0xFFFFFFE0];
	v31 =	vnsel vm0, $0x0, v1  }
0xf7: {  	v54 =	vimm.s32 $0x2;
	v29 =	vld [tilespmem:s12+$0x0];
	v2 =	vpop (erf);
	v10 =	vperm.xlane v31, v58;
	v1 =	vperm.xlane v31, v42  }
0xf8: {  	v0 =	vld [tilespmem:s12+$0x100];
	v12 =	vperm.xlane v31, v59;
	v9 =	vperm.xlane v31, v54;
	v7 =	vnsel vm0, $0x0, v2  }
0xf9: {  	v30 =	vld [tilespmem:s12+$0x10];
	v11 =	vperm.xlane v31, v46;
	v49 =	vperm.xlane v7, v58  }
0xfa: {  	v45 =	vimm.s32 $0x4;
	v32 =	vld [tilespmem:s12+$0x20];
	v47 =	vperm.xlane v7, v59;
	v51 =	vperm.xlane v7, v54  }
0xfb: {  	v44 =	vimm.s32 $0x5;
	v39 =	vld [tilespmem:s12+$0x30];
	v48 =	vperm.xlane v7, v46;
	v52 =	vperm.xlane v7, v45  }
0xfc: {  	v37 =	vld [tilespmem:s12+$0x40];
	v50 =	vperm.xlane v7, v44;
	v62 =	vperm.xlane v7, v53;
	v8 =	vpop (erf)  }
0xfd: {  	v40 =	vld [tilespmem:s12+$0x50];
	v61 =	vperm.xlane v7, v42;
	v0 =	vmul.f32 v0, v1;
	v8 =	vnsel vm0, $0x0, v8  }
0xfe: {  	v34 =	vld [tilespmem:s12+$0x60];
	v1 =	vpop (erf);
	v60 =	vperm.xlane v8, v58;
	v57 =	vperm.xlane v8, v46  }
0xff: {  	v33 =	vld [tilespmem:s12+$0x90];
	v56 =	vperm.xlane v8, v45;
	v55 =	vperm.xlane v8, v44;
	v41 =	vnsel vm0, $0x0, v1  }
0x100: {  	v35 =	vld [tilespmem:s12+$0xA0];
	v5 =	vperm.xlane v41, v58;
	v1 =	vperm.xlane v41, v59  }
0x101: {  	v36 =	vld [tilespmem:s12+$0xB0];
	v6 =	vperm.xlane v41, v54;
	v2 =	vperm.xlane v41, v46  }
0x102: {  	v38 =	vld [tilespmem:s12+$0xC0];
	[tilespmem:s12+$0x100] =	vst v0;
	v4 =	vperm.xlane v41, v45;
	v0 =	vperm.xlane v41, v44  }
0x103: {  	v43 =	vld [tilespmem:s12+$0x70];
	[tilespmem:s12+$0x110] =	vst v31;
	v3 =	vperm.xlane v41, v53;
	v63 =	vperm.xlane v41, v42  }
0x104: {  	v58 =	vperm.xlane v8, v59;
	v59 =	vperm.xlane v8, v54;
	[tilespmem:s12+$0xFFFFFF60] =	vst v41;
	v41 =	vld [tilespmem:s12+$0xD0]  }
0x105: {  	[tilespmem:s12+$0xFFFFFFF0] =	vst v7;
	v54 =	vperm.xlane v8, v53;
	v53 =	vperm.xlane v8, v42;
	v42 =	vld [tilespmem:s12+$0xE0]  }
0x106: {  	s15 =	simm.s32 $0x0;
	s18 =	simm.s32 $0x3AE0;
	[tilespmem:s12+$0x80] =	vst v8;
	v46 =	vperm.xlane v31, v45;
	v45 =	vperm.xlane v31, v44;
	v44 =	vld [tilespmem:s12+$0xF0]  }
.LBB2_7:
0x107: {  	v8 =	vimm.s32 $0x6  }
0x108: {  	v7 =	vld [tilespmem:s18+$0x110];
	v5 =	vmul.f32 v13, v5;
	s14 =	sadd.s32 $0x40, s14;
	v8 =	vperm.xlane v31, v8  }
0x109: {  	s15 =	sadd.s32 $0x4, s15;
	v1 =	vmul.f32 v14, v1;
	v6 =	vmul.f32 v15, v6;
	v13 =	vld [tilespmem:s14+$0x10]  }
0x10a: {  	v2 =	vmul.f32 v16, v2;
	v4 =	vmul.f32 v17, v4;
	p0 =	slt.u32 s15, $0x5C;
	v31 =	vld [tilespmem:s14+$0xFFFFFFE0];
	[tilespmem:s12+$0xFFFFFEE0] =	vst v5  }
0x10b: {  	v0 =	vmul.f32 v18, v0;
	v5 =	vld [tilespmem:s18+$0xFFFFFFF0];
	[tilespmem:s12+$0xFFFFFEF0] =	vst v1;
	v1 =	vmul.f32 v19, v3  }
0x10c: {  	v16 =	vmul.f32 v21, v49;
	v3 =	vld [tilespmem:s14+$0xFFFFFFF0];
	[tilespmem:s12+$0xFFFFFF00] =	vst v6;
	v6 =	vmul.f32 v20, v63  }
0x10d: {  	v18 =	vmul.f32 v23, v51;
	v17 =	vld [tilespmem:s18+$0x80];
	[tilespmem:s12+$0xFFFFFF10] =	vst v2;
	v2 =	vmul.f32 v22, v47  }
0x10e: {  	v20 =	vmul.f32 v25, v52;
	v19 =	vld [tilespmem:s14+$0x0];
	v7 =	vadd.f32 v13, v7;
	[tilespmem:s12+$0xFFFFFF20] =	vst v4;
	v4 =	vmul.f32 v24, v48  }
0x10f: {  	v22 =	vmul.f32 v28, v62;
	v21 =	vld [tilespmem:s18+$0xFFFFFF60];
	[tilespmem:s12+$0xFFFFFF30] =	vst v0;
	v0 =	vmul.f32 v26, v50  }
0x110: {  	v13 =	vld [tilespmem:s18+$0xFFFFFEE0];
	v23 =	vmul.f32 $2.000000030e-01, v7;
	[tilespmem:s12+$0xFFFFFF40] =	vst v1;
	v1 =	vmul.f32 v27, v61  }
0x111: {  	v14 =	vld [tilespmem:s18+$0xFFFFFEF0];
	v3 =	vadd.f32 v3, v5;
	[tilespmem:s12+$0xFFFFFF50] =	vst v6;
	v5 =	vmul.f32 v29, v60;
	v6 =	vmul.f32 v30, v58  }
0x112: {  	v26 =	vmul.f32 v32, v59;
	v27 =	vmul.f32 v39, v57;
	v15 =	vld [tilespmem:s18+$0xFFFFFF00];
	v7 =	vmax.f32 v7, v23;
	[tilespmem:s12+$0xFFFFFF70] =	vst v16  }
0x113: {  	v16 =	vld [tilespmem:s18+$0xFFFFFF10];
	v23 =	vmul.f32 $2.000000030e-01, v3;
	v24 =	vadd.f32 v19, v17;
	v7 =	vmul.f32 $1.442695020e+00, v7;
	[tilespmem:s12+$0xFFFFFF80] =	vst v2  }
0x114: {  	v28 =	vmul.f32 v37, v56;
	v29 =	vmul.f32 v40, v55;
	v2 =	vadd.f32 v31, v21;
	v17 =	vld [tilespmem:s18+$0xFFFFFF20];
	[tilespmem:s12+$0xFFFFFF90] =	vst v18  }
0x115: {  	v18 =	vld [tilespmem:s18+$0xFFFFFF30];
	v3 =	vmax.f32 v3, v23;
	v21 =	vmul.f32 $2.000000030e-01, v24;
	(erf) = vpow2.f32 v7;
	[tilespmem:s12+$0xFFFFFFA0] =	vst v4  }
0x116: {  	v4 =	vmul.f32 $2.000000030e-01, v2;
	v19 =	vld [tilespmem:s18+$0xFFFFFF40];
	v3 =	vmul.f32 $1.442695020e+00, v3;
	[tilespmem:s12+$0xFFFFFFB0] =	vst v20  }
0x117: {  	v30 =	vmul.f32 v43, v53;
	v20 =	vld [tilespmem:s18+$0xFFFFFF50];
	v7 =	vmax.f32 v24, v21;
	[tilespmem:s12+$0xFFFFFFC0] =	vst v0;
	v0 =	vmul.f32 v34, v54  }
0x118: {  	v2 =	vmax.f32 v2, v4;
	v21 =	vld [tilespmem:s18+$0xFFFFFF70];
	v4 =	vmul.f32 $1.442695020e+00, v7;
	(erf) = vpow2.f32 v3;
	[tilespmem:s12+$0xFFFFFFD0] =	vst v22  }
0x119: {  	v2 =	vmul.f32 $1.442695020e+00, v2;
	v22 =	vld [tilespmem:s18+$0xFFFFFF80];
	[tilespmem:s12+$0xFFFFFFE0] =	vst v1;
	v1 =	vmul.f32 v33, v10  }
0x11a: {  	v3 =	vmul.f32 v35, v12;
	v23 =	vld [tilespmem:s18+$0xFFFFFF90];
	(erf) = vpow2.f32 v4;
	[tilespmem:s12+$0x0] =	vst v5  }
0x11b: {  	v24 =	vld [tilespmem:s18+$0xFFFFFFA0];
	(erf) = vpow2.f32 v2;
	[tilespmem:s12+$0x10] =	vst v6;
	v2 =	vmul.f32 v36, v9  }
0x11c: {  	v7 =	vmul.f32 v41, v46;
	v4 =	vmul.f32 v38, v11;
	v25 =	vld [tilespmem:s18+$0xFFFFFFB0];
	[tilespmem:s12+$0x20] =	vst v26  }
0x11d: {  	v8 =	vmul.f32 v44, v8;
	v33 =	vmul.f32 v42, v45;
	v5 =	vld [tilespmem:s18+$0x100];
	[tilespmem:s12+$0x30] =	vst v27  }
0x11e: {  	v44 =	vimm.s32 $0x7;
	v53 =	vimm.s32 $0x3;
	v26 =	vld [tilespmem:s18+$0xFFFFFFC0];
	v6 =	vpop (erf);
	[tilespmem:s12+$0x40] =	vst v28  }
0x11f: {  	v54 =	vimm.s32 $0x2;
	v38 =	vimm.s32 $0x0;
	v28 =	vld [tilespmem:s18+$0xFFFFFFD0];
	v31 =	vnsel vm0, $0x0, v6;
	[tilespmem:s12+$0x50] =	vst v29  }
0x120: {  	v41 =	vimm.s32 $0x1;
	v27 =	vld [tilespmem:s18+$0xFFFFFFE0];
	v10 =	vperm.xlane v31, v38;
	v6 =	vperm.xlane v31, v44;
	[tilespmem:s12+$0x60] =	vst v0  }
0x121: {  	v46 =	vimm.s32 $0x4;
	v12 =	vperm.xlane v31, v41;
	v9 =	vperm.xlane v31, v54;
	v29 =	vld [tilespmem:s18+$0x0];
	v0 =	vpop (erf);
	[tilespmem:s12+$0x70] =	vst v30  }
0x122: {  	v11 =	vperm.xlane v31, v53;
	v36 =	vnsel vm0, $0x0, v0;
	v30 =	vld [tilespmem:s18+$0x10];
	v5 =	vmul.f32 v5, v6;
	[tilespmem:s12+$0x90] =	vst v1  }
0x123: {  	v45 =	vimm.s32 $0x5;
	v49 =	vperm.xlane v36, v38;
	v47 =	vperm.xlane v36, v41;
	v32 =	vld [tilespmem:s18+$0x20];
	v1 =	vpop (erf);
	[tilespmem:s12+$0xA0] =	vst v3  }
0x124: {  	v51 =	vperm.xlane v36, v54;
	v48 =	vperm.xlane v36, v53;
	v42 =	vnsel vm0, $0x0, v1;
	v39 =	vld [tilespmem:s18+$0x30];
	[tilespmem:s18+$0x100] =	vst v5;
	v0 =	vpop (erf)  }
0x125: {  	v52 =	vperm.xlane v36, v46;
	v50 =	vperm.xlane v36, v45;
	v35 =	vnsel vm0, $0x0, v0;
	v37 =	vld [tilespmem:s18+$0x40];
	[tilespmem:s12+$0xB0] =	vst v2  }
0x126: {  	v5 =	vperm.xlane v35, v38;
	v1 =	vperm.xlane v35, v41;
	v40 =	vld [tilespmem:s18+$0x50];
	[tilespmem:s12+$0xC0] =	vst v4  }
0x127: {  	v6 =	vperm.xlane v35, v54;
	v2 =	vperm.xlane v35, v53;
	v34 =	vld [tilespmem:s18+$0x60];
	[tilespmem:s12+$0xD0] =	vst v7  }
0x128: {  	v4 =	vperm.xlane v35, v46;
	v0 =	vperm.xlane v35, v45;
	v7 =	vimm.s32 $0x6;
	v43 =	vld [tilespmem:s18+$0x70];
	[tilespmem:s12+$0xE0] =	vst v33  }
0x129: {  	v63 =	vperm.xlane v35, v44;
	v3 =	vperm.xlane v35, v7;
	v33 =	vld [tilespmem:s18+$0x90];
	[tilespmem:s12+$0xF0] =	vst v8;
	s12 =	smov.u32 s18  }
0x12a: {  	v61 =	vperm.xlane v36, v44;
	v62 =	vperm.xlane v36, v7;
	v8 =	vimm.s32 $0x6;
	[tilespmem:s18+$0xFFFFFF60] =	vst v35;
	v35 =	vld [tilespmem:s18+$0xA0]  }
.Ltmp2:
0x12b: {  	v60 =	vperm.xlane v42, v38;
	v58 =	vperm.xlane v42, v41;
	[tilespmem:s18+$0xFFFFFFF0] =	vst v36;
	v36 =	vld [tilespmem:s18+$0xB0];
	(pc) =	sbr.rel @p0 .LBB2_7-.Ltmp2, $4  }
0x12c: {  	v59 =	vperm.xlane v42, v54;
	v57 =	vperm.xlane v42, v53;
	[tilespmem:s18+$0x80] =	vst v42;
	v38 =	vld [tilespmem:s18+$0xC0]  }
0x12d: {  	v56 =	vperm.xlane v42, v46;
	v55 =	vperm.xlane v42, v45;
	[tilespmem:s18+$0x110] =	vst v31;
	v41 =	vld [tilespmem:s18+$0xD0]  }
0x12e: {  	v53 =	vperm.xlane v42, v44;
	v7 =	vimm.s32 $0x6;
	v54 =	vperm.xlane v42, v8;
	v42 =	vld [tilespmem:s18+$0xE0]  }
0x12f: {  	v46 =	vperm.xlane v31, v46;
	v45 =	vperm.xlane v31, v45;
	s18 =	sadd.s32 $0x240, s18;
	v44 =	vld [tilespmem:s12+$0xF0]  }
0x130: {  	v5 =	vmul.f32 v13, v5  }
0x131: {  	v1 =	vmul.f32 v14, v1  }
0x132: {  	v6 =	vmul.f32 v15, v6;
	[tilespmem:s12+$0xFFFFFEE0] =	vst v5  }
0x133: {  	v2 =	vmul.f32 v16, v2;
	[tilespmem:s12+$0xFFFFFEF0] =	vst v1  }
0x134: {  	v17 =	vmul.f32 v17, v4;
	[tilespmem:s12+$0xFFFFFF00] =	vst v6  }
0x135: {  	v0 =	vmul.f32 v18, v0;
	[tilespmem:s12+$0xFFFFFF10] =	vst v2  }
0x136: {  	v18 =	vmul.f32 v19, v3;
	[tilespmem:s12+$0xFFFFFF20] =	vst v17  }
0x137: {  	v19 =	vmul.f32 v20, v63;
	[tilespmem:s12+$0xFFFFFF30] =	vst v0  }
0x138: {  	v20 =	vmul.f32 v21, v49;
	[tilespmem:s12+$0xFFFFFF40] =	vst v18  }
0x139: {  	v21 =	vmul.f32 v22, v47;
	[tilespmem:s12+$0xFFFFFF50] =	vst v19  }
0x13a: {  	v22 =	vmul.f32 v23, v51;
	[tilespmem:s12+$0xFFFFFF70] =	vst v20  }
0x13b: {  	v23 =	vmul.f32 v24, v48;
	[tilespmem:s12+$0xFFFFFF80] =	vst v21  }
0x13c: {  	v24 =	vmul.f32 v25, v52;
	[tilespmem:s12+$0xFFFFFF90] =	vst v22  }
0x13d: {  	v25 =	vmul.f32 v26, v50;
	[tilespmem:s12+$0xFFFFFFA0] =	vst v23  }
0x13e: {  	v26 =	vmul.f32 v28, v62;
	[tilespmem:s12+$0xFFFFFFB0] =	vst v24  }
0x13f: {  	v28 =	vmul.f32 v27, v61;
	[tilespmem:s12+$0xFFFFFFC0] =	vst v25  }
0x140: {  	v47 =	vmul.f32 v29, v60;
	[tilespmem:s12+$0xFFFFFFD0] =	vst v26  }
0x141: {  	v48 =	vmul.f32 v30, v58;
	[tilespmem:s12+$0xFFFFFFE0] =	vst v28  }
0x142: {  	v49 =	vmul.f32 v32, v59;
	[tilespmem:s12+$0x0] =	vst v47  }
0x143: {  	v50 =	vmul.f32 v39, v57;
	[tilespmem:s12+$0x10] =	vst v48  }
0x144: {  	v51 =	vmul.f32 v37, v56;
	[tilespmem:s12+$0x20] =	vst v49  }
0x145: {  	v52 =	vmul.f32 v40, v55;
	[tilespmem:s12+$0x30] =	vst v50  }
0x146: {  	v55 =	vmul.f32 v34, v54;
	[tilespmem:s12+$0x40] =	vst v51  }
0x147: {  	v56 =	vmul.f32 v43, v53;
	[tilespmem:s12+$0x50] =	vst v52  }
0x148: {  	v57 =	vmul.f32 v33, v10;
	[tilespmem:s12+$0x60] =	vst v55  }
0x149: {  	v58 =	vmul.f32 v35, v12;
	[tilespmem:s12+$0x70] =	vst v56  }
0x14a: {  	v59 =	vmul.f32 v36, v9;
	[tilespmem:s12+$0x90] =	vst v57  }
0x14b: {  	v60 =	vmul.f32 v38, v11;
	[tilespmem:s12+$0xA0] =	vst v58  }
0x14c: {  	v61 =	vperm.xlane v31, v7;
	v62 =	vmul.f32 v41, v46;
	[tilespmem:s12+$0xB0] =	vst v59  }
0x14d: {  	v63 =	vmul.f32 v42, v45;
	[tilespmem:s12+$0xC0] =	vst v60  }
0x14e: {  	v1 =	vmul.f32 v44, v61;
	[tilespmem:s12+$0xD0] =	vst v62  }
0x14f: {  	s11 =	smin.u32 s11, $0x68;
	s10 =	sadd.s32 $0x1, s10;
	[tilespmem:s12+$0xE0] =	vst v63  }
0x150: {  	s11 =	smul.u32 $0xC0, s11;
	p0 =	sne.s32 s10, $0x36;
	[tilespmem:s12+$0xF0] =	vst v1  }
0x151: {  	[spmem:s3] =	stream.indirect.scatter.add.f32 [tilespmem:s26], [sflag:$0x7], $0x90, s28, s22, $0xb8;
	[tilespmem:$0x1DD00] =	vst v63  }
.Ltmp3:
0x152: {  	_ = 	snop;
	(pc) =	sbr.rel @p0 .LBB2_4-.Ltmp3, $4  }
0x153: {  	s11 =	sadd.s32 s11, s17;
	_ =	swait.ge [sflag:s21], $0x3600  }
0x154: {  	v43 =	vimm.s32 $0x1;
	v33 =	vimm.s32 $0x4;
	s11 =	sshrl.u32 s11, $0x3;
	[sflag:s21] =	ssyncset.done $0x0  }
0x155: {  	v34 =	vimm.s32 $0x5;
	v54 =	vimm.s32 $0x6;
	v38 =	vimm.s32 $0x0;
	s11 =	sadd.s32 s6, s11;
	[sflag:s21] =	ssyncadd.s32 $0xFFFFCA00  }
0x156: {  	v11 =	vimm.s32 $0x7;
	v46 =	vimm.s32 $0x3;
	v45 =	vimm.s32 $0x2;
	[tilespmem:s24], [sflag:$0x2] =	stream.linear.gather [hbm4b:s11+s4], $0xC0, $0x38;
	[tilespmem:$0x1DD00] =	vst v63  }
0x157: {  	_ =	swait.ge [sflag:s30], $0x3600  }
0x158: {  	[sflag:s30] =	ssyncset.done $0x0  }
0x159: {  	[sflag:s30] =	ssyncadd.s32 $0xFFFFCA00  }
0x15a: {  	_ =	swait.ge [sflag:s31], $0x600  }
0x15b: {  	[sflag:s31] =	ssyncset.done $0x0  }
0x15c: {  	[sflag:s31] =	ssyncadd.s32 $0xFFFFFA00  }
0x15d: {  	_ =	swait.ge [sflag:s25], $0xC0  }
0x15e: {  	s10 =	stileid.u32;
	[sflag:s25] =	ssyncset.done $0x0  }
0x15f: {  	s11 =	sshrl.u32 s7, $0x3;
	s9 =	sadd.s32 $0x1, s9;
	[sflag:s25] =	ssyncadd.s32 $0xFFFFFF40  }
0x160: {  	s10 =	sshll.u32 s10, $0x6;
	p0 =	sne.s32 s9, s19;
	[bflag:$0x0] =	sbarrier.arrive $0xFFFF  }
.Ltmp4:
0x161: {  	s10 =	sor.u32 $0x1C07, s10;
	s12 =	rddreg [dreg:$0xb];
	(pc) =	sbr.rel @p0 .LBB2_1-.Ltmp4, $4  }
0x162: {  	[hbm:s12], [sflag:s10] =	dma.local [spmem:s11], $0x2C70  }
0x163: {  	_ =	swait.ge [sflag:s21], $0x2C70  }
0x164: {  	[sflag:s21] =	ssyncset.done $0x0  }
0x165: {  	v0 =	vimm.f32 $0.0e+00;
	[sflag:s21] =	ssyncadd.s32 $0xFFFFD390  }
0x166: {  	_ =	sfence.sel $0x180000  }
0x167: {  	[bflag:$0x0] =	sbarrier.arrive $0xFFFF  }
0x168: {  	_ =	strace $0x90000047  }
0x169: {  	s0 =	stileid.u32;
	[bflag:$0x2] =	sbarrier.arrive $0xFFFF  }
0x16a: {  	p0 =	sne.s32 s0, $0x0;
	s0 =	rddreg [dreg:$0x3]  }
0x16b: {  	s0 =	sadd.s32 @!p0 $0x100000, s0  }
0x16c: {  	[sflag:s0] =	ssyncadd.tile.s32 @!p0 $0x1;
	_ =	shalt  }
.Lfunc_end2:
_tile_overlayer_lowered:
.L_overlay_start_2:
0x16d: {  	(tag) =	ssettag $0x2  }
0x16e: {  	s0 =	rddreg [dreg:$0x0];
	s2 =	stileid.u32  }
0x16f: {  	s1 =	rddreg [dreg:$0x1];
	p0 =	sne.s32 s2, $0x0  }
0x170: {  	s3 =	rddreg [dreg:$0x2];
	[bflag:$0x3] =	sbarrier.arrive $0xFFFF;
	s2 =	simm.s32 @!p0 $0x1C07  }
0x171: {  	[timem:s3], [sflag:s2] =	dma.local @!p0 [hbm:s0], s1  }
0x172: {  	s0 =	simm.s32 @!p0 $0x7  }
0x173: {  	_ =	swait.ge @!p0 [sflag:s0], s1  }
0x174: {  	s1 =	ssub.s32 @!p0 $0x0, s1;
	[sflag:s0] =	ssyncset.done @!p0 $0x0  }
0x175: {  	[sflag:s0] =	ssyncadd.s32 @!p0 s1  }
0x176: {  	[bflag:$0x3] =	sbarrier.arrive $0xFFFF  }
0x177: {  	_ =	shalt  }

</sc_bundles>
